<compile_context>
chip_gen: v7x
topology: tpu7x:2x2x1
jax: 0.10.2.dev20260603
libtpu: 0.0.44.dev20260713+nightly
codegen_flags: <defaults>
</compile_context>

<pallas_src>
import jax
import jax.numpy as jnp
from jax import lax
from jax.experimental import pallas as pl
from jax.experimental.pallas import tpu as pltpu
from jax.experimental.pallas import tpu_sc as plsc

BATCH = 16384
HIST = 200

NUM_CORES = 2
NUM_SUBCORES = 16
NUM_WORKERS = NUM_CORES * NUM_SUBCORES
PER_WORKER = BATCH // NUM_WORKERS
BCH = 128
NUM_CHUNKS = PER_WORKER // BCH
LANES = 16
SCALE = 2.0 / 3.0


def _sc_body(x_hbm, y_hbm, out_hbm, xv, yv, outv, semx, semy, semo):
    wid = lax.axis_index("s") * NUM_CORES + lax.axis_index("c")
    base = wid * PER_WORKER

    def in_copies(c):
        b0 = base + c * BCH
        cx = pltpu.make_async_copy(x_hbm.at[:, pl.ds(b0, BCH)], xv, semx)
        cy = pltpu.make_async_copy(y_hbm.at[:, pl.ds(b0, BCH)], yv, semy)
        return cx, cy

    def out_copy(c):
        b0 = base + c * BCH
        return pltpu.make_async_copy(outv, out_hbm.at[:, :, pl.ds(b0, BCH)], semo)

    cx, cy = in_copies(0)
    cx.start()
    cy.start()
    for c in range(NUM_CHUNKS):
        cx, cy = in_copies(c)
        cx.wait()
        cy.wait()
        if c > 0:
            out_copy(c - 1).wait()

        def h_body(h, carry2):
            for bg in range(BCH // LANES):
                sl = pl.ds(bg * LANES, LANES)
                vx = xv[h, sl]
                vy = yv[h, sl]
                outv[0, h, sl] = vx.astype(jnp.float32) * SCALE - 1.0
                outv[1, h, sl] = vy.astype(jnp.float32) * SCALE - 1.0
            return carry2

        lax.fori_loop(0, HIST, h_body, 0, unroll=2)
        out_copy(c).start()
        if c + 1 < NUM_CHUNKS:
            nx, ny = in_copies(c + 1)
            nx.start()
            ny.start()
    out_copy(NUM_CHUNKS - 1).wait()


@jax.jit
def kernel(x_x, x_y):
    mesh = plsc.VectorSubcoreMesh(core_axis_name="c", subcore_axis_name="s")
    val = pl.kernel(
        _sc_body,
        out_type=jax.ShapeDtypeStruct((2, HIST, BATCH), jnp.float32),
        mesh=mesh,
        scratch_types=[
            pltpu.VMEM((HIST, BCH), jnp.int32),
            pltpu.VMEM((HIST, BCH), jnp.int32),
            pltpu.VMEM((2, HIST, BCH), jnp.float32),
            pltpu.SemaphoreType.DMA,
            pltpu.SemaphoreType.DMA,
            pltpu.SemaphoreType.DMA,
        ],
        compiler_params=pltpu.CompilerParams(needs_layout_passes=False),
    )(x_x.T, x_y.T)
    return jnp.transpose(val, (2, 1, 0)).astype(jnp.complex64)

# --- scband reference (transcript-rebuilt; emitter-appended) ---
"""Pipeline reference for scband-ammodulator-17884243821058 (READ-ONLY COPY).

The authoritative reference and input builder live on the scoring server;
editing this copy changes nothing except your own understanding.
"""

import jax, jax.numpy as jnp
import numpy as np

NUM_CONSTELLATION_POINTS = 4
BATCH = 16384
HIST = 200


def setup_inputs(seed: int = 0) -> dict:
    key = jax.random.key(seed)
    k1, k2 = jax.random.split(key)
    x_x = jax.random.randint(k1, (BATCH, HIST), 0, NUM_CONSTELLATION_POINTS, dtype=jnp.int32)
    x_y = jax.random.randint(k2, (BATCH, HIST), 0, NUM_CONSTELLATION_POINTS, dtype=jnp.int32)
    return {"x_x": x_x, "x_y": x_y}


def reference(x_x, x_y):
    # levels = torch.linspace(-1, 1, num_constellation_points)
    levels = jnp.linspace(-1.0, 1.0, NUM_CONSTELLATION_POINTS, dtype=jnp.float32)
    # x_x_mod = levels[x_x.long()]  (embedding-style gather)
    x_x_mod = jnp.take(levels, x_x.astype(jnp.int32), axis=0)
    x_y_mod = jnp.take(levels, x_y.astype(jnp.int32), axis=0)
    # torch.stack((x_x_mod, x_y_mod), dim=-1).to(torch.complex64)
    out = jnp.stack((x_x_mod, x_y_mod), axis=-1).astype(jnp.complex64)
    return out

if __name__ == "__main__":
    import jax
    _d = setup_inputs()
    print(jax.jit(kernel)(*tuple(_d.values())))

</pallas_src>

<mosaic_0001>
#map = affine_map<(d0, d1) -> (0, 0)>
#map1 = affine_map<(d0, d1) -> (0, 0, 0)>
module attributes {stable_mosaic.version = 14 : i64} {
  func.func @_sc_body(%arg0: i32, %arg1: i32, %arg2: memref<200x16384xi32, #tpu.memory_space<hbm>>, %arg3: memref<200x16384xi32, #tpu.memory_space<hbm>>, %arg4: memref<2x200x16384xf32, #tpu.memory_space<hbm>>, %arg5: memref<200x128xi32, #tpu.memory_space<vmem>>, %arg6: memref<200x128xi32, #tpu.memory_space<vmem>>, %arg7: memref<2x200x128xf32, #tpu.memory_space<vmem>>, %arg8: memref<!tpu.dma_semaphore, #tpu.memory_space<semaphore_mem>>, %arg9: memref<!tpu.dma_semaphore, #tpu.memory_space<semaphore_mem>>, %arg10: memref<!tpu.dma_semaphore, #tpu.memory_space<semaphore_mem>>) attributes {dimension_semantics = [#tpu.dimension_semantics<core_parallel>, #tpu.dimension_semantics<subcore_parallel>], iteration_bounds = array<i64: 2, 16>, scalar_prefetch = 0 : i64, scratch_operands = 6 : i64, tpu.core_type = #tpu.core_type<sc_vector_subcore>, window_params = [{transform_indices = #map}, {transform_indices = #map}, {transform_indices = #map1}]} {
    %mul3A = arith.constant 2 : i32
    %mul3A_0 = arith.muli %arg1, %mul3A : i32
    %add3A = arith.addi %mul3A_0, %arg0 : i32
    %mul3A_1 = arith.constant 512 : i32
    %mul3A_2 = arith.muli %add3A, %mul3A_1 : i32
    %add3A_3 = arith.constant 0 : i32
    %add3A_4 = arith.addi %mul3A_2, %add3A_3 : i32
    %dma_start3A = arith.constant 0 : i32
    %dma_start3A_5 = tpu.memref_slice %arg2[%dma_start3A, %add3A_4] : memref<200x16384xi32, #tpu.memory_space<hbm>> -> memref<200x128xi32, #tpu.memory_space<hbm>>
    %dma_start3A_6 = arith.constant 0 : i32
    %dma_start3A_7 = tpu.memref_slice %arg2[%dma_start3A_6, %add3A_4] : memref<200x16384xi32, #tpu.memory_space<hbm>> -> memref<200x128xi32, #tpu.memory_space<hbm>>
    tpu.enqueue_dma source(%dma_start3A_7 : memref<200x128xi32, #tpu.memory_space<hbm>>) target(%arg5 : memref<200x128xi32, #tpu.memory_space<vmem>>) target_semaphore(%arg8 : memref<!tpu.dma_semaphore, #tpu.memory_space<semaphore_mem>>)
    %dma_start3A_8 = arith.constant 0 : i32
    %dma_start3A_9 = tpu.memref_slice %arg3[%dma_start3A_8, %add3A_4] : memref<200x16384xi32, #tpu.memory_space<hbm>> -> memref<200x128xi32, #tpu.memory_space<hbm>>
    %dma_start3A_10 = arith.constant 0 : i32
    %dma_start3A_11 = tpu.memref_slice %arg3[%dma_start3A_10, %add3A_4] : memref<200x16384xi32, #tpu.memory_space<hbm>> -> memref<200x128xi32, #tpu.memory_space<hbm>>
    tpu.enqueue_dma source(%dma_start3A_11 : memref<200x128xi32, #tpu.memory_space<hbm>>) target(%arg6 : memref<200x128xi32, #tpu.memory_space<vmem>>) target_semaphore(%arg9 : memref<!tpu.dma_semaphore, #tpu.memory_space<semaphore_mem>>)
    %add3A_12 = arith.constant 0 : i32
    %add3A_13 = arith.addi %mul3A_2, %add3A_12 : i32
    %dma_wait3A = arith.constant 0 : i32
    %dma_wait3A_14 = tpu.memref_slice %arg2[%dma_wait3A, %add3A_13] : memref<200x16384xi32, #tpu.memory_space<hbm>> -> memref<200x128xi32, #tpu.memory_space<hbm>>
    %dma_wait3A_15 = arith.constant 0 : i32
    %dma_wait3A_16 = tpu.memref_slice %arg2[%dma_wait3A_15, %add3A_13] : memref<200x16384xi32, #tpu.memory_space<hbm>> -> memref<200x128xi32, #tpu.memory_space<hbm>>
    tpu.wait_dma2 semaphore(%arg8 : memref<!tpu.dma_semaphore, #tpu.memory_space<semaphore_mem>>) src(%dma_wait3A_16 : memref<200x128xi32, #tpu.memory_space<hbm>>) dst(%arg5 : memref<200x128xi32, #tpu.memory_space<vmem>>)
    %dma_wait3A_17 = arith.constant 0 : i32
    %dma_wait3A_18 = tpu.memref_slice %arg3[%dma_wait3A_17, %add3A_13] : memref<200x16384xi32, #tpu.memory_space<hbm>> -> memref<200x128xi32, #tpu.memory_space<hbm>>
    %dma_wait3A_19 = arith.constant 0 : i32
    %dma_wait3A_20 = tpu.memref_slice %arg3[%dma_wait3A_19, %add3A_13] : memref<200x16384xi32, #tpu.memory_space<hbm>> -> memref<200x128xi32, #tpu.memory_space<hbm>>
    tpu.wait_dma2 semaphore(%arg9 : memref<!tpu.dma_semaphore, #tpu.memory_space<semaphore_mem>>) src(%dma_wait3A_20 : memref<200x128xi32, #tpu.memory_space<hbm>>) dst(%arg6 : memref<200x128xi32, #tpu.memory_space<vmem>>)
    %scan3A = arith.constant 0 : i32
    %scan3A_21 = arith.constant 0 : i32
    %scan3A_22 = arith.constant 200 : i32
    %scan3A_23 = arith.addi %scan3A_21, %scan3A_22 : i32
    %scan3A_24 = arith.constant 2 : i32
    scf.for %scan3A_168 = %scan3A_21 to %scan3A_23 step %scan3A_24  : i32 {
      %get3A = arith.index_cast %scan3A_168 : i32 to index
      %get3A_169 = arith.constant 0 : index
      %get3A_170 = tpu.vector_load %arg5[%get3A, %get3A_169] {strides = array<i32>} : memref<200x128xi32, #tpu.memory_space<vmem>>, vector<16xi32>,
      %get3A_171 = arith.index_cast %scan3A_168 : i32 to index
      %get3A_172 = arith.constant 0 : index
      %get3A_173 = tpu.vector_load %arg6[%get3A_171, %get3A_172] {strides = array<i32>} : memref<200x128xi32, #tpu.memory_space<vmem>>, vector<16xi32>,
      %convert_element_type3A = arith.sitofp %get3A_170 : vector<16xi32> to vector<16xf32>
      %mul3A_174 = arith.constant 0.666666686 : f32
      %mul3A_175 = vector.broadcast %mul3A_174 : f32 to vector<16xf32>
      %mul3A_176 = arith.mulf %convert_element_type3A, %mul3A_175 : vector<16xf32>
      %sub3A = arith.constant 1.000000e+00 : f32
      %sub3A_177 = vector.broadcast %sub3A : f32 to vector<16xf32>
      %sub3A_178 = arith.subf %mul3A_176, %sub3A_177 : vector<16xf32>
      %swap3A = arith.constant 0 : i32
      %swap3A_179 = arith.index_cast %swap3A : i32 to index
      %swap3A_180 = arith.index_cast %scan3A_168 : i32 to index
      %swap3A_181 = arith.constant 0 : index
      %swap3A_182 = tpu.vector_load %arg7[%swap3A_179, %swap3A_180, %swap3A_181] {strides = array<i32>} : memref<2x200x128xf32, #tpu.memory_space<vmem>>, vector<16xf32>,
      tpu.vector_store %arg7[%swap3A_179, %swap3A_180, %swap3A_181], %sub3A_178 {strides = array<i32>} : memref<2x200x128xf32, #tpu.memory_space<vmem>>, vector<16xf32>,
      %convert_element_type3A_183 = arith.sitofp %get3A_173 : vector<16xi32> to vector<16xf32>
      %mul3A_184 = arith.constant 0.666666686 : f32
      %mul3A_185 = vector.broadcast %mul3A_184 : f32 to vector<16xf32>
      %mul3A_186 = arith.mulf %convert_element_type3A_183, %mul3A_185 : vector<16xf32>
      %sub3A_187 = arith.constant 1.000000e+00 : f32
      %sub3A_188 = vector.broadcast %sub3A_187 : f32 to vector<16xf32>
      %sub3A_189 = arith.subf %mul3A_186, %sub3A_188 : vector<16xf32>
      %swap3A_190 = arith.constant 1 : i32
      %swap3A_191 = arith.index_cast %swap3A_190 : i32 to index
      %swap3A_192 = arith.index_cast %scan3A_168 : i32 to index
      %swap3A_193 = arith.constant 0 : index
      %swap3A_194 = tpu.vector_load %arg7[%swap3A_191, %swap3A_192, %swap3A_193] {strides = array<i32>} : memref<2x200x128xf32, #tpu.memory_space<vmem>>, vector<16xf32>,
      tpu.vector_store %arg7[%swap3A_191, %swap3A_192, %swap3A_193], %sub3A_189 {strides = array<i32>} : memref<2x200x128xf32, #tpu.memory_space<vmem>>, vector<16xf32>,
      %get3A_195 = arith.index_cast %scan3A_168 : i32 to index
      %get3A_196 = arith.constant 16 : index
      %get3A_197 = tpu.vector_load %arg5[%get3A_195, %get3A_196] {strides = array<i32>} : memref<200x128xi32, #tpu.memory_space<vmem>>, vector<16xi32>,
      %get3A_198 = arith.index_cast %scan3A_168 : i32 to index
      %get3A_199 = arith.constant 16 : index
      %get3A_200 = tpu.vector_load %arg6[%get3A_198, %get3A_199] {strides = array<i32>} : memref<200x128xi32, #tpu.memory_space<vmem>>, vector<16xi32>,
      %convert_element_type3A_201 = arith.sitofp %get3A_197 : vector<16xi32> to vector<16xf32>
      %mul3A_202 = arith.constant 0.666666686 : f32
      %mul3A_203 = vector.broadcast %mul3A_202 : f32 to vector<16xf32>
      %mul3A_204 = arith.mulf %convert_element_type3A_201, %mul3A_203 : vector<16xf32>
      %sub3A_205 = arith.constant 1.000000e+00 : f32
      %sub3A_206 = vector.broadcast %sub3A_205 : f32 to vector<16xf32>
      %sub3A_207 = arith.subf %mul3A_204, %sub3A_206 : vector<16xf32>
      %swap3A_208 = arith.constant 0 : i32
      %swap3A_209 = arith.index_cast %swap3A_208 : i32 to index
      %swap3A_210 = arith.index_cast %scan3A_168 : i32 to index
      %swap3A_211 = arith.constant 16 : index
      %swap3A_212 = tpu.vector_load %arg7[%swap3A_209, %swap3A_210, %swap3A_211] {strides = array<i32>} : memref<2x200x128xf32, #tpu.memory_space<vmem>>, vector<16xf32>,
      tpu.vector_store %arg7[%swap3A_209, %swap3A_210, %swap3A_211], %sub3A_207 {strides = array<i32>} : memref<2x200x128xf32, #tpu.memory_space<vmem>>, vector<16xf32>,
      %convert_element_type3A_213 = arith.sitofp %get3A_200 : vector<16xi32> to vector<16xf32>
      %mul3A_214 = arith.constant 0.666666686 : f32
      %mul3A_215 = vector.broadcast %mul3A_214 : f32 to vector<16xf32>
      %mul3A_216 = arith.mulf %convert_element_type3A_213, %mul3A_215 : vector<16xf32>
      %sub3A_217 = arith.constant 1.000000e+00 : f32
      %sub3A_218 = vector.broadcast %sub3A_217 : f32 to vector<16xf32>
      %sub3A_219 = arith.subf %mul3A_216, %sub3A_218 : vector<16xf32>
      %swap3A_220 = arith.constant 1 : i32
      %swap3A_221 = arith.index_cast %swap3A_220 : i32 to index
      %swap3A_222 = arith.index_cast %scan3A_168 : i32 to index
      %swap3A_223 = arith.constant 16 : index
      %swap3A_224 = tpu.vector_load %arg7[%swap3A_221, %swap3A_222, %swap3A_223] {strides = array<i32>} : memref<2x200x128xf32, #tpu.memory_space<vmem>>, vector<16xf32>,
      tpu.vector_store %arg7[%swap3A_221, %swap3A_222, %swap3A_223], %sub3A_219 {strides = array<i32>} : memref<2x200x128xf32, #tpu.memory_space<vmem>>, vector<16xf32>,
      %get3A_225 = arith.index_cast %scan3A_168 : i32 to index
      %get3A_226 = arith.constant 32 : index
      %get3A_227 = tpu.vector_load %arg5[%get3A_225, %get3A_226] {strides = array<i32>} : memref<200x128xi32, #tpu.memory_space<vmem>>, vector<16xi32>,
      %get3A_228 = arith.index_cast %scan3A_168 : i32 to index
      %get3A_229 = arith.constant 32 : index
      %get3A_230 = tpu.vector_load %arg6[%get3A_228, %get3A_229] {strides = array<i32>} : memref<200x128xi32, #tpu.memory_space<vmem>>, vector<16xi32>,
      %convert_element_type3A_231 = arith.sitofp %get3A_227 : vector<16xi32> to vector<16xf32>
      %mul3A_232 = arith.constant 0.666666686 : f32
      %mul3A_233 = vector.broadcast %mul3A_232 : f32 to vector<16xf32>
      %mul3A_234 = arith.mulf %convert_element_type3A_231, %mul3A_233 : vector<16xf32>
      %sub3A_235 = arith.constant 1.000000e+00 : f32
      %sub3A_236 = vector.broadcast %sub3A_235 : f32 to vector<16xf32>
      %sub3A_237 = arith.subf %mul3A_234, %sub3A_236 : vector<16xf32>
      %swap3A_238 = arith.constant 0 : i32
      %swap3A_239 = arith.index_cast %swap3A_238 : i32 to index
      %swap3A_240 = arith.index_cast %scan3A_168 : i32 to index
      %swap3A_241 = arith.constant 32 : index
      %swap3A_242 = tpu.vector_load %arg7[%swap3A_239, %swap3A_240, %swap3A_241] {strides = array<i32>} : memref<2x200x128xf32, #tpu.memory_space<vmem>>, vector<16xf32>,
      tpu.vector_store %arg7[%swap3A_239, %swap3A_240, %swap3A_241], %sub3A_237 {strides = array<i32>} : memref<2x200x128xf32, #tpu.memory_space<vmem>>, vector<16xf32>,
      %convert_element_type3A_243 = arith.sitofp %get3A_230 : vector<16xi32> to vector<16xf32>
      %mul3A_244 = arith.constant 0.666666686 : f32
      %mul3A_245 = vector.broadcast %mul3A_244 : f32 to vector<16xf32>
      %mul3A_246 = arith.mulf %convert_element_type3A_243, %mul3A_245 : vector<16xf32>
      %sub3A_247 = arith.constant 1.000000e+00 : f32
      %sub3A_248 = vector.broadcast %sub3A_247 : f32 to vector<16xf32>
      %sub3A_249 = arith.subf %mul3A_246, %sub3A_248 : vector<16xf32>
      %swap3A_250 = arith.constant 1 : i32
      %swap3A_251 = arith.index_cast %swap3A_250 : i32 to index
      %swap3A_252 = arith.index_cast %scan3A_168 : i32 to index
      %swap3A_253 = arith.constant 32 : index
      %swap3A_254 = tpu.vector_load %arg7[%swap3A_251, %swap3A_252, %swap3A_253] {strides = array<i32>} : memref<2x200x128xf32, #tpu.memory_space<vmem>>, vector<16xf32>,
      tpu.vector_store %arg7[%swap3A_251, %swap3A_252, %swap3A_253], %sub3A_249 {strides = array<i32>} : memref<2x200x128xf32, #tpu.memory_space<vmem>>, vector<16xf32>,
      %get3A_255 = arith.index_cast %scan3A_168 : i32 to index
      %get3A_256 = arith.constant 48 : index
      %get3A_257 = tpu.vector_load %arg5[%get3A_255, %get3A_256] {strides = array<i32>} : memref<200x128xi32, #tpu.memory_space<vmem>>, vector<16xi32>,
      %get3A_258 = arith.index_cast %scan3A_168 : i32 to index
      %get3A_259 = arith.constant 48 : index
      %get3A_260 = tpu.vector_load %arg6[%get3A_258, %get3A_259] {strides = array<i32>} : memref<200x128xi32, #tpu.memory_space<vmem>>, vector<16xi32>,
      %convert_element_type3A_261 = arith.sitofp %get3A_257 : vector<16xi32> to vector<16xf32>
      %mul3A_262 = arith.constant 0.666666686 : f32
      %mul3A_263 = vector.broadcast %mul3A_262 : f32 to vector<16xf32>
      %mul3A_264 = arith.mulf %convert_element_type3A_261, %mul3A_263 : vector<16xf32>
      %sub3A_265 = arith.constant 1.000000e+00 : f32
      %sub3A_266 = vector.broadcast %sub3A_265 : f32 to vector<16xf32>
      %sub3A_267 = arith.subf %mul3A_264, %sub3A_266 : vector<16xf32>
      %swap3A_268 = arith.constant 0 : i32
      %swap3A_269 = arith.index_cast %swap3A_268 : i32 to index
      %swap3A_270 = arith.index_cast %scan3A_168 : i32 to index
      %swap3A_271 = arith.constant 48 : index
      %swap3A_272 = tpu.vector_load %arg7[%swap3A_269, %swap3A_270, %swap3A_271] {strides = array<i32>} : memref<2x200x128xf32, #tpu.memory_space<vmem>>, vector<16xf32>,
      tpu.vector_store %arg7[%swap3A_269, %swap3A_270, %swap3A_271], %sub3A_267 {strides = array<i32>} : memref<2x200x128xf32, #tpu.memory_space<vmem>>, vector<16xf32>,
      %convert_element_type3A_273 = arith.sitofp %get3A_260 : vector<16xi32> to vector<16xf32>
      %mul3A_274 = arith.constant 0.666666686 : f32
      %mul3A_275 = vector.broadcast %mul3A_274 : f32 to vector<16xf32>
      %mul3A_276 = arith.mulf %convert_element_type3A_273, %mul3A_275 : vector<16xf32>
      %sub3A_277 = arith.constant 1.000000e+00 : f32
      %sub3A_278 = vector.broadcast %sub3A_277 : f32 to vector<16xf32>
      %sub3A_279 = arith.subf %mul3A_276, %sub3A_278 : vector<16xf32>
      %swap3A_280 = arith.constant 1 : i32
      %swap3A_281 = arith.index_cast %swap3A_280 : i32 to index
      %swap3A_282 = arith.index_cast %scan3A_168 : i32 to index
      %swap3A_283 = arith.constant 48 : index
      %swap3A_284 = tpu.vector_load %arg7[%swap3A_281, %swap3A_282, %swap3A_283] {strides = array<i32>} : memref<2x200x128xf32, #tpu.memory_space<vmem>>, vector<16xf32>,
      tpu.vector_store %arg7[%swap3A_281, %swap3A_282, %swap3A_283], %sub3A_279 {strides = array<i32>} : memref<2x200x128xf32, #tpu.memory_space<vmem>>, vector<16xf32>,
      %get3A_285 = arith.index_cast %scan3A_168 : i32 to index
      %get3A_286 = arith.constant 64 : index
      %get3A_287 = tpu.vector_load %arg5[%get3A_285, %get3A_286] {strides = array<i32>} : memref<200x128xi32, #tpu.memory_space<vmem>>, vector<16xi32>,
      %get3A_288 = arith.index_cast %scan3A_168 : i32 to index
      %get3A_289 = arith.constant 64 : index
      %get3A_290 = tpu.vector_load %arg6[%get3A_288, %get3A_289] {strides = array<i32>} : memref<200x128xi32, #tpu.memory_space<vmem>>, vector<16xi32>,
      %convert_element_type3A_291 = arith.sitofp %get3A_287 : vector<16xi32> to vector<16xf32>
      %mul3A_292 = arith.constant 0.666666686 : f32
      %mul3A_293 = vector.broadcast %mul3A_292 : f32 to vector<16xf32>
      %mul3A_294 = arith.mulf %convert_element_type3A_291, %mul3A_293 : vector<16xf32>
      %sub3A_295 = arith.constant 1.000000e+00 : f32
      %sub3A_296 = vector.broadcast %sub3A_295 : f32 to vector<16xf32>
      %sub3A_297 = arith.subf %mul3A_294, %sub3A_296 : vector<16xf32>
      %swap3A_298 = arith.constant 0 : i32
      %swap3A_299 = arith.index_cast %swap3A_298 : i32 to index
      %swap3A_300 = arith.index_cast %scan3A_168 : i32 to index
      %swap3A_301 = arith.constant 64 : index
      %swap3A_302 = tpu.vector_load %arg7[%swap3A_299, %swap3A_300, %swap3A_301] {strides = array<i32>} : memref<2x200x128xf32, #tpu.memory_space<vmem>>, vector<16xf32>,
      tpu.vector_store %arg7[%swap3A_299, %swap3A_300, %swap3A_301], %sub3A_297 {strides = array<i32>} : memref<2x200x128xf32, #tpu.memory_space<vmem>>, vector<16xf32>,
      %convert_element_type3A_303 = arith.sitofp %get3A_290 : vector<16xi32> to vector<16xf32>
      %mul3A_304 = arith.constant 0.666666686 : f32
      %mul3A_305 = vector.broadcast %mul3A_304 : f32 to vector<16xf32>
      %mul3A_306 = arith.mulf %convert_element_type3A_303, %mul3A_305 : vector<16xf32>
      %sub3A_307 = arith.constant 1.000000e+00 : f32
      %sub3A_308 = vector.broadcast %sub3A_307 : f32 to vector<16xf32>
      %sub3A_309 = arith.subf %mul3A_306, %sub3A_308 : vector<16xf32>
      %swap3A_310 = arith.constant 1 : i32
      %swap3A_311 = arith.index_cast %swap3A_310 : i32 to index
      %swap3A_312 = arith.index_cast %scan3A_168 : i32 to index
      %swap3A_313 = arith.constant 64 : index
      %swap3A_314 = tpu.vector_load %arg7[%swap3A_311, %swap3A_312, %swap3A_313] {strides = array<i32>} : memref<2x200x128xf32, #tpu.memory_space<vmem>>, vector<16xf32>,
      tpu.vector_store %arg7[%swap3A_311, %swap3A_312, %swap3A_313], %sub3A_309 {strides = array<i32>} : memref<2x200x128xf32, #tpu.memory_space<vmem>>, vector<16xf32>,
      %get3A_315 = arith.index_cast %scan3A_168 : i32 to index
      %get3A_316 = arith.constant 80 : index
      %get3A_317 = tpu.vector_load %arg5[%get3A_315, %get3A_316] {strides = array<i32>} : memref<200x128xi32, #tpu.memory_space<vmem>>, vector<16xi32>,
      %get3A_318 = arith.index_cast %scan3A_168 : i32 to index
      %get3A_319 = arith.constant 80 : index
      %get3A_320 = tpu.vector_load %arg6[%get3A_318, %get3A_319] {strides = array<i32>} : memref<200x128xi32, #tpu.memory_space<vmem>>, vector<16xi32>,
      %convert_element_type3A_321 = arith.sitofp %get3A_317 : vector<16xi32> to vector<16xf32>
      %mul3A_322 = arith.constant 0.666666686 : f32
      %mul3A_323 = vector.broadcast %mul3A_322 : f32 to vector<16xf32>
      %mul3A_324 = arith.mulf %convert_element_type3A_321, %mul3A_323 : vector<16xf32>
      %sub3A_325 = arith.constant 1.000000e+00 : f32
      %sub3A_326 = vector.broadcast %sub3A_325 : f32 to vector<16xf32>
      %sub3A_327 = arith.subf %mul3A_324, %sub3A_326 : vector<16xf32>
      %swap3A_328 = arith.constant 0 : i32
      %swap3A_329 = arith.index_cast %swap3A_328 : i32 to index
      %swap3A_330 = arith.index_cast %scan3A_168 : i32 to index
      %swap3A_331 = arith.constant 80 : index
      %swap3A_332 = tpu.vector_load %arg7[%swap3A_329, %swap3A_330, %swap3A_331] {strides = array<i32>} : memref<2x200x128xf32, #tpu.memory_space<vmem>>, vector<16xf32>,
      tpu.vector_store %arg7[%swap3A_329, %swap3A_330, %swap3A_331], %sub3A_327 {strides = array<i32>} : memref<2x200x128xf32, #tpu.memory_space<vmem>>, vector<16xf32>,
      %convert_element_type3A_333 = arith.sitofp %get3A_320 : vector<16xi32> to vector<16xf32>
      %mul3A_334 = arith.constant 0.666666686 : f32
      %mul3A_335 = vector.broadcast %mul3A_334 : f32 to vector<16xf32>
      %mul3A_336 = arith.mulf %convert_element_type3A_333, %mul3A_335 : vector<16xf32>
      %sub3A_337 = arith.constant 1.000000e+00 : f32
      %sub3A_338 = vector.broadcast %sub3A_337 : f32 to vector<16xf32>
      %sub3A_339 = arith.subf %mul3A_336, %sub3A_338 : vector<16xf32>
      %swap3A_340 = arith.constant 1 : i32
      %swap3A_341 = arith.index_cast %swap3A_340 : i32 to index
      %swap3A_342 = arith.index_cast %scan3A_168 : i32 to index
      %swap3A_343 = arith.constant 80 : index
      %swap3A_344 = tpu.vector_load %arg7[%swap3A_341, %swap3A_342, %swap3A_343] {strides = array<i32>} : memref<2x200x128xf32, #tpu.memory_space<vmem>>, vector<16xf32>,
      tpu.vector_store %arg7[%swap3A_341, %swap3A_342, %swap3A_343], %sub3A_339 {strides = array<i32>} : memref<2x200x128xf32, #tpu.memory_space<vmem>>, vector<16xf32>,
      %get3A_345 = arith.index_cast %scan3A_168 : i32 to index
      %get3A_346 = arith.constant 96 : index
      %get3A_347 = tpu.vector_load %arg5[%get3A_345, %get3A_346] {strides = array<i32>} : memref<200x128xi32, #tpu.memory_space<vmem>>, vector<16xi32>,
      %get3A_348 = arith.index_cast %scan3A_168 : i32 to index
      %get3A_349 = arith.constant 96 : index
      %get3A_350 = tpu.vector_load %arg6[%get3A_348, %get3A_349] {strides = array<i32>} : memref<200x128xi32, #tpu.memory_space<vmem>>, vector<16xi32>,
      %convert_element_type3A_351 = arith.sitofp %get3A_347 : vector<16xi32> to vector<16xf32>
      %mul3A_352 = arith.constant 0.666666686 : f32
      %mul3A_353 = vector.broadcast %mul3A_352 : f32 to vector<16xf32>
      %mul3A_354 = arith.mulf %convert_element_type3A_351, %mul3A_353 : vector<16xf32>
      %sub3A_355 = arith.constant 1.000000e+00 : f32
      %sub3A_356 = vector.broadcast %sub3A_355 : f32 to vector<16xf32>
      %sub3A_357 = arith.subf %mul3A_354, %sub3A_356 : vector<16xf32>
      %swap3A_358 = arith.constant 0 : i32
      %swap3A_359 = arith.index_cast %swap3A_358 : i32 to index
      %swap3A_360 = arith.index_cast %scan3A_168 : i32 to index
      %swap3A_361 = arith.constant 96 : index
      %swap3A_362 = tpu.vector_load %arg7[%swap3A_359, %swap3A_360, %swap3A_361] {strides = array<i32>} : memref<2x200x128xf32, #tpu.memory_space<vmem>>, vector<16xf32>,
      tpu.vector_store %arg7[%swap3A_359, %swap3A_360, %swap3A_361], %sub3A_357 {strides = array<i32>} : memref<2x200x128xf32, #tpu.memory_space<vmem>>, vector<16xf32>,
      %convert_element_type3A_363 = arith.sitofp %get3A_350 : vector<16xi32> to vector<16xf32>
      %mul3A_364 = arith.constant 0.666666686 : f32
      %mul3A_365 = vector.broadcast %mul3A_364 : f32 to vector<16xf32>
      %mul3A_366 = arith.mulf %convert_element_type3A_363, %mul3A_365 : vector<16xf32>
      %sub3A_367 = arith.constant 1.000000e+00 : f32
      %sub3A_368 = vector.broadcast %sub3A_367 : f32 to vector<16xf32>
      %sub3A_369 = arith.subf %mul3A_366, %sub3A_368 : vector<16xf32>
      %swap3A_370 = arith.constant 1 : i32
      %swap3A_371 = arith.index_cast %swap3A_370 : i32 to index
      %swap3A_372 = arith.index_cast %scan3A_168 : i32 to index
      %swap3A_373 = arith.constant 96 : index
      %swap3A_374 = tpu.vector_load %arg7[%swap3A_371, %swap3A_372, %swap3A_373] {strides = array<i32>} : memref<2x200x128xf32, #tpu.memory_space<vmem>>, vector<16xf32>,
      tpu.vector_store %arg7[%swap3A_371, %swap3A_372, %swap3A_373], %sub3A_369 {strides = array<i32>} : memref<2x200x128xf32, #tpu.memory_space<vmem>>, vector<16xf32>,
      %get3A_375 = arith.index_cast %scan3A_168 : i32 to index
      %get3A_376 = arith.constant 112 : index
      %get3A_377 = tpu.vector_load %arg5[%get3A_375, %get3A_376] {strides = array<i32>} : memref<200x128xi32, #tpu.memory_space<vmem>>, vector<16xi32>,
      %get3A_378 = arith.index_cast %scan3A_168 : i32 to index
      %get3A_379 = arith.constant 112 : index
      %get3A_380 = tpu.vector_load %arg6[%get3A_378, %get3A_379] {strides = array<i32>} : memref<200x128xi32, #tpu.memory_space<vmem>>, vector<16xi32>,
      %convert_element_type3A_381 = arith.sitofp %get3A_377 : vector<16xi32> to vector<16xf32>
      %mul3A_382 = arith.constant 0.666666686 : f32
      %mul3A_383 = vector.broadcast %mul3A_382 : f32 to vector<16xf32>
      %mul3A_384 = arith.mulf %convert_element_type3A_381, %mul3A_383 : vector<16xf32>
      %sub3A_385 = arith.constant 1.000000e+00 : f32
      %sub3A_386 = vector.broadcast %sub3A_385 : f32 to vector<16xf32>
      %sub3A_387 = arith.subf %mul3A_384, %sub3A_386 : vector<16xf32>
      %swap3A_388 = arith.constant 0 : i32
      %swap3A_389 = arith.index_cast %swap3A_388 : i32 to index
      %swap3A_390 = arith.index_cast %scan3A_168 : i32 to index
      %swap3A_391 = arith.constant 112 : index
      %swap3A_392 = tpu.vector_load %arg7[%swap3A_389, %swap3A_390, %swap3A_391] {strides = array<i32>} : memref<2x200x128xf32, #tpu.memory_space<vmem>>, vector<16xf32>,
      tpu.vector_store %arg7[%swap3A_389, %swap3A_390, %swap3A_391], %sub3A_387 {strides = array<i32>} : memref<2x200x128xf32, #tpu.memory_space<vmem>>, vector<16xf32>,
      %convert_element_type3A_393 = arith.sitofp %get3A_380 : vector<16xi32> to vector<16xf32>
      %mul3A_394 = arith.constant 0.666666686 : f32
      %mul3A_395 = vector.broadcast %mul3A_394 : f32 to vector<16xf32>
      %mul3A_396 = arith.mulf %convert_element_type3A_393, %mul3A_395 : vector<16xf32>
      %sub3A_397 = arith.constant 1.000000e+00 : f32
      %sub3A_398 = vector.broadcast %sub3A_397 : f32 to vector<16xf32>
      %sub3A_399 = arith.subf %mul3A_396, %sub3A_398 : vector<16xf32>
      %swap3A_400 = arith.constant 1 : i32
      %swap3A_401 = arith.index_cast %swap3A_400 : i32 to index
      %swap3A_402 = arith.index_cast %scan3A_168 : i32 to index
      %swap3A_403 = arith.constant 112 : index
      %swap3A_404 = tpu.vector_load %arg7[%swap3A_401, %swap3A_402, %swap3A_403] {strides = array<i32>} : memref<2x200x128xf32, #tpu.memory_space<vmem>>, vector<16xf32>,
      tpu.vector_store %arg7[%swap3A_401, %swap3A_402, %swap3A_403], %sub3A_399 {strides = array<i32>} : memref<2x200x128xf32, #tpu.memory_space<vmem>>, vector<16xf32>,
      %scan3A_405 = arith.constant 1 : i32
      %scan3A_406 = arith.addi %scan3A_168, %scan3A_405 : i32
      %get3A_407 = arith.index_cast %scan3A_406 : i32 to index
      %get3A_408 = arith.constant 0 : index
      %get3A_409 = tpu.vector_load %arg5[%get3A_407, %get3A_408] {strides = array<i32>} : memref<200x128xi32, #tpu.memory_space<vmem>>, vector<16xi32>,
      %get3A_410 = arith.index_cast %scan3A_406 : i32 to index
      %get3A_411 = arith.constant 0 : index
      %get3A_412 = tpu.vector_load %arg6[%get3A_410, %get3A_411] {strides = array<i32>} : memref<200x128xi32, #tpu.memory_space<vmem>>, vector<16xi32>,
      %convert_element_type3A_413 = arith.sitofp %get3A_409 : vector<16xi32> to vector<16xf32>
      %mul3A_414 = arith.constant 0.666666686 : f32
      %mul3A_415 = vector.broadcast %mul3A_414 : f32 to vector<16xf32>
      %mul3A_416 = arith.mulf %convert_element_type3A_413, %mul3A_415 : vector<16xf32>
      %sub3A_417 = arith.constant 1.000000e+00 : f32
      %sub3A_418 = vector.broadcast %sub3A_417 : f32 to vector<16xf32>
      %sub3A_419 = arith.subf %mul3A_416, %sub3A_418 : vector<16xf32>
      %swap3A_420 = arith.constant 0 : i32
      %swap3A_421 = arith.index_cast %swap3A_420 : i32 to index
      %swap3A_422 = arith.index_cast %scan3A_406 : i32 to index
      %swap3A_423 = arith.constant 0 : index
      %swap3A_424 = tpu.vector_load %arg7[%swap3A_421, %swap3A_422, %swap3A_423] {strides = array<i32>} : memref<2x200x128xf32, #tpu.memory_space<vmem>>, vector<16xf32>,
      tpu.vector_store %arg7[%swap3A_421, %swap3A_422, %swap3A_423], %sub3A_419 {strides = array<i32>} : memref<2x200x128xf32, #tpu.memory_space<vmem>>, vector<16xf32>,
      %convert_element_type3A_425 = arith.sitofp %get3A_412 : vector<16xi32> to vector<16xf32>
      %mul3A_426 = arith.constant 0.666666686 : f32
      %mul3A_427 = vector.broadcast %mul3A_426 : f32 to vector<16xf32>
      %mul3A_428 = arith.mulf %convert_element_type3A_425, %mul3A_427 : vector<16xf32>
      %sub3A_429 = arith.constant 1.000000e+00 : f32
      %sub3A_430 = vector.broadcast %sub3A_429 : f32 to vector<16xf32>
      %sub3A_431 = arith.subf %mul3A_428, %sub3A_430 : vector<16xf32>
      %swap3A_432 = arith.constant 1 : i32
      %swap3A_433 = arith.index_cast %swap3A_432 : i32 to index
      %swap3A_434 = arith.index_cast %scan3A_406 : i32 to index
      %swap3A_435 = arith.constant 0 : index
      %swap3A_436 = tpu.vector_load %arg7[%swap3A_433, %swap3A_434, %swap3A_435] {strides = array<i32>} : memref<2x200x128xf32, #tpu.memory_space<vmem>>, vector<16xf32>,
      tpu.vector_store %arg7[%swap3A_433, %swap3A_434, %swap3A_435], %sub3A_431 {strides = array<i32>} : memref<2x200x128xf32, #tpu.memory_space<vmem>>, vector<16xf32>,
      %get3A_437 = arith.index_cast %scan3A_406 : i32 to index
      %get3A_438 = arith.constant 16 : index
      %get3A_439 = tpu.vector_load %arg5[%get3A_437, %get3A_438] {strides = array<i32>} : memref<200x128xi32, #tpu.memory_space<vmem>>, vector<16xi32>,
      %get3A_440 = arith.index_cast %scan3A_406 : i32 to index
      %get3A_441 = arith.constant 16 : index
      %get3A_442 = tpu.vector_load %arg6[%get3A_440, %get3A_441] {strides = array<i32>} : memref<200x128xi32, #tpu.memory_space<vmem>>, vector<16xi32>,
      %convert_element_type3A_443 = arith.sitofp %get3A_439 : vector<16xi32> to vector<16xf32>
      %mul3A_444 = arith.constant 0.666666686 : f32
      %mul3A_445 = vector.broadcast %mul3A_444 : f32 to vector<16xf32>
      %mul3A_446 = arith.mulf %convert_element_type3A_443, %mul3A_445 : vector<16xf32>
      %sub3A_447 = arith.constant 1.000000e+00 : f32
      %sub3A_448 = vector.broadcast %sub3A_447 : f32 to vector<16xf32>
      %sub3A_449 = arith.subf %mul3A_446, %sub3A_448 : vector<16xf32>
      %swap3A_450 = arith.constant 0 : i32
      %swap3A_451 = arith.index_cast %swap3A_450 : i32 to index
      %swap3A_452 = arith.index_cast %scan3A_406 : i32 to index
      %swap3A_453 = arith.constant 16 : index
      %swap3A_454 = tpu.vector_load %arg7[%swap3A_451, %swap3A_452, %swap3A_453] {strides = array<i32>} : memref<2x200x128xf32, #tpu.memory_space<vmem>>, vector<16xf32>,
      tpu.vector_store %arg7[%swap3A_451, %swap3A_452, %swap3A_453], %sub3A_449 {strides = array<i32>} : memref<2x200x128xf32, #tpu.memory_space<vmem>>, vector<16xf32>,
      %convert_element_type3A_455 = arith.sitofp %get3A_442 : vector<16xi32> to vector<16xf32>
      %mul3A_456 = arith.constant 0.666666686 : f32
      %mul3A_457 = vector.broadcast %mul3A_456 : f32 to vector<16xf32>
      %mul3A_458 = arith.mulf %convert_element_type3A_455, %mul3A_457 : vector<16xf32>
      %sub3A_459 = arith.constant 1.000000e+00 : f32
      %sub3A_460 = vector.broadcast %sub3A_459 : f32 to vector<16xf32>
      %sub3A_461 = arith.subf %mul3A_458, %sub3A_460 : vector<16xf32>
      %swap3A_462 = arith.constant 1 : i32
      %swap3A_463 = arith.index_cast %swap3A_462 : i32 to index
      %swap3A_464 = arith.index_cast %scan3A_406 : i32 to index
      %swap3A_465 = arith.constant 16 : index
      %swap3A_466 = tpu.vector_load %arg7[%swap3A_463, %swap3A_464, %swap3A_465] {strides = array<i32>} : memref<2x200x128xf32, #tpu.memory_space<vmem>>, vector<16xf32>,
      tpu.vector_store %arg7[%swap3A_463, %swap3A_464, %swap3A_465], %sub3A_461 {strides = array<i32>} : memref<2x200x128xf32, #tpu.memory_space<vmem>>, vector<16xf32>,
      %get3A_467 = arith.index_cast %scan3A_406 : i32 to index
      %get3A_468 = arith.constant 32 : index
      %get3A_469 = tpu.vector_load %arg5[%get3A_467, %get3A_468] {strides = array<i32>} : memref<200x128xi32, #tpu.memory_space<vmem>>, vector<16xi32>,
      %get3A_470 = arith.index_cast %scan3A_406 : i32 to index
      %get3A_471 = arith.constant 32 : index
      %get3A_472 = tpu.vector_load %arg6[%get3A_470, %get3A_471] {strides = array<i32>} : memref<200x128xi32, #tpu.memory_space<vmem>>, vector<16xi32>,
      %convert_element_type3A_473 = arith.sitofp %get3A_469 : vector<16xi32> to vector<16xf32>
      %mul3A_474 = arith.constant 0.666666686 : f32
      %mul3A_475 = vector.broadcast %mul3A_474 : f32 to vector<16xf32>
      %mul3A_476 = arith.mulf %convert_element_type3A_473, %mul3A_475 : vector<16xf32>
      %sub3A_477 = arith.constant 1.000000e+00 : f32
      %sub3A_478 = vector.broadcast %sub3A_477 : f32 to vector<16xf32>
      %sub3A_479 = arith.subf %mul3A_476, %sub3A_478 : vector<16xf32>
      %swap3A_480 = arith.constant 0 : i32
      %swap3A_481 = arith.index_cast %swap3A_480 : i32 to index
      %swap3A_482 = arith.index_cast %scan3A_406 : i32 to index
      %swap3A_483 = arith.constant 32 : index
      %swap3A_484 = tpu.vector_load %arg7[%swap3A_481, %swap3A_482, %swap3A_483] {strides = array<i32>} : memref<2x200x128xf32, #tpu.memory_space<vmem>>, vector<16xf32>,
      tpu.vector_store %arg7[%swap3A_481, %swap3A_482, %swap3A_483], %sub3A_479 {strides = array<i32>} : memref<2x200x128xf32, #tpu.memory_space<vmem>>, vector<16xf32>,
      %convert_element_type3A_485 = arith.sitofp %get3A_472 : vector<16xi32> to vector<16xf32>
      %mul3A_486 = arith.constant 0.666666686 : f32
      %mul3A_487 = vector.broadcast %mul3A_486 : f32 to vector<16xf32>
      %mul3A_488 = arith.mulf %convert_element_type3A_485, %mul3A_487 : vector<16xf32>
      %sub3A_489 = arith.constant 1.000000e+00 : f32
      %sub3A_490 = vector.broadcast %sub3A_489 : f32 to vector<16xf32>
      %sub3A_491 = arith.subf %mul3A_488, %sub3A_490 : vector<16xf32>
      %swap3A_492 = arith.constant 1 : i32
      %swap3A_493 = arith.index_cast %swap3A_492 : i32 to index
      %swap3A_494 = arith.index_cast %scan3A_406 : i32 to index
      %swap3A_495 = arith.constant 32 : index
      %swap3A_496 = tpu.vector_load %arg7[%swap3A_493, %swap3A_494, %swap3A_495] {strides = array<i32>} : memref<2x200x128xf32, #tpu.memory_space<vmem>>, vector<16xf32>,
      tpu.vector_store %arg7[%swap3A_493, %swap3A_494, %swap3A_495], %sub3A_491 {strides = array<i32>} : memref<2x200x128xf32, #tpu.memory_space<vmem>>, vector<16xf32>,
      %get3A_497 = arith.index_cast %scan3A_406 : i32 to index
      %get3A_498 = arith.constant 48 : index
      %get3A_499 = tpu.vector_load %arg5[%get3A_497, %get3A_498] {strides = array<i32>} : memref<200x128xi32, #tpu.memory_space<vmem>>, vector<16xi32>,
      %get3A_500 = arith.index_cast %scan3A_406 : i32 to index
      %get3A_501 = arith.constant 48 : index
      %get3A_502 = tpu.vector_load %arg6[%get3A_500, %get3A_501] {strides = array<i32>} : memref<200x128xi32, #tpu.memory_space<vmem>>, vector<16xi32>,
      %convert_element_type3A_503 = arith.sitofp %get3A_499 : vector<16xi32> to vector<16xf32>
      %mul3A_504 = arith.constant 0.666666686 : f32
      %mul3A_505 = vector.broadcast %mul3A_504 : f32 to vector<16xf32>
      %mul3A_506 = arith.mulf %convert_element_type3A_503, %mul3A_505 : vector<16xf32>
      %sub3A_507 = arith.constant 1.000000e+00 : f32
      %sub3A_508 = vector.broadcast %sub3A_507 : f32 to vector<16xf32>
      %sub3A_509 = arith.subf %mul3A_506, %sub3A_508 : vector<16xf32>
      %swap3A_510 = arith.constant 0 : i32
      %swap3A_511 = arith.index_cast %swap3A_510 : i32 to index
      %swap3A_512 = arith.index_cast %scan3A_406 : i32 to index
      %swap3A_513 = arith.constant 48 : index
      %swap3A_514 = tpu.vector_load %arg7[%swap3A_511, %swap3A_512, %swap3A_513] {strides = array<i32>} : memref<2x200x128xf32, #tpu.memory_space<vmem>>, vector<16xf32>,
      tpu.vector_store %arg7[%swap3A_511, %swap3A_512, %swap3A_513], %sub3A_509 {strides = array<i32>} : memref<2x200x128xf32, #tpu.memory_space<vmem>>, vector<16xf32>,
      %convert_element_type3A_515 = arith.sitofp %get3A_502 : vector<16xi32> to vector<16xf32>
      %mul3A_516 = arith.constant 0.666666686 : f32
      %mul3A_517 = vector.broadcast %mul3A_516 : f32 to vector<16xf32>
      %mul3A_518 = arith.mulf %convert_element_type3A_515, %mul3A_517 : vector<16xf32>
      %sub3A_519 = arith.constant 1.000000e+00 : f32
      %sub3A_520 = vector.broadcast %sub3A_519 : f32 to vector<16xf32>
      %sub3A_521 = arith.subf %mul3A_518, %sub3A_520 : vector<16xf32>
      %swap3A_522 = arith.constant 1 : i32
      %swap3A_523 = arith.index_cast %swap3A_522 : i32 to index
      %swap3A_524 = arith.index_cast %scan3A_406 : i32 to index
      %swap3A_525 = arith.constant 48 : index
      %swap3A_526 = tpu.vector_load %arg7[%swap3A_523, %swap3A_524, %swap3A_525] {strides = array<i32>} : memref<2x200x128xf32, #tpu.memory_space<vmem>>, vector<16xf32>,
      tpu.vector_store %arg7[%swap3A_523, %swap3A_524, %swap3A_525], %sub3A_521 {strides = array<i32>} : memref<2x200x128xf32, #tpu.memory_space<vmem>>, vector<16xf32>,
      %get3A_527 = arith.index_cast %scan3A_406 : i32 to index
      %get3A_528 = arith.constant 64 : index
      %get3A_529 = tpu.vector_load %arg5[%get3A_527, %get3A_528] {strides = array<i32>} : memref<200x128xi32, #tpu.memory_space<vmem>>, vector<16xi32>,
      %get3A_530 = arith.index_cast %scan3A_406 : i32 to index
      %get3A_531 = arith.constant 64 : index
      %get3A_532 = tpu.vector_load %arg6[%get3A_530, %get3A_531] {strides = array<i32>} : memref<200x128xi32, #tpu.memory_space<vmem>>, vector<16xi32>,
      %convert_element_type3A_533 = arith.sitofp %get3A_529 : vector<16xi32> to vector<16xf32>
      %mul3A_534 = arith.constant 0.666666686 : f32
      %mul3A_535 = vector.broadcast %mul3A_534 : f32 to vector<16xf32>
      %mul3A_536 = arith.mulf %convert_element_type3A_533, %mul3A_535 : vector<16xf32>
      %sub3A_537 = arith.constant 1.000000e+00 : f32
      %sub3A_538 = vector.broadcast %sub3A_537 : f32 to vector<16xf32>
      %sub3A_539 = arith.subf %mul3A_536, %sub3A_538 : vector<16xf32>
      %swap3A_540 = arith.constant 0 : i32
      %swap3A_541 = arith.index_cast %swap3A_540 : i32 to index
      %swap3A_542 = arith.index_cast %scan3A_406 : i32 to index
      %swap3A_543 = arith.constant 64 : index
      %swap3A_544 = tpu.vector_load %arg7[%swap3A_541, %swap3A_542, %swap3A_543] {strides = array<i32>} : memref<2x200x128xf32, #tpu.memory_space<vmem>>, vector<16xf32>,
      tpu.vector_store %arg7[%swap3A_541, %swap3A_542, %swap3A_543], %sub3A_539 {strides = array<i32>} : memref<2x200x128xf32, #tpu.memory_space<vmem>>, vector<16xf32>,
      %convert_element_type3A_545 = arith.sitofp %get3A_532 : vector<16xi32> to vector<16xf32>
      %mul3A_546 = arith.constant 0.666666686 : f32
      %mul3A_547 = vector.broadcast %mul3A_546 : f32 to vector<16xf32>
      %mul3A_548 = arith.mulf %convert_element_type3A_545, %mul3A_547 : vector<16xf32>
      %sub3A_549 = arith.constant 1.000000e+00 : f32
      %sub3A_550 = vector.broadcast %sub3A_549 : f32 to vector<16xf32>
      %sub3A_551 = arith.subf %mul3A_548, %sub3A_550 : vector<16xf32>
      %swap3A_552 = arith.constant 1 : i32
      %swap3A_553 = arith.index_cast %swap3A_552 : i32 to index
      %swap3A_554 = arith.index_cast %scan3A_406 : i32 to index
      %swap3A_555 = arith.constant 64 : index
      %swap3A_556 = tpu.vector_load %arg7[%swap3A_553, %swap3A_554, %swap3A_555] {strides = array<i32>} : memref<2x200x128xf32, #tpu.memory_space<vmem>>, vector<16xf32>,
      tpu.vector_store %arg7[%swap3A_553, %swap3A_554, %swap3A_555], %sub3A_551 {strides = array<i32>} : memref<2x200x128xf32, #tpu.memory_space<vmem>>, vector<16xf32>,
      %get3A_557 = arith.index_cast %scan3A_406 : i32 to index
      %get3A_558 = arith.constant 80 : index
      %get3A_559 = tpu.vector_load %arg5[%get3A_557, %get3A_558] {strides = array<i32>} : memref<200x128xi32, #tpu.memory_space<vmem>>, vector<16xi32>,
      %get3A_560 = arith.index_cast %scan3A_406 : i32 to index
      %get3A_561 = arith.constant 80 : index
      %get3A_562 = tpu.vector_load %arg6[%get3A_560, %get3A_561] {strides = array<i32>} : memref<200x128xi32, #tpu.memory_space<vmem>>, vector<16xi32>,
      %convert_element_type3A_563 = arith.sitofp %get3A_559 : vector<16xi32> to vector<16xf32>
      %mul3A_564 = arith.constant 0.666666686 : f32
      %mul3A_565 = vector.broadcast %mul3A_564 : f32 to vector<16xf32>
      %mul3A_566 = arith.mulf %convert_element_type3A_563, %mul3A_565 : vector<16xf32>
      %sub3A_567 = arith.constant 1.000000e+00 : f32
      %sub3A_568 = vector.broadcast %sub3A_567 : f32 to vector<16xf32>
      %sub3A_569 = arith.subf %mul3A_566, %sub3A_568 : vector<16xf32>
      %swap3A_570 = arith.constant 0 : i32
      %swap3A_571 = arith.index_cast %swap3A_570 : i32 to index
      %swap3A_572 = arith.index_cast %scan3A_406 : i32 to index
      %swap3A_573 = arith.constant 80 : index
      %swap3A_574 = tpu.vector_load %arg7[%swap3A_571, %swap3A_572, %swap3A_573] {strides = array<i32>} : memref<2x200x128xf32, #tpu.memory_space<vmem>>, vector<16xf32>,
      tpu.vector_store %arg7[%swap3A_571, %swap3A_572, %swap3A_573], %sub3A_569 {strides = array<i32>} : memref<2x200x128xf32, #tpu.memory_space<vmem>>, vector<16xf32>,
      %convert_element_type3A_575 = arith.sitofp %get3A_562 : vector<16xi32> to vector<16xf32>
      %mul3A_576 = arith.constant 0.666666686 : f32
      %mul3A_577 = vector.broadcast %mul3A_576 : f32 to vector<16xf32>
      %mul3A_578 = arith.mulf %convert_element_type3A_575, %mul3A_577 : vector<16xf32>
      %sub3A_579 = arith.constant 1.000000e+00 : f32
      %sub3A_580 = vector.broadcast %sub3A_579 : f32 to vector<16xf32>
      %sub3A_581 = arith.subf %mul3A_578, %sub3A_580 : vector<16xf32>
      %swap3A_582 = arith.constant 1 : i32
      %swap3A_583 = arith.index_cast %swap3A_582 : i32 to index
      %swap3A_584 = arith.index_cast %scan3A_406 : i32 to index
      %swap3A_585 = arith.constant 80 : index
      %swap3A_586 = tpu.vector_load %arg7[%swap3A_583, %swap3A_584, %swap3A_585] {strides = array<i32>} : memref<2x200x128xf32, #tpu.memory_space<vmem>>, vector<16xf32>,
      tpu.vector_store %arg7[%swap3A_583, %swap3A_584, %swap3A_585], %sub3A_581 {strides = array<i32>} : memref<2x200x128xf32, #tpu.memory_space<vmem>>, vector<16xf32>,
      %get3A_587 = arith.index_cast %scan3A_406 : i32 to index
      %get3A_588 = arith.constant 96 : index
      %get3A_589 = tpu.vector_load %arg5[%get3A_587, %get3A_588] {strides = array<i32>} : memref<200x128xi32, #tpu.memory_space<vmem>>, vector<16xi32>,
      %get3A_590 = arith.index_cast %scan3A_406 : i32 to index
      %get3A_591 = arith.constant 96 : index
      %get3A_592 = tpu.vector_load %arg6[%get3A_590, %get3A_591] {strides = array<i32>} : memref<200x128xi32, #tpu.memory_space<vmem>>, vector<16xi32>,
      %convert_element_type3A_593 = arith.sitofp %get3A_589 : vector<16xi32> to vector<16xf32>
      %mul3A_594 = arith.constant 0.666666686 : f32
      %mul3A_595 = vector.broadcast %mul3A_594 : f32 to vector<16xf32>
      %mul3A_596 = arith.mulf %convert_element_type3A_593, %mul3A_595 : vector<16xf32>
      %sub3A_597 = arith.constant 1.000000e+00 : f32
      %sub3A_598 = vector.broadcast %sub3A_597 : f32 to vector<16xf32>
      %sub3A_599 = arith.subf %mul3A_596, %sub3A_598 : vector<16xf32>
      %swap3A_600 = arith.constant 0 : i32
      %swap3A_601 = arith.index_cast %swap3A_600 : i32 to index
      %swap3A_602 = arith.index_cast %scan3A_406 : i32 to index
      %swap3A_603 = arith.constant 96 : index
      %swap3A_604 = tpu.vector_load %arg7[%swap3A_601, %swap3A_602, %swap3A_603] {strides = array<i32>} : memref<2x200x128xf32, #tpu.memory_space<vmem>>, vector<16xf32>,
      tpu.vector_store %arg7[%swap3A_601, %swap3A_602, %swap3A_603], %sub3A_599 {strides = array<i32>} : memref<2x200x128xf32, #tpu.memory_space<vmem>>, vector<16xf32>,
      %convert_element_type3A_605 = arith.sitofp %get3A_592 : vector<16xi32> to vector<16xf32>
      %mul3A_606 = arith.constant 0.666666686 : f32
      %mul3A_607 = vector.broadcast %mul3A_606 : f32 to vector<16xf32>
      %mul3A_608 = arith.mulf %convert_element_type3A_605, %mul3A_607 : vector<16xf32>
      %sub3A_609 = arith.constant 1.000000e+00 : f32
      %sub3A_610 = vector.broadcast %sub3A_609 : f32 to vector<16xf32>
      %sub3A_611 = arith.subf %mul3A_608, %sub3A_610 : vector<16xf32>
      %swap3A_612 = arith.constant 1 : i32
      %swap3A_613 = arith.index_cast %swap3A_612 : i32 to index
      %swap3A_614 = arith.index_cast %scan3A_406 : i32 to index
      %swap3A_615 = arith.constant 96 : index
      %swap3A_616 = tpu.vector_load %arg7[%swap3A_613, %swap3A_614, %swap3A_615] {strides = array<i32>} : memref<2x200x128xf32, #tpu.memory_space<vmem>>, vector<16xf32>,
      tpu.vector_store %arg7[%swap3A_613, %swap3A_614, %swap3A_615], %sub3A_611 {strides = array<i32>} : memref<2x200x128xf32, #tpu.memory_space<vmem>>, vector<16xf32>,
      %get3A_617 = arith.index_cast %scan3A_406 : i32 to index
      %get3A_618 = arith.constant 112 : index
      %get3A_619 = tpu.vector_load %arg5[%get3A_617, %get3A_618] {strides = array<i32>} : memref<200x128xi32, #tpu.memory_space<vmem>>, vector<16xi32>,
      %get3A_620 = arith.index_cast %scan3A_406 : i32 to index
      %get3A_621 = arith.constant 112 : index
      %get3A_622 = tpu.vector_load %arg6[%get3A_620, %get3A_621] {strides = array<i32>} : memref<200x128xi32, #tpu.memory_space<vmem>>, vector<16xi32>,
      %convert_element_type3A_623 = arith.sitofp %get3A_619 : vector<16xi32> to vector<16xf32>
      %mul3A_624 = arith.constant 0.666666686 : f32
      %mul3A_625 = vector.broadcast %mul3A_624 : f32 to vector<16xf32>
      %mul3A_626 = arith.mulf %convert_element_type3A_623, %mul3A_625 : vector<16xf32>
      %sub3A_627 = arith.constant 1.000000e+00 : f32
      %sub3A_628 = vector.broadcast %sub3A_627 : f32 to vector<16xf32>
      %sub3A_629 = arith.subf %mul3A_626, %sub3A_628 : vector<16xf32>
      %swap3A_630 = arith.constant 0 : i32
      %swap3A_631 = arith.index_cast %swap3A_630 : i32 to index
      %swap3A_632 = arith.index_cast %scan3A_406 : i32 to index
      %swap3A_633 = arith.constant 112 : index
      %swap3A_634 = tpu.vector_load %arg7[%swap3A_631, %swap3A_632, %swap3A_633] {strides = array<i32>} : memref<2x200x128xf32, #tpu.memory_space<vmem>>, vector<16xf32>,
      tpu.vector_store %arg7[%swap3A_631, %swap3A_632, %swap3A_633], %sub3A_629 {strides = array<i32>} : memref<2x200x128xf32, #tpu.memory_space<vmem>>, vector<16xf32>,
      %convert_element_type3A_635 = arith.sitofp %get3A_622 : vector<16xi32> to vector<16xf32>
      %mul3A_636 = arith.constant 0.666666686 : f32
      %mul3A_637 = vector.broadcast %mul3A_636 : f32 to vector<16xf32>
      %mul3A_638 = arith.mulf %convert_element_type3A_635, %mul3A_637 : vector<16xf32>
      %sub3A_639 = arith.constant 1.000000e+00 : f32
      %sub3A_640 = vector.broadcast %sub3A_639 : f32 to vector<16xf32>
      %sub3A_641 = arith.subf %mul3A_638, %sub3A_640 : vector<16xf32>
      %swap3A_642 = arith.constant 1 : i32
      %swap3A_643 = arith.index_cast %swap3A_642 : i32 to index
      %swap3A_644 = arith.index_cast %scan3A_406 : i32 to index
      %swap3A_645 = arith.constant 112 : index
      %swap3A_646 = tpu.vector_load %arg7[%swap3A_643, %swap3A_644, %swap3A_645] {strides = array<i32>} : memref<2x200x128xf32, #tpu.memory_space<vmem>>, vector<16xf32>,
      tpu.vector_store %arg7[%swap3A_643, %swap3A_644, %swap3A_645], %sub3A_641 {strides = array<i32>} : memref<2x200x128xf32, #tpu.memory_space<vmem>>, vector<16xf32>,
    }
    %scan3A_25 = arith.constant 200 : i32
    %add3A_26 = arith.constant 0 : i32
    %add3A_27 = arith.addi %mul3A_2, %add3A_26 : i32
    %dma_start3A_28 = arith.constant 0 : i32
    %dma_start3A_29 = arith.constant 0 : i32
    %dma_start3A_30 = tpu.memref_slice %arg4[%dma_start3A_28, %dma_start3A_29, %add3A_27] : memref<2x200x16384xf32, #tpu.memory_space<hbm>> -> memref<2x200x128xf32, #tpu.memory_space<hbm>>
    %dma_start3A_31 = arith.constant 0 : i32
    %dma_start3A_32 = arith.constant 0 : i32
    %dma_start3A_33 = tpu.memref_slice %arg4[%dma_start3A_31, %dma_start3A_32, %add3A_27] : memref<2x200x16384xf32, #tpu.memory_space<hbm>> -> memref<2x200x128xf32, #tpu.memory_space<hbm>>
    tpu.enqueue_dma source(%arg7 : memref<2x200x128xf32, #tpu.memory_space<vmem>>) target(%dma_start3A_33 : memref<2x200x128xf32, #tpu.memory_space<hbm>>) target_semaphore(%arg10 : memref<!tpu.dma_semaphore, #tpu.memory_space<semaphore_mem>>)
    %add3A_34 = arith.constant 128 : i32
    %add3A_35 = arith.addi %mul3A_2, %add3A_34 : i32
    %dma_start3A_36 = arith.constant 0 : i32
    %dma_start3A_37 = tpu.memref_slice %arg2[%dma_start3A_36, %add3A_35] : memref<200x16384xi32, #tpu.memory_space<hbm>> -> memref<200x128xi32, #tpu.memory_space<hbm>>
    %dma_start3A_38 = arith.constant 0 : i32
    %dma_start3A_39 = tpu.memref_slice %arg2[%dma_start3A_38, %add3A_35] : memref<200x16384xi32, #tpu.memory_space<hbm>> -> memref<200x128xi32, #tpu.memory_space<hbm>>
    tpu.enqueue_dma source(%dma_start3A_39 : memref<200x128xi32, #tpu.memory_space<hbm>>) target(%arg5 : memref<200x128xi32, #tpu.memory_space<vmem>>) target_semaphore(%arg8 : memref<!tpu.dma_semaphore, #tpu.memory_space<semaphore_mem>>)
    %dma_start3A_40 = arith.constant 0 : i32
    %dma_start3A_41 = tpu.memref_slice %arg3[%dma_start3A_40, %add3A_35] : memref<200x16384xi32, #tpu.memory_space<hbm>> -> memref<200x128xi32, #tpu.memory_space<hbm>>
    %dma_start3A_42 = arith.constant 0 : i32
    %dma_start3A_43 = tpu.memref_slice %arg3[%dma_start3A_42, %add3A_35] : memref<200x16384xi32, #tpu.memory_space<hbm>> -> memref<200x128xi32, #tpu.memory_space<hbm>>
    tpu.enqueue_dma source(%dma_start3A_43 : memref<200x128xi32, #tpu.memory_space<hbm>>) target(%arg6 : memref<200x128xi32, #tpu.memory_space<vmem>>) target_semaphore(%arg9 : memref<!tpu.dma_semaphore, #tpu.memory_space<semaphore_mem>>)
    %add3A_44 = arith.constant 128 : i32
    %add3A_45 = arith.addi %mul3A_2, %add3A_44 : i32
    %dma_wait3A_46 = arith.constant 0 : i32
    %dma_wait3A_47 = tpu.memref_slice %arg2[%dma_wait3A_46, %add3A_45] : memref<200x16384xi32, #tpu.memory_space<hbm>> -> memref<200x128xi32, #tpu.memory_space<hbm>>
    %dma_wait3A_48 = arith.constant 0 : i32
    %dma_wait3A_49 = tpu.memref_slice %arg2[%dma_wait3A_48, %add3A_45] : memref<200x16384xi32, #tpu.memory_space<hbm>> -> memref<200x128xi32, #tpu.memory_space<hbm>>
    tpu.wait_dma2 semaphore(%arg8 : memref<!tpu.dma_semaphore, #tpu.memory_space<semaphore_mem>>) src(%dma_wait3A_49 : memref<200x128xi32, #tpu.memory_space<hbm>>) dst(%arg5 : memref<200x128xi32, #tpu.memory_space<vmem>>)
    %dma_wait3A_50 = arith.constant 0 : i32
    %dma_wait3A_51 = tpu.memref_slice %arg3[%dma_wait3A_50, %add3A_45] : memref<200x16384xi32, #tpu.memory_space<hbm>> -> memref<200x128xi32, #tpu.memory_space<hbm>>
    %dma_wait3A_52 = arith.constant 0 : i32
    %dma_wait3A_53 = tpu.memref_slice %arg3[%dma_wait3A_52, %add3A_45] : memref<200x16384xi32, #tpu.memory_space<hbm>> -> memref<200x128xi32, #tpu.memory_space<hbm>>
    tpu.wait_dma2 semaphore(%arg9 : memref<!tpu.dma_semaphore, #tpu.memory_space<semaphore_mem>>) src(%dma_wait3A_53 : memref<200x128xi32, #tpu.memory_space<hbm>>) dst(%arg6 : memref<200x128xi32, #tpu.memory_space<vmem>>)
    %add3A_54 = arith.constant 0 : i32
    %add3A_55 = arith.addi %mul3A_2, %add3A_54 : i32
    %dma_wait3A_56 = arith.constant 0 : i32
    %dma_wait3A_57 = arith.constant 0 : i32
    %dma_wait3A_58 = tpu.memref_slice %arg4[%dma_wait3A_56, %dma_wait3A_57, %add3A_55] : memref<2x200x16384xf32, #tpu.memory_space<hbm>> -> memref<2x200x128xf32, #tpu.memory_space<hbm>>
    %dma_wait3A_59 = arith.constant 0 : i32
    %dma_wait3A_60 = arith.constant 0 : i32
    %dma_wait3A_61 = tpu.memref_slice %arg4[%dma_wait3A_59, %dma_wait3A_60, %add3A_55] : memref<2x200x16384xf32, #tpu.memory_space<hbm>> -> memref<2x200x128xf32, #tpu.memory_space<hbm>>
    tpu.wait_dma2 semaphore(%arg10 : memref<!tpu.dma_semaphore, #tpu.memory_space<semaphore_mem>>) src(%arg7 : memref<2x200x128xf32, #tpu.memory_space<vmem>>) dst(%dma_wait3A_61 : memref<2x200x128xf32, #tpu.memory_space<hbm>>)
    %scan3A_62 = arith.constant 0 : i32
    %scan3A_63 = arith.constant 0 : i32
    %scan3A_64 = arith.constant 200 : i32
    %scan3A_65 = arith.addi %scan3A_63, %scan3A_64 : i32
    %scan3A_66 = arith.constant 2 : i32
    scf.for %scan3A_168 = %scan3A_63 to %scan3A_65 step %scan3A_66  : i32 {
      %get3A = arith.index_cast %scan3A_168 : i32 to index
      %get3A_169 = arith.constant 0 : index
      %get3A_170 = tpu.vector_load %arg5[%get3A, %get3A_169] {strides = array<i32>} : memref<200x128xi32, #tpu.memory_space<vmem>>, vector<16xi32>,
      %get3A_171 = arith.index_cast %scan3A_168 : i32 to index
      %get3A_172 = arith.constant 0 : index
      %get3A_173 = tpu.vector_load %arg6[%get3A_171, %get3A_172] {strides = array<i32>} : memref<200x128xi32, #tpu.memory_space<vmem>>, vector<16xi32>,
      %convert_element_type3A = arith.sitofp %get3A_170 : vector<16xi32> to vector<16xf32>
      %mul3A_174 = arith.constant 0.666666686 : f32
      %mul3A_175 = vector.broadcast %mul3A_174 : f32 to vector<16xf32>
      %mul3A_176 = arith.mulf %convert_element_type3A, %mul3A_175 : vector<16xf32>
      %sub3A = arith.constant 1.000000e+00 : f32
      %sub3A_177 = vector.broadcast %sub3A : f32 to vector<16xf32>
      %sub3A_178 = arith.subf %mul3A_176, %sub3A_177 : vector<16xf32>
      %swap3A = arith.constant 0 : i32
      %swap3A_179 = arith.index_cast %swap3A : i32 to index
      %swap3A_180 = arith.index_cast %scan3A_168 : i32 to index
      %swap3A_181 = arith.constant 0 : index
      %swap3A_182 = tpu.vector_load %arg7[%swap3A_179, %swap3A_180, %swap3A_181] {strides = array<i32>} : memref<2x200x128xf32, #tpu.memory_space<vmem>>, vector<16xf32>,
      tpu.vector_store %arg7[%swap3A_179, %swap3A_180, %swap3A_181], %sub3A_178 {strides = array<i32>} : memref<2x200x128xf32, #tpu.memory_space<vmem>>, vector<16xf32>,
      %convert_element_type3A_183 = arith.sitofp %get3A_173 : vector<16xi32> to vector<16xf32>
      %mul3A_184 = arith.constant 0.666666686 : f32
      %mul3A_185 = vector.broadcast %mul3A_184 : f32 to vector<16xf32>
      %mul3A_186 = arith.mulf %convert_element_type3A_183, %mul3A_185 : vector<16xf32>
      %sub3A_187 = arith.constant 1.000000e+00 : f32
      %sub3A_188 = vector.broadcast %sub3A_187 : f32 to vector<16xf32>
      %sub3A_189 = arith.subf %mul3A_186, %sub3A_188 : vector<16xf32>
      %swap3A_190 = arith.constant 1 : i32
      %swap3A_191 = arith.index_cast %swap3A_190 : i32 to index
      %swap3A_192 = arith.index_cast %scan3A_168 : i32 to index
      %swap3A_193 = arith.constant 0 : index
      %swap3A_194 = tpu.vector_load %arg7[%swap3A_191, %swap3A_192, %swap3A_193] {strides = array<i32>} : memref<2x200x128xf32, #tpu.memory_space<vmem>>, vector<16xf32>,
      tpu.vector_store %arg7[%swap3A_191, %swap3A_192, %swap3A_193], %sub3A_189 {strides = array<i32>} : memref<2x200x128xf32, #tpu.memory_space<vmem>>, vector<16xf32>,
      %get3A_195 = arith.index_cast %scan3A_168 : i32 to index
      %get3A_196 = arith.constant 16 : index
      %get3A_197 = tpu.vector_load %arg5[%get3A_195, %get3A_196] {strides = array<i32>} : memref<200x128xi32, #tpu.memory_space<vmem>>, vector<16xi32>,
      %get3A_198 = arith.index_cast %scan3A_168 : i32 to index
      %get3A_199 = arith.constant 16 : index
      %get3A_200 = tpu.vector_load %arg6[%get3A_198, %get3A_199] {strides = array<i32>} : memref<200x128xi32, #tpu.memory_space<vmem>>, vector<16xi32>,
      %convert_element_type3A_201 = arith.sitofp %get3A_197 : vector<16xi32> to vector<16xf32>
      %mul3A_202 = arith.constant 0.666666686 : f32
      %mul3A_203 = vector.broadcast %mul3A_202 : f32 to vector<16xf32>
      %mul3A_204 = arith.mulf %convert_element_type3A_201, %mul3A_203 : vector<16xf32>
      %sub3A_205 = arith.constant 1.000000e+00 : f32
      %sub3A_206 = vector.broadcast %sub3A_205 : f32 to vector<16xf32>
      %sub3A_207 = arith.subf %mul3A_204, %sub3A_206 : vector<16xf32>
      %swap3A_208 = arith.constant 0 : i32
      %swap3A_209 = arith.index_cast %swap3A_208 : i32 to index
      %swap3A_210 = arith.index_cast %scan3A_168 : i32 to index
      %swap3A_211 = arith.constant 16 : index
      %swap3A_212 = tpu.vector_load %arg7[%swap3A_209, %swap3A_210, %swap3A_211] {strides = array<i32>} : memref<2x200x128xf32, #tpu.memory_space<vmem>>, vector<16xf32>,
      tpu.vector_store %arg7[%swap3A_209, %swap3A_210, %swap3A_211], %sub3A_207 {strides = array<i32>} : memref<2x200x128xf32, #tpu.memory_space<vmem>>, vector<16xf32>,
      %convert_element_type3A_213 = arith.sitofp %get3A_200 : vector<16xi32> to vector<16xf32>
      %mul3A_214 = arith.constant 0.666666686 : f32
      %mul3A_215 = vector.broadcast %mul3A_214 : f32 to vector<16xf32>
      %mul3A_216 = arith.mulf %convert_element_type3A_213, %mul3A_215 : vector<16xf32>
      %sub3A_217 = arith.constant 1.000000e+00 : f32
      %sub3A_218 = vector.broadcast %sub3A_217 : f32 to vector<16xf32>
      %sub3A_219 = arith.subf %mul3A_216, %sub3A_218 : vector<16xf32>
      %swap3A_220 = arith.constant 1 : i32
      %swap3A_221 = arith.index_cast %swap3A_220 : i32 to index
      %swap3A_222 = arith.index_cast %scan3A_168 : i32 to index
      %swap3A_223 = arith.constant 16 : index
      %swap3A_224 = tpu.vector_load %arg7[%swap3A_221, %swap3A_222, %swap3A_223] {strides = array<i32>} : memref<2x200x128xf32, #tpu.memory_space<vmem>>, vector<16xf32>,
      tpu.vector_store %arg7[%swap3A_221, %swap3A_222, %swap3A_223], %sub3A_219 {strides = array<i32>} : memref<2x200x128xf32, #tpu.memory_space<vmem>>, vector<16xf32>,
      %get3A_225 = arith.index_cast %scan3A_168 : i32 to index
      %get3A_226 = arith.constant 32 : index
      %get3A_227 = tpu.vector_load %arg5[%get3A_225, %get3A_226] {strides = array<i32>} : memref<200x128xi32, #tpu.memory_space<vmem>>, vector<16xi32>,
      %get3A_228 = arith.index_cast %scan3A_168 : i32 to index
      %get3A_229 = arith.constant 32 : index
      %get3A_230 = tpu.vector_load %arg6[%get3A_228, %get3A_229] {strides = array<i32>} : memref<200x128xi32, #tpu.memory_space<vmem>>, vector<16xi32>,
      %convert_element_type3A_231 = arith.sitofp %get3A_227 : vector<16xi32> to vector<16xf32>
      %mul3A_232 = arith.constant 0.666666686 : f32
      %mul3A_233 = vector.broadcast %mul3A_232 : f32 to vector<16xf32>
      %mul3A_234 = arith.mulf %convert_element_type3A_231, %mul3A_233 : vector<16xf32>
      %sub3A_235 = arith.constant 1.000000e+00 : f32
      %sub3A_236 = vector.broadcast %sub3A_235 : f32 to vector<16xf32>
      %sub3A_237 = arith.subf %mul3A_234, %sub3A_236 : vector<16xf32>
      %swap3A_238 = arith.constant 0 : i32
      %swap3A_239 = arith.index_cast %swap3A_238 : i32 to index
      %swap3A_240 = arith.index_cast %scan3A_168 : i32 to index
      %swap3A_241 = arith.constant 32 : index
      %swap3A_242 = tpu.vector_load %arg7[%swap3A_239, %swap3A_240, %swap3A_241] {strides = array<i32>} : memref<2x200x128xf32, #tpu.memory_space<vmem>>, vector<16xf32>,
      tpu.vector_store %arg7[%swap3A_239, %swap3A_240, %swap3A_241], %sub3A_237 {strides = array<i32>} : memref<2x200x128xf32, #tpu.memory_space<vmem>>, vector<16xf32>,
      %convert_element_type3A_243 = arith.sitofp %get3A_230 : vector<16xi32> to vector<16xf32>
      %mul3A_244 = arith.constant 0.666666686 : f32
      %mul3A_245 = vector.broadcast %mul3A_244 : f32 to vector<16xf32>
      %mul3A_246 = arith.mulf %convert_element_type3A_243, %mul3A_245 : vector<16xf32>
      %sub3A_247 = arith.constant 1.000000e+00 : f32
      %sub3A_248 = vector.broadcast %sub3A_247 : f32 to vector<16xf32>
      %sub3A_249 = arith.subf %mul3A_246, %sub3A_248 : vector<16xf32>
      %swap3A_250 = arith.constant 1 : i32
      %swap3A_251 = arith.index_cast %swap3A_250 : i32 to index
      %swap3A_252 = arith.index_cast %scan3A_168 : i32 to index
      %swap3A_253 = arith.constant 32 : index
      %swap3A_254 = tpu.vector_load %arg7[%swap3A_251, %swap3A_252, %swap3A_253] {strides = array<i32>} : memref<2x200x128xf32, #tpu.memory_space<vmem>>, vector<16xf32>,
      tpu.vector_store %arg7[%swap3A_251, %swap3A_252, %swap3A_253], %sub3A_249 {strides = array<i32>} : memref<2x200x128xf32, #tpu.memory_space<vmem>>, vector<16xf32>,
      %get3A_255 = arith.index_cast %scan3A_168 : i32 to index
      %get3A_256 = arith.constant 48 : index
      %get3A_257 = tpu.vector_load %arg5[%get3A_255, %get3A_256] {strides = array<i32>} : memref<200x128xi32, #tpu.memory_space<vmem>>, vector<16xi32>,
      %get3A_258 = arith.index_cast %scan3A_168 : i32 to index
      %get3A_259 = arith.constant 48 : index
      %get3A_260 = tpu.vector_load %arg6[%get3A_258, %get3A_259] {strides = array<i32>} : memref<200x128xi32, #tpu.memory_space<vmem>>, vector<16xi32>,
      %convert_element_type3A_261 = arith.sitofp %get3A_257 : vector<16xi32> to vector<16xf32>
      %mul3A_262 = arith.constant 0.666666686 : f32
      %mul3A_263 = vector.broadcast %mul3A_262 : f32 to vector<16xf32>
      %mul3A_264 = arith.mulf %convert_element_type3A_261, %mul3A_263 : vector<16xf32>
      %sub3A_265 = arith.constant 1.000000e+00 : f32
      %sub3A_266 = vector.broadcast %sub3A_265 : f32 to vector<16xf32>
      %sub3A_267 = arith.subf %mul3A_264, %sub3A_266 : vector<16xf32>
      %swap3A_268 = arith.constant 0 : i32
      %swap3A_269 = arith.index_cast %swap3A_268 : i32 to index
      %swap3A_270 = arith.index_cast %scan3A_168 : i32 to index
      %swap3A_271 = arith.constant 48 : index
      %swap3A_272 = tpu.vector_load %arg7[%swap3A_269, %swap3A_270, %swap3A_271] {strides = array<i32>} : memref<2x200x128xf32, #tpu.memory_space<vmem>>, vector<16xf32>,
      tpu.vector_store %arg7[%swap3A_269, %swap3A_270, %swap3A_271], %sub3A_267 {strides = array<i32>} : memref<2x200x128xf32, #tpu.memory_space<vmem>>, vector<16xf32>,
      %convert_element_type3A_273 = arith.sitofp %get3A_260 : vector<16xi32> to vector<16xf32>
      %mul3A_274 = arith.constant 0.666666686 : f32
      %mul3A_275 = vector.broadcast %mul3A_274 : f32 to vector<16xf32>
      %mul3A_276 = arith.mulf %convert_element_type3A_273, %mul3A_275 : vector<16xf32>
      %sub3A_277 = arith.constant 1.000000e+00 : f32
      %sub3A_278 = vector.broadcast %sub3A_277 : f32 to vector<16xf32>
      %sub3A_279 = arith.subf %mul3A_276, %sub3A_278 : vector<16xf32>
      %swap3A_280 = arith.constant 1 : i32
      %swap3A_281 = arith.index_cast %swap3A_280 : i32 to index
      %swap3A_282 = arith.index_cast %scan3A_168 : i32 to index
      %swap3A_283 = arith.constant 48 : index
      %swap3A_284 = tpu.vector_load %arg7[%swap3A_281, %swap3A_282, %swap3A_283] {strides = array<i32>} : memref<2x200x128xf32, #tpu.memory_space<vmem>>, vector<16xf32>,
      tpu.vector_store %arg7[%swap3A_281, %swap3A_282, %swap3A_283], %sub3A_279 {strides = array<i32>} : memref<2x200x128xf32, #tpu.memory_space<vmem>>, vector<16xf32>,
      %get3A_285 = arith.index_cast %scan3A_168 : i32 to index
      %get3A_286 = arith.constant 64 : index
      %get3A_287 = tpu.vector_load %arg5[%get3A_285, %get3A_286] {strides = array<i32>} : memref<200x128xi32, #tpu.memory_space<vmem>>, vector<16xi32>,
      %get3A_288 = arith.index_cast %scan3A_168 : i32 to index
      %get3A_289 = arith.constant 64 : index
      %get3A_290 = tpu.vector_load %arg6[%get3A_288, %get3A_289] {strides = array<i32>} : memref<200x128xi32, #tpu.memory_space<vmem>>, vector<16xi32>,
      %convert_element_type3A_291 = arith.sitofp %get3A_287 : vector<16xi32> to vector<16xf32>
      %mul3A_292 = arith.constant 0.666666686 : f32
      %mul3A_293 = vector.broadcast %mul3A_292 : f32 to vector<16xf32>
      %mul3A_294 = arith.mulf %convert_element_type3A_291, %mul3A_293 : vector<16xf32>
      %sub3A_295 = arith.constant 1.000000e+00 : f32
      %sub3A_296 = vector.broadcast %sub3A_295 : f32 to vector<16xf32>
      %sub3A_297 = arith.subf %mul3A_294, %sub3A_296 : vector<16xf32>
      %swap3A_298 = arith.constant 0 : i32
      %swap3A_299 = arith.index_cast %swap3A_298 : i32 to index
      %swap3A_300 = arith.index_cast %scan3A_168 : i32 to index
      %swap3A_301 = arith.constant 64 : index
      %swap3A_302 = tpu.vector_load %arg7[%swap3A_299, %swap3A_300, %swap3A_301] {strides = array<i32>} : memref<2x200x128xf32, #tpu.memory_space<vmem>>, vector<16xf32>,
      tpu.vector_store %arg7[%swap3A_299, %swap3A_300, %swap3A_301], %sub3A_297 {strides = array<i32>} : memref<2x200x128xf32, #tpu.memory_space<vmem>>, vector<16xf32>,
      %convert_element_type3A_303 = arith.sitofp %get3A_290 : vector<16xi32> to vector<16xf32>
      %mul3A_304 = arith.constant 0.666666686 : f32
      %mul3A_305 = vector.broadcast %mul3A_304 : f32 to vector<16xf32>
      %mul3A_306 = arith.mulf %convert_element_type3A_303, %mul3A_305 : vector<16xf32>
      %sub3A_307 = arith.constant 1.000000e+00 : f32
      %sub3A_308 = vector.broadcast %sub3A_307 : f32 to vector<16xf32>
      %sub3A_309 = arith.subf %mul3A_306, %sub3A_308 : vector<16xf32>
      %swap3A_310 = arith.constant 1 : i32
      %swap3A_311 = arith.index_cast %swap3A_310 : i32 to index
      %swap3A_312 = arith.index_cast %scan3A_168 : i32 to index
      %swap3A_313 = arith.constant 64 : index
      %swap3A_314 = tpu.vector_load %arg7[%swap3A_311, %swap3A_312, %swap3A_313] {strides = array<i32>} : memref<2x200x128xf32, #tpu.memory_space<vmem>>, vector<16xf32>,
      tpu.vector_store %arg7[%swap3A_311, %swap3A_312, %swap3A_313], %sub3A_309 {strides = array<i32>} : memref<2x200x128xf32, #tpu.memory_space<vmem>>, vector<16xf32>,
      %get3A_315 = arith.index_cast %scan3A_168 : i32 to index
      %get3A_316 = arith.constant 80 : index
      %get3A_317 = tpu.vector_load %arg5[%get3A_315, %get3A_316] {strides = array<i32>} : memref<200x128xi32, #tpu.memory_space<vmem>>, vector<16xi32>,
      %get3A_318 = arith.index_cast %scan3A_168 : i32 to index
      %get3A_319 = arith.constant 80 : index
      %get3A_320 = tpu.vector_load %arg6[%get3A_318, %get3A_319] {strides = array<i32>} : memref<200x128xi32, #tpu.memory_space<vmem>>, vector<16xi32>,
      %convert_element_type3A_321 = arith.sitofp %get3A_317 : vector<16xi32> to vector<16xf32>
      %mul3A_322 = arith.constant 0.666666686 : f32
      %mul3A_323 = vector.broadcast %mul3A_322 : f32 to vector<16xf32>
      %mul3A_324 = arith.mulf %convert_element_type3A_321, %mul3A_323 : vector<16xf32>
      %sub3A_325 = arith.constant 1.000000e+00 : f32
      %sub3A_326 = vector.broadcast %sub3A_325 : f32 to vector<16xf32>
      %sub3A_327 = arith.subf %mul3A_324, %sub3A_326 : vector<16xf32>
      %swap3A_328 = arith.constant 0 : i32
      %swap3A_329 = arith.index_cast %swap3A_328 : i32 to index
      %swap3A_330 = arith.index_cast %scan3A_168 : i32 to index
      %swap3A_331 = arith.constant 80 : index
      %swap3A_332 = tpu.vector_load %arg7[%swap3A_329, %swap3A_330, %swap3A_331] {strides = array<i32>} : memref<2x200x128xf32, #tpu.memory_space<vmem>>, vector<16xf32>,
      tpu.vector_store %arg7[%swap3A_329, %swap3A_330, %swap3A_331], %sub3A_327 {strides = array<i32>} : memref<2x200x128xf32, #tpu.memory_space<vmem>>, vector<16xf32>,
      %convert_element_type3A_333 = arith.sitofp %get3A_320 : vector<16xi32> to vector<16xf32>
      %mul3A_334 = arith.constant 0.666666686 : f32
      %mul3A_335 = vector.broadcast %mul3A_334 : f32 to vector<16xf32>
      %mul3A_336 = arith.mulf %convert_element_type3A_333, %mul3A_335 : vector<16xf32>
      %sub3A_337 = arith.constant 1.000000e+00 : f32
      %sub3A_338 = vector.broadcast %sub3A_337 : f32 to vector<16xf32>
      %sub3A_339 = arith.subf %mul3A_336, %sub3A_338 : vector<16xf32>
      %swap3A_340 = arith.constant 1 : i32
      %swap3A_341 = arith.index_cast %swap3A_340 : i32 to index
      %swap3A_342 = arith.index_cast %scan3A_168 : i32 to index
      %swap3A_343 = arith.constant 80 : index
      %swap3A_344 = tpu.vector_load %arg7[%swap3A_341, %swap3A_342, %swap3A_343] {strides = array<i32>} : memref<2x200x128xf32, #tpu.memory_space<vmem>>, vector<16xf32>,
      tpu.vector_store %arg7[%swap3A_341, %swap3A_342, %swap3A_343], %sub3A_339 {strides = array<i32>} : memref<2x200x128xf32, #tpu.memory_space<vmem>>, vector<16xf32>,
      %get3A_345 = arith.index_cast %scan3A_168 : i32 to index
      %get3A_346 = arith.constant 96 : index
      %get3A_347 = tpu.vector_load %arg5[%get3A_345, %get3A_346] {strides = array<i32>} : memref<200x128xi32, #tpu.memory_space<vmem>>, vector<16xi32>,
      %get3A_348 = arith.index_cast %scan3A_168 : i32 to index
      %get3A_349 = arith.constant 96 : index
      %get3A_350 = tpu.vector_load %arg6[%get3A_348, %get3A_349] {strides = array<i32>} : memref<200x128xi32, #tpu.memory_space<vmem>>, vector<16xi32>,
      %convert_element_type3A_351 = arith.sitofp %get3A_347 : vector<16xi32> to vector<16xf32>
      %mul3A_352 = arith.constant 0.666666686 : f32
      %mul3A_353 = vector.broadcast %mul3A_352 : f32 to vector<16xf32>
      %mul3A_354 = arith.mulf %convert_element_type3A_351, %mul3A_353 : vector<16xf32>
      %sub3A_355 = arith.constant 1.000000e+00 : f32
      %sub3A_356 = vector.broadcast %sub3A_355 : f32 to vector<16xf32>
      %sub3A_357 = arith.subf %mul3A_354, %sub3A_356 : vector<16xf32>
      %swap3A_358 = arith.constant 0 : i32
      %swap3A_359 = arith.index_cast %swap3A_358 : i32 to index
      %swap3A_360 = arith.index_cast %scan3A_168 : i32 to index
      %swap3A_361 = arith.constant 96 : index
      %swap3A_362 = tpu.vector_load %arg7[%swap3A_359, %swap3A_360, %swap3A_361] {strides = array<i32>} : memref<2x200x128xf32, #tpu.memory_space<vmem>>, vector<16xf32>,
      tpu.vector_store %arg7[%swap3A_359, %swap3A_360, %swap3A_361], %sub3A_357 {strides = array<i32>} : memref<2x200x128xf32, #tpu.memory_space<vmem>>, vector<16xf32>,
      %convert_element_type3A_363 = arith.sitofp %get3A_350 : vector<16xi32> to vector<16xf32>
      %mul3A_364 = arith.constant 0.666666686 : f32
      %mul3A_365 = vector.broadcast %mul3A_364 : f32 to vector<16xf32>
      %mul3A_366 = arith.mulf %convert_element_type3A_363, %mul3A_365 : vector<16xf32>
      %sub3A_367 = arith.constant 1.000000e+00 : f32
      %sub3A_368 = vector.broadcast %sub3A_367 : f32 to vector<16xf32>
      %sub3A_369 = arith.subf %mul3A_366, %sub3A_368 : vector<16xf32>
      %swap3A_370 = arith.constant 1 : i32
      %swap3A_371 = arith.index_cast %swap3A_370 : i32 to index
      %swap3A_372 = arith.index_cast %scan3A_168 : i32 to index
      %swap3A_373 = arith.constant 96 : index
      %swap3A_374 = tpu.vector_load %arg7[%swap3A_371, %swap3A_372, %swap3A_373] {strides = array<i32>} : memref<2x200x128xf32, #tpu.memory_space<vmem>>, vector<16xf32>,
      tpu.vector_store %arg7[%swap3A_371, %swap3A_372, %swap3A_373], %sub3A_369 {strides = array<i32>} : memref<2x200x128xf32, #tpu.memory_space<vmem>>, vector<16xf32>,
      %get3A_375 = arith.index_cast %scan3A_168 : i32 to index
      %get3A_376 = arith.constant 112 : index
      %get3A_377 = tpu.vector_load %arg5[%get3A_375, %get3A_376] {strides = array<i32>} : memref<200x128xi32, #tpu.memory_space<vmem>>, vector<16xi32>,
      %get3A_378 = arith.index_cast %scan3A_168 : i32 to index
      %get3A_379 = arith.constant 112 : index
      %get3A_380 = tpu.vector_load %arg6[%get3A_378, %get3A_379] {strides = array<i32>} : memref<200x128xi32, #tpu.memory_space<vmem>>, vector<16xi32>,
      %convert_element_type3A_381 = arith.sitofp %get3A_377 : vector<16xi32> to vector<16xf32>
      %mul3A_382 = arith.constant 0.666666686 : f32
      %mul3A_383 = vector.broadcast %mul3A_382 : f32 to vector<16xf32>
      %mul3A_384 = arith.mulf %convert_element_type3A_381, %mul3A_383 : vector<16xf32>
      %sub3A_385 = arith.constant 1.000000e+00 : f32
      %sub3A_386 = vector.broadcast %sub3A_385 : f32 to vector<16xf32>
      %sub3A_387 = arith.subf %mul3A_384, %sub3A_386 : vector<16xf32>
      %swap3A_388 = arith.constant 0 : i32
      %swap3A_389 = arith.index_cast %swap3A_388 : i32 to index
      %swap3A_390 = arith.index_cast %scan3A_168 : i32 to index
      %swap3A_391 = arith.constant 112 : index
      %swap3A_392 = tpu.vector_load %arg7[%swap3A_389, %swap3A_390, %swap3A_391] {strides = array<i32>} : memref<2x200x128xf32, #tpu.memory_space<vmem>>, vector<16xf32>,
      tpu.vector_store %arg7[%swap3A_389, %swap3A_390, %swap3A_391], %sub3A_387 {strides = array<i32>} : memref<2x200x128xf32, #tpu.memory_space<vmem>>, vector<16xf32>,
      %convert_element_type3A_393 = arith.sitofp %get3A_380 : vector<16xi32> to vector<16xf32>
      %mul3A_394 = arith.constant 0.666666686 : f32
      %mul3A_395 = vector.broadcast %mul3A_394 : f32 to vector<16xf32>
      %mul3A_396 = arith.mulf %convert_element_type3A_393, %mul3A_395 : vector<16xf32>
      %sub3A_397 = arith.constant 1.000000e+00 : f32
      %sub3A_398 = vector.broadcast %sub3A_397 : f32 to vector<16xf32>
      %sub3A_399 = arith.subf %mul3A_396, %sub3A_398 : vector<16xf32>
      %swap3A_400 = arith.constant 1 : i32
      %swap3A_401 = arith.index_cast %swap3A_400 : i32 to index
      %swap3A_402 = arith.index_cast %scan3A_168 : i32 to index
      %swap3A_403 = arith.constant 112 : index
      %swap3A_404 = tpu.vector_load %arg7[%swap3A_401, %swap3A_402, %swap3A_403] {strides = array<i32>} : memref<2x200x128xf32, #tpu.memory_space<vmem>>, vector<16xf32>,
      tpu.vector_store %arg7[%swap3A_401, %swap3A_402, %swap3A_403], %sub3A_399 {strides = array<i32>} : memref<2x200x128xf32, #tpu.memory_space<vmem>>, vector<16xf32>,
      %scan3A_405 = arith.constant 1 : i32
      %scan3A_406 = arith.addi %scan3A_168, %scan3A_405 : i32
      %get3A_407 = arith.index_cast %scan3A_406 : i32 to index
      %get3A_408 = arith.constant 0 : index
      %get3A_409 = tpu.vector_load %arg5[%get3A_407, %get3A_408] {strides = array<i32>} : memref<200x128xi32, #tpu.memory_space<vmem>>, vector<16xi32>,
      %get3A_410 = arith.index_cast %scan3A_406 : i32 to index
      %get3A_411 = arith.constant 0 : index
      %get3A_412 = tpu.vector_load %arg6[%get3A_410, %get3A_411] {strides = array<i32>} : memref<200x128xi32, #tpu.memory_space<vmem>>, vector<16xi32>,
      %convert_element_type3A_413 = arith.sitofp %get3A_409 : vector<16xi32> to vector<16xf32>
      %mul3A_414 = arith.constant 0.666666686 : f32
      %mul3A_415 = vector.broadcast %mul3A_414 : f32 to vector<16xf32>
      %mul3A_416 = arith.mulf %convert_element_type3A_413, %mul3A_415 : vector<16xf32>
      %sub3A_417 = arith.constant 1.000000e+00 : f32
      %sub3A_418 = vector.broadcast %sub3A_417 : f32 to vector<16xf32>
      %sub3A_419 = arith.subf %mul3A_416, %sub3A_418 : vector<16xf32>
      %swap3A_420 = arith.constant 0 : i32
      %swap3A_421 = arith.index_cast %swap3A_420 : i32 to index
      %swap3A_422 = arith.index_cast %scan3A_406 : i32 to index
      %swap3A_423 = arith.constant 0 : index
      %swap3A_424 = tpu.vector_load %arg7[%swap3A_421, %swap3A_422, %swap3A_423] {strides = array<i32>} : memref<2x200x128xf32, #tpu.memory_space<vmem>>, vector<16xf32>,
      tpu.vector_store %arg7[%swap3A_421, %swap3A_422, %swap3A_423], %sub3A_419 {strides = array<i32>} : memref<2x200x128xf32, #tpu.memory_space<vmem>>, vector<16xf32>,
      %convert_element_type3A_425 = arith.sitofp %get3A_412 : vector<16xi32> to vector<16xf32>
      %mul3A_426 = arith.constant 0.666666686 : f32
      %mul3A_427 = vector.broadcast %mul3A_426 : f32 to vector<16xf32>
      %mul3A_428 = arith.mulf %convert_element_type3A_425, %mul3A_427 : vector<16xf32>
      %sub3A_429 = arith.constant 1.000000e+00 : f32
      %sub3A_430 = vector.broadcast %sub3A_429 : f32 to vector<16xf32>
      %sub3A_431 = arith.subf %mul3A_428, %sub3A_430 : vector<16xf32>
      %swap3A_432 = arith.constant 1 : i32
      %swap3A_433 = arith.index_cast %swap3A_432 : i32 to index
      %swap3A_434 = arith.index_cast %scan3A_406 : i32 to index
      %swap3A_435 = arith.constant 0 : index
      %swap3A_436 = tpu.vector_load %arg7[%swap3A_433, %swap3A_434, %swap3A_435] {strides = array<i32>} : memref<2x200x128xf32, #tpu.memory_space<vmem>>, vector<16xf32>,
      tpu.vector_store %arg7[%swap3A_433, %swap3A_434, %swap3A_435], %sub3A_431 {strides = array<i32>} : memref<2x200x128xf32, #tpu.memory_space<vmem>>, vector<16xf32>,
      %get3A_437 = arith.index_cast %scan3A_406 : i32 to index
      %get3A_438 = arith.constant 16 : index
      %get3A_439 = tpu.vector_load %arg5[%get3A_437, %get3A_438] {strides = array<i32>} : memref<200x128xi32, #tpu.memory_space<vmem>>, vector<16xi32>,
      %get3A_440 = arith.index_cast %scan3A_406 : i32 to index
      %get3A_441 = arith.constant 16 : index
      %get3A_442 = tpu.vector_load %arg6[%get3A_440, %get3A_441] {strides = array<i32>} : memref<200x128xi32, #tpu.memory_space<vmem>>, vector<16xi32>,
      %convert_element_type3A_443 = arith.sitofp %get3A_439 : vector<16xi32> to vector<16xf32>
      %mul3A_444 = arith.constant 0.666666686 : f32
      %mul3A_445 = vector.broadcast %mul3A_444 : f32 to vector<16xf32>
      %mul3A_446 = arith.mulf %convert_element_type3A_443, %mul3A_445 : vector<16xf32>
      %sub3A_447 = arith.constant 1.000000e+00 : f32
      %sub3A_448 = vector.broadcast %sub3A_447 : f32 to vector<16xf32>
      %sub3A_449 = arith.subf %mul3A_446, %sub3A_448 : vector<16xf32>
      %swap3A_450 = arith.constant 0 : i32
      %swap3A_451 = arith.index_cast %swap3A_450 : i32 to index
      %swap3A_452 = arith.index_cast %scan3A_406 : i32 to index
      %swap3A_453 = arith.constant 16 : index
      %swap3A_454 = tpu.vector_load %arg7[%swap3A_451, %swap3A_452, %swap3A_453] {strides = array<i32>} : memref<2x200x128xf32, #tpu.memory_space<vmem>>, vector<16xf32>,
      tpu.vector_store %arg7[%swap3A_451, %swap3A_452, %swap3A_453], %sub3A_449 {strides = array<i32>} : memref<2x200x128xf32, #tpu.memory_space<vmem>>, vector<16xf32>,
      %convert_element_type3A_455 = arith.sitofp %get3A_442 : vector<16xi32> to vector<16xf32>
      %mul3A_456 = arith.constant 0.666666686 : f32
      %mul3A_457 = vector.broadcast %mul3A_456 : f32 to vector<16xf32>
      %mul3A_458 = arith.mulf %convert_element_type3A_455, %mul3A_457 : vector<16xf32>
      %sub3A_459 = arith.constant 1.000000e+00 : f32
      %sub3A_460 = vector.broadcast %sub3A_459 : f32 to vector<16xf32>
      %sub3A_461 = arith.subf %mul3A_458, %sub3A_460 : vector<16xf32>
      %swap3A_462 = arith.constant 1 : i32
      %swap3A_463 = arith.index_cast %swap3A_462 : i32 to index
      %swap3A_464 = arith.index_cast %scan3A_406 : i32 to index
      %swap3A_465 = arith.constant 16 : index
      %swap3A_466 = tpu.vector_load %arg7[%swap3A_463, %swap3A_464, %swap3A_465] {strides = array<i32>} : memref<2x200x128xf32, #tpu.memory_space<vmem>>, vector<16xf32>,
      tpu.vector_store %arg7[%swap3A_463, %swap3A_464, %swap3A_465], %sub3A_461 {strides = array<i32>} : memref<2x200x128xf32, #tpu.memory_space<vmem>>, vector<16xf32>,
      %get3A_467 = arith.index_cast %scan3A_406 : i32 to index
      %get3A_468 = arith.constant 32 : index
      %get3A_469 = tpu.vector_load %arg5[%get3A_467, %get3A_468] {strides = array<i32>} : memref<200x128xi32, #tpu.memory_space<vmem>>, vector<16xi32>,
      %get3A_470 = arith.index_cast %scan3A_406 : i32 to index
      %get3A_471 = arith.constant 32 : index
      %get3A_472 = tpu.vector_load %arg6[%get3A_470, %get3A_471] {strides = array<i32>} : memref<200x128xi32, #tpu.memory_space<vmem>>, vector<16xi32>,
      %convert_element_type3A_473 = arith.sitofp %get3A_469 : vector<16xi32> to vector<16xf32>
      %mul3A_474 = arith.constant 0.666666686 : f32
      %mul3A_475 = vector.broadcast %mul3A_474 : f32 to vector<16xf32>
      %mul3A_476 = arith.mulf %convert_element_type3A_473, %mul3A_475 : vector<16xf32>
      %sub3A_477 = arith.constant 1.000000e+00 : f32
      %sub3A_478 = vector.broadcast %sub3A_477 : f32 to vector<16xf32>
      %sub3A_479 = arith.subf %mul3A_476, %sub3A_478 : vector<16xf32>
      %swap3A_480 = arith.constant 0 : i32
      %swap3A_481 = arith.index_cast %swap3A_480 : i32 to index
      %swap3A_482 = arith.index_cast %scan3A_406 : i32 to index
      %swap3A_483 = arith.constant 32 : index
      %swap3A_484 = tpu.vector_load %arg7[%swap3A_481, %swap3A_482, %swap3A_483] {strides = array<i32>} : memref<2x200x128xf32, #tpu.memory_space<vmem>>, vector<16xf32>,
      tpu.vector_store %arg7[%swap3A_481, %swap3A_482, %swap3A_483], %sub3A_479 {strides = array<i32>} : memref<2x200x128xf32, #tpu.memory_space<vmem>>, vector<16xf32>,
      %convert_element_type3A_485 = arith.sitofp %get3A_472 : vector<16xi32> to vector<16xf32>
      %mul3A_486 = arith.constant 0.666666686 : f32
      %mul3A_487 = vector.broadcast %mul3A_486 : f32 to vector<16xf32>
      %mul3A_488 = arith.mulf %convert_element_type3A_485, %mul3A_487 : vector<16xf32>
      %sub3A_489 = arith.constant 1.000000e+00 : f32
      %sub3A_490 = vector.broadcast %sub3A_489 : f32 to vector<16xf32>
      %sub3A_491 = arith.subf %mul3A_488, %sub3A_490 : vector<16xf32>
      %swap3A_492 = arith.constant 1 : i32
      %swap3A_493 = arith.index_cast %swap3A_492 : i32 to index
      %swap3A_494 = arith.index_cast %scan3A_406 : i32 to index
      %swap3A_495 = arith.constant 32 : index
      %swap3A_496 = tpu.vector_load %arg7[%swap3A_493, %swap3A_494, %swap3A_495] {strides = array<i32>} : memref<2x200x128xf32, #tpu.memory_space<vmem>>, vector<16xf32>,
      tpu.vector_store %arg7[%swap3A_493, %swap3A_494, %swap3A_495], %sub3A_491 {strides = array<i32>} : memref<2x200x128xf32, #tpu.memory_space<vmem>>, vector<16xf32>,
      %get3A_497 = arith.index_cast %scan3A_406 : i32 to index
      %get3A_498 = arith.constant 48 : index
      %get3A_499 = tpu.vector_load %arg5[%get3A_497, %get3A_498] {strides = array<i32>} : memref<200x128xi32, #tpu.memory_space<vmem>>, vector<16xi32>,
      %get3A_500 = arith.index_cast %scan3A_406 : i32 to index
      %get3A_501 = arith.constant 48 : index
      %get3A_502 = tpu.vector_load %arg6[%get3A_500, %get3A_501] {strides = array<i32>} : memref<200x128xi32, #tpu.memory_space<vmem>>, vector<16xi32>,
      %convert_element_type3A_503 = arith.sitofp %get3A_499 : vector<16xi32> to vector<16xf32>
      %mul3A_504 = arith.constant 0.666666686 : f32
      %mul3A_505 = vector.broadcast %mul3A_504 : f32 to vector<16xf32>
      %mul3A_506 = arith.mulf %convert_element_type3A_503, %mul3A_505 : vector<16xf32>
      %sub3A_507 = arith.constant 1.000000e+00 : f32
      %sub3A_508 = vector.broadcast %sub3A_507 : f32 to vector<16xf32>
      %sub3A_509 = arith.subf %mul3A_506, %sub3A_508 : vector<16xf32>
      %swap3A_510 = arith.constant 0 : i32
      %swap3A_511 = arith.index_cast %swap3A_510 : i32 to index
      %swap3A_512 = arith.index_cast %scan3A_406 : i32 to index
      %swap3A_513 = arith.constant 48 : index
      %swap3A_514 = tpu.vector_load %arg7[%swap3A_511, %swap3A_512, %swap3A_513] {strides = array<i32>} : memref<2x200x128xf32, #tpu.memory_space<vmem>>, vector<16xf32>,
      tpu.vector_store %arg7[%swap3A_511, %swap3A_512, %swap3A_513], %sub3A_509 {strides = array<i32>} : memref<2x200x128xf32, #tpu.memory_space<vmem>>, vector<16xf32>,
      %convert_element_type3A_515 = arith.sitofp %get3A_502 : vector<16xi32> to vector<16xf32>
      %mul3A_516 = arith.constant 0.666666686 : f32
      %mul3A_517 = vector.broadcast %mul3A_516 : f32 to vector<16xf32>
      %mul3A_518 = arith.mulf %convert_element_type3A_515, %mul3A_517 : vector<16xf32>
      %sub3A_519 = arith.constant 1.000000e+00 : f32
      %sub3A_520 = vector.broadcast %sub3A_519 : f32 to vector<16xf32>
      %sub3A_521 = arith.subf %mul3A_518, %sub3A_520 : vector<16xf32>
      %swap3A_522 = arith.constant 1 : i32
      %swap3A_523 = arith.index_cast %swap3A_522 : i32 to index
      %swap3A_524 = arith.index_cast %scan3A_406 : i32 to index
      %swap3A_525 = arith.constant 48 : index
      %swap3A_526 = tpu.vector_load %arg7[%swap3A_523, %swap3A_524, %swap3A_525] {strides = array<i32>} : memref<2x200x128xf32, #tpu.memory_space<vmem>>, vector<16xf32>,
      tpu.vector_store %arg7[%swap3A_523, %swap3A_524, %swap3A_525], %sub3A_521 {strides = array<i32>} : memref<2x200x128xf32, #tpu.memory_space<vmem>>, vector<16xf32>,
      %get3A_527 = arith.index_cast %scan3A_406 : i32 to index
      %get3A_528 = arith.constant 64 : index
      %get3A_529 = tpu.vector_load %arg5[%get3A_527, %get3A_528] {strides = array<i32>} : memref<200x128xi32, #tpu.memory_space<vmem>>, vector<16xi32>,
      %get3A_530 = arith.index_cast %scan3A_406 : i32 to index
      %get3A_531 = arith.constant 64 : index
      %get3A_532 = tpu.vector_load %arg6[%get3A_530, %get3A_531] {strides = array<i32>} : memref<200x128xi32, #tpu.memory_space<vmem>>, vector<16xi32>,
      %convert_element_type3A_533 = arith.sitofp %get3A_529 : vector<16xi32> to vector<16xf32>
      %mul3A_534 = arith.constant 0.666666686 : f32
      %mul3A_535 = vector.broadcast %mul3A_534 : f32 to vector<16xf32>
      %mul3A_536 = arith.mulf %convert_element_type3A_533, %mul3A_535 : vector<16xf32>
      %sub3A_537 = arith.constant 1.000000e+00 : f32
      %sub3A_538 = vector.broadcast %sub3A_537 : f32 to vector<16xf32>
      %sub3A_539 = arith.subf %mul3A_536, %sub3A_538 : vector<16xf32>
      %swap3A_540 = arith.constant 0 : i32
      %swap3A_541 = arith.index_cast %swap3A_540 : i32 to index
      %swap3A_542 = arith.index_cast %scan3A_406 : i32 to index
      %swap3A_543 = arith.constant 64 : index
      %swap3A_544 = tpu.vector_load %arg7[%swap3A_541, %swap3A_542, %swap3A_543] {strides = array<i32>} : memref<2x200x128xf32, #tpu.memory_space<vmem>>, vector<16xf32>,
      tpu.vector_store %arg7[%swap3A_541, %swap3A_542, %swap3A_543], %sub3A_539 {strides = array<i32>} : memref<2x200x128xf32, #tpu.memory_space<vmem>>, vector<16xf32>,
      %convert_element_type3A_545 = arith.sitofp %get3A_532 : vector<16xi32> to vector<16xf32>
      %mul3A_546 = arith.constant 0.666666686 : f32
      %mul3A_547 = vector.broadcast %mul3A_546 : f32 to vector<16xf32>
      %mul3A_548 = arith.mulf %convert_element_type3A_545, %mul3A_547 : vector<16xf32>
      %sub3A_549 = arith.constant 1.000000e+00 : f32
      %sub3A_550 = vector.broadcast %sub3A_549 : f32 to vector<16xf32>
      %sub3A_551 = arith.subf %mul3A_548, %sub3A_550 : vector<16xf32>
      %swap3A_552 = arith.constant 1 : i32
      %swap3A_553 = arith.index_cast %swap3A_552 : i32 to index
      %swap3A_554 = arith.index_cast %scan3A_406 : i32 to index
      %swap3A_555 = arith.constant 64 : index
      %swap3A_556 = tpu.vector_load %arg7[%swap3A_553, %swap3A_554, %swap3A_555] {strides = array<i32>} : memref<2x200x128xf32, #tpu.memory_space<vmem>>, vector<16xf32>,
      tpu.vector_store %arg7[%swap3A_553, %swap3A_554, %swap3A_555], %sub3A_551 {strides = array<i32>} : memref<2x200x128xf32, #tpu.memory_space<vmem>>, vector<16xf32>,
      %get3A_557 = arith.index_cast %scan3A_406 : i32 to index
      %get3A_558 = arith.constant 80 : index
      %get3A_559 = tpu.vector_load %arg5[%get3A_557, %get3A_558] {strides = array<i32>} : memref<200x128xi32, #tpu.memory_space<vmem>>, vector<16xi32>,
      %get3A_560 = arith.index_cast %scan3A_406 : i32 to index
      %get3A_561 = arith.constant 80 : index
      %get3A_562 = tpu.vector_load %arg6[%get3A_560, %get3A_561] {strides = array<i32>} : memref<200x128xi32, #tpu.memory_space<vmem>>, vector<16xi32>,
      %convert_element_type3A_563 = arith.sitofp %get3A_559 : vector<16xi32> to vector<16xf32>
      %mul3A_564 = arith.constant 0.666666686 : f32
      %mul3A_565 = vector.broadcast %mul3A_564 : f32 to vector<16xf32>
      %mul3A_566 = arith.mulf %convert_element_type3A_563, %mul3A_565 : vector<16xf32>
      %sub3A_567 = arith.constant 1.000000e+00 : f32
      %sub3A_568 = vector.broadcast %sub3A_567 : f32 to vector<16xf32>
      %sub3A_569 = arith.subf %mul3A_566, %sub3A_568 : vector<16xf32>
      %swap3A_570 = arith.constant 0 : i32
      %swap3A_571 = arith.index_cast %swap3A_570 : i32 to index
      %swap3A_572 = arith.index_cast %scan3A_406 : i32 to index
      %swap3A_573 = arith.constant 80 : index
      %swap3A_574 = tpu.vector_load %arg7[%swap3A_571, %swap3A_572, %swap3A_573] {strides = array<i32>} : memref<2x200x128xf32, #tpu.memory_space<vmem>>, vector<16xf32>,
      tpu.vector_store %arg7[%swap3A_571, %swap3A_572, %swap3A_573], %sub3A_569 {strides = array<i32>} : memref<2x200x128xf32, #tpu.memory_space<vmem>>, vector<16xf32>,
      %convert_element_type3A_575 = arith.sitofp %get3A_562 : vector<16xi32> to vector<16xf32>
      %mul3A_576 = arith.constant 0.666666686 : f32
      %mul3A_577 = vector.broadcast %mul3A_576 : f32 to vector<16xf32>
      %mul3A_578 = arith.mulf %convert_element_type3A_575, %mul3A_577 : vector<16xf32>
      %sub3A_579 = arith.constant 1.000000e+00 : f32
      %sub3A_580 = vector.broadcast %sub3A_579 : f32 to vector<16xf32>
      %sub3A_581 = arith.subf %mul3A_578, %sub3A_580 : vector<16xf32>
      %swap3A_582 = arith.constant 1 : i32
      %swap3A_583 = arith.index_cast %swap3A_582 : i32 to index
      %swap3A_584 = arith.index_cast %scan3A_406 : i32 to index
      %swap3A_585 = arith.constant 80 : index
      %swap3A_586 = tpu.vector_load %arg7[%swap3A_583, %swap3A_584, %swap3A_585] {strides = array<i32>} : memref<2x200x128xf32, #tpu.memory_space<vmem>>, vector<16xf32>,
      tpu.vector_store %arg7[%swap3A_583, %swap3A_584, %swap3A_585], %sub3A_581 {strides = array<i32>} : memref<2x200x128xf32, #tpu.memory_space<vmem>>, vector<16xf32>,
      %get3A_587 = arith.index_cast %scan3A_406 : i32 to index
      %get3A_588 = arith.constant 96 : index
      %get3A_589 = tpu.vector_load %arg5[%get3A_587, %get3A_588] {strides = array<i32>} : memref<200x128xi32, #tpu.memory_space<vmem>>, vector<16xi32>,
      %get3A_590 = arith.index_cast %scan3A_406 : i32 to index
      %get3A_591 = arith.constant 96 : index
      %get3A_592 = tpu.vector_load %arg6[%get3A_590, %get3A_591] {strides = array<i32>} : memref<200x128xi32, #tpu.memory_space<vmem>>, vector<16xi32>,
      %convert_element_type3A_593 = arith.sitofp %get3A_589 : vector<16xi32> to vector<16xf32>
      %mul3A_594 = arith.constant 0.666666686 : f32
      %mul3A_595 = vector.broadcast %mul3A_594 : f32 to vector<16xf32>
      %mul3A_596 = arith.mulf %convert_element_type3A_593, %mul3A_595 : vector<16xf32>
      %sub3A_597 = arith.constant 1.000000e+00 : f32
      %sub3A_598 = vector.broadcast %sub3A_597 : f32 to vector<16xf32>
      %sub3A_599 = arith.subf %mul3A_596, %sub3A_598 : vector<16xf32>
      %swap3A_600 = arith.constant 0 : i32
      %swap3A_601 = arith.index_cast %swap3A_600 : i32 to index
      %swap3A_602 = arith.index_cast %scan3A_406 : i32 to index
      %swap3A_603 = arith.constant 96 : index
      %swap3A_604 = tpu.vector_load %arg7[%swap3A_601, %swap3A_602, %swap3A_603] {strides = array<i32>} : memref<2x200x128xf32, #tpu.memory_space<vmem>>, vector<16xf32>,
      tpu.vector_store %arg7[%swap3A_601, %swap3A_602, %swap3A_603], %sub3A_599 {strides = array<i32>} : memref<2x200x128xf32, #tpu.memory_space<vmem>>, vector<16xf32>,
      %convert_element_type3A_605 = arith.sitofp %get3A_592 : vector<16xi32> to vector<16xf32>
      %mul3A_606 = arith.constant 0.666666686 : f32
      %mul3A_607 = vector.broadcast %mul3A_606 : f32 to vector<16xf32>
      %mul3A_608 = arith.mulf %convert_element_type3A_605, %mul3A_607 : vector<16xf32>
      %sub3A_609 = arith.constant 1.000000e+00 : f32
      %sub3A_610 = vector.broadcast %sub3A_609 : f32 to vector<16xf32>
      %sub3A_611 = arith.subf %mul3A_608, %sub3A_610 : vector<16xf32>
      %swap3A_612 = arith.constant 1 : i32
      %swap3A_613 = arith.index_cast %swap3A_612 : i32 to index
      %swap3A_614 = arith.index_cast %scan3A_406 : i32 to index
      %swap3A_615 = arith.constant 96 : index
      %swap3A_616 = tpu.vector_load %arg7[%swap3A_613, %swap3A_614, %swap3A_615] {strides = array<i32>} : memref<2x200x128xf32, #tpu.memory_space<vmem>>, vector<16xf32>,
      tpu.vector_store %arg7[%swap3A_613, %swap3A_614, %swap3A_615], %sub3A_611 {strides = array<i32>} : memref<2x200x128xf32, #tpu.memory_space<vmem>>, vector<16xf32>,
      %get3A_617 = arith.index_cast %scan3A_406 : i32 to index
      %get3A_618 = arith.constant 112 : index
      %get3A_619 = tpu.vector_load %arg5[%get3A_617, %get3A_618] {strides = array<i32>} : memref<200x128xi32, #tpu.memory_space<vmem>>, vector<16xi32>,
      %get3A_620 = arith.index_cast %scan3A_406 : i32 to index
      %get3A_621 = arith.constant 112 : index
      %get3A_622 = tpu.vector_load %arg6[%get3A_620, %get3A_621] {strides = array<i32>} : memref<200x128xi32, #tpu.memory_space<vmem>>, vector<16xi32>,
      %convert_element_type3A_623 = arith.sitofp %get3A_619 : vector<16xi32> to vector<16xf32>
      %mul3A_624 = arith.constant 0.666666686 : f32
      %mul3A_625 = vector.broadcast %mul3A_624 : f32 to vector<16xf32>
      %mul3A_626 = arith.mulf %convert_element_type3A_623, %mul3A_625 : vector<16xf32>
      %sub3A_627 = arith.constant 1.000000e+00 : f32
      %sub3A_628 = vector.broadcast %sub3A_627 : f32 to vector<16xf32>
      %sub3A_629 = arith.subf %mul3A_626, %sub3A_628 : vector<16xf32>
      %swap3A_630 = arith.constant 0 : i32
      %swap3A_631 = arith.index_cast %swap3A_630 : i32 to index
      %swap3A_632 = arith.index_cast %scan3A_406 : i32 to index
      %swap3A_633 = arith.constant 112 : index
      %swap3A_634 = tpu.vector_load %arg7[%swap3A_631, %swap3A_632, %swap3A_633] {strides = array<i32>} : memref<2x200x128xf32, #tpu.memory_space<vmem>>, vector<16xf32>,
      tpu.vector_store %arg7[%swap3A_631, %swap3A_632, %swap3A_633], %sub3A_629 {strides = array<i32>} : memref<2x200x128xf32, #tpu.memory_space<vmem>>, vector<16xf32>,
      %convert_element_type3A_635 = arith.sitofp %get3A_622 : vector<16xi32> to vector<16xf32>
      %mul3A_636 = arith.constant 0.666666686 : f32
      %mul3A_637 = vector.broadcast %mul3A_636 : f32 to vector<16xf32>
      %mul3A_638 = arith.mulf %convert_element_type3A_635, %mul3A_637 : vector<16xf32>
      %sub3A_639 = arith.constant 1.000000e+00 : f32
      %sub3A_640 = vector.broadcast %sub3A_639 : f32 to vector<16xf32>
      %sub3A_641 = arith.subf %mul3A_638, %sub3A_640 : vector<16xf32>
      %swap3A_642 = arith.constant 1 : i32
      %swap3A_643 = arith.index_cast %swap3A_642 : i32 to index
      %swap3A_644 = arith.index_cast %scan3A_406 : i32 to index
      %swap3A_645 = arith.constant 112 : index
      %swap3A_646 = tpu.vector_load %arg7[%swap3A_643, %swap3A_644, %swap3A_645] {strides = array<i32>} : memref<2x200x128xf32, #tpu.memory_space<vmem>>, vector<16xf32>,
      tpu.vector_store %arg7[%swap3A_643, %swap3A_644, %swap3A_645], %sub3A_641 {strides = array<i32>} : memref<2x200x128xf32, #tpu.memory_space<vmem>>, vector<16xf32>,
    }
    %scan3A_67 = arith.constant 200 : i32
    %add3A_68 = arith.constant 128 : i32
    %add3A_69 = arith.addi %mul3A_2, %add3A_68 : i32
    %dma_start3A_70 = arith.constant 0 : i32
    %dma_start3A_71 = arith.constant 0 : i32
    %dma_start3A_72 = tpu.memref_slice %arg4[%dma_start3A_70, %dma_start3A_71, %add3A_69] : memref<2x200x16384xf32, #tpu.memory_space<hbm>> -> memref<2x200x128xf32, #tpu.memory_space<hbm>>
    %dma_start3A_73 = arith.constant 0 : i32
    %dma_start3A_74 = arith.constant 0 : i32
    %dma_start3A_75 = tpu.memref_slice %arg4[%dma_start3A_73, %dma_start3A_74, %add3A_69] : memref<2x200x16384xf32, #tpu.memory_space<hbm>> -> memref<2x200x128xf32, #tpu.memory_space<hbm>>
    tpu.enqueue_dma source(%arg7 : memref<2x200x128xf32, #tpu.memory_space<vmem>>) target(%dma_start3A_75 : memref<2x200x128xf32, #tpu.memory_space<hbm>>) target_semaphore(%arg10 : memref<!tpu.dma_semaphore, #tpu.memory_space<semaphore_mem>>)
    %add3A_76 = arith.constant 256 : i32
    %add3A_77 = arith.addi %mul3A_2, %add3A_76 : i32
    %dma_start3A_78 = arith.constant 0 : i32
    %dma_start3A_79 = tpu.memref_slice %arg2[%dma_start3A_78, %add3A_77] : memref<200x16384xi32, #tpu.memory_space<hbm>> -> memref<200x128xi32, #tpu.memory_space<hbm>>
    %dma_start3A_80 = arith.constant 0 : i32
    %dma_start3A_81 = tpu.memref_slice %arg2[%dma_start3A_80, %add3A_77] : memref<200x16384xi32, #tpu.memory_space<hbm>> -> memref<200x128xi32, #tpu.memory_space<hbm>>
    tpu.enqueue_dma source(%dma_start3A_81 : memref<200x128xi32, #tpu.memory_space<hbm>>) target(%arg5 : memref<200x128xi32, #tpu.memory_space<vmem>>) target_semaphore(%arg8 : memref<!tpu.dma_semaphore, #tpu.memory_space<semaphore_mem>>)
    %dma_start3A_82 = arith.constant 0 : i32
    %dma_start3A_83 = tpu.memref_slice %arg3[%dma_start3A_82, %add3A_77] : memref<200x16384xi32, #tpu.memory_space<hbm>> -> memref<200x128xi32, #tpu.memory_space<hbm>>
    %dma_start3A_84 = arith.constant 0 : i32
    %dma_start3A_85 = tpu.memref_slice %arg3[%dma_start3A_84, %add3A_77] : memref<200x16384xi32, #tpu.memory_space<hbm>> -> memref<200x128xi32, #tpu.memory_space<hbm>>
    tpu.enqueue_dma source(%dma_start3A_85 : memref<200x128xi32, #tpu.memory_space<hbm>>) target(%arg6 : memref<200x128xi32, #tpu.memory_space<vmem>>) target_semaphore(%arg9 : memref<!tpu.dma_semaphore, #tpu.memory_space<semaphore_mem>>)
    %add3A_86 = arith.constant 256 : i32
    %add3A_87 = arith.addi %mul3A_2, %add3A_86 : i32
    %dma_wait3A_88 = arith.constant 0 : i32
    %dma_wait3A_89 = tpu.memref_slice %arg2[%dma_wait3A_88, %add3A_87] : memref<200x16384xi32, #tpu.memory_space<hbm>> -> memref<200x128xi32, #tpu.memory_space<hbm>>
    %dma_wait3A_90 = arith.constant 0 : i32
    %dma_wait3A_91 = tpu.memref_slice %arg2[%dma_wait3A_90, %add3A_87] : memref<200x16384xi32, #tpu.memory_space<hbm>> -> memref<200x128xi32, #tpu.memory_space<hbm>>
    tpu.wait_dma2 semaphore(%arg8 : memref<!tpu.dma_semaphore, #tpu.memory_space<semaphore_mem>>) src(%dma_wait3A_91 : memref<200x128xi32, #tpu.memory_space<hbm>>) dst(%arg5 : memref<200x128xi32, #tpu.memory_space<vmem>>)
    %dma_wait3A_92 = arith.constant 0 : i32
    %dma_wait3A_93 = tpu.memref_slice %arg3[%dma_wait3A_92, %add3A_87] : memref<200x16384xi32, #tpu.memory_space<hbm>> -> memref<200x128xi32, #tpu.memory_space<hbm>>
    %dma_wait3A_94 = arith.constant 0 : i32
    %dma_wait3A_95 = tpu.memref_slice %arg3[%dma_wait3A_94, %add3A_87] : memref<200x16384xi32, #tpu.memory_space<hbm>> -> memref<200x128xi32, #tpu.memory_space<hbm>>
    tpu.wait_dma2 semaphore(%arg9 : memref<!tpu.dma_semaphore, #tpu.memory_space<semaphore_mem>>) src(%dma_wait3A_95 : memref<200x128xi32, #tpu.memory_space<hbm>>) dst(%arg6 : memref<200x128xi32, #tpu.memory_space<vmem>>)
    %add3A_96 = arith.constant 128 : i32
    %add3A_97 = arith.addi %mul3A_2, %add3A_96 : i32
    %dma_wait3A_98 = arith.constant 0 : i32
    %dma_wait3A_99 = arith.constant 0 : i32
    %dma_wait3A_100 = tpu.memref_slice %arg4[%dma_wait3A_98, %dma_wait3A_99, %add3A_97] : memref<2x200x16384xf32, #tpu.memory_space<hbm>> -> memref<2x200x128xf32, #tpu.memory_space<hbm>>
    %dma_wait3A_101 = arith.constant 0 : i32
    %dma_wait3A_102 = arith.constant 0 : i32
    %dma_wait3A_103 = tpu.memref_slice %arg4[%dma_wait3A_101, %dma_wait3A_102, %add3A_97] : memref<2x200x16384xf32, #tpu.memory_space<hbm>> -> memref<2x200x128xf32, #tpu.memory_space<hbm>>
    tpu.wait_dma2 semaphore(%arg10 : memref<!tpu.dma_semaphore, #tpu.memory_space<semaphore_mem>>) src(%arg7 : memref<2x200x128xf32, #tpu.memory_space<vmem>>) dst(%dma_wait3A_103 : memref<2x200x128xf32, #tpu.memory_space<hbm>>)
    %scan3A_104 = arith.constant 0 : i32
    %scan3A_105 = arith.constant 0 : i32
    %scan3A_106 = arith.constant 200 : i32
    %scan3A_107 = arith.addi %scan3A_105, %scan3A_106 : i32
    %scan3A_108 = arith.constant 2 : i32
    scf.for %scan3A_168 = %scan3A_105 to %scan3A_107 step %scan3A_108  : i32 {
      %get3A = arith.index_cast %scan3A_168 : i32 to index
      %get3A_169 = arith.constant 0 : index
      %get3A_170 = tpu.vector_load %arg5[%get3A, %get3A_169] {strides = array<i32>} : memref<200x128xi32, #tpu.memory_space<vmem>>, vector<16xi32>,
      %get3A_171 = arith.index_cast %scan3A_168 : i32 to index
      %get3A_172 = arith.constant 0 : index
      %get3A_173 = tpu.vector_load %arg6[%get3A_171, %get3A_172] {strides = array<i32>} : memref<200x128xi32, #tpu.memory_space<vmem>>, vector<16xi32>,
      %convert_element_type3A = arith.sitofp %get3A_170 : vector<16xi32> to vector<16xf32>
      %mul3A_174 = arith.constant 0.666666686 : f32
      %mul3A_175 = vector.broadcast %mul3A_174 : f32 to vector<16xf32>
      %mul3A_176 = arith.mulf %convert_element_type3A, %mul3A_175 : vector<16xf32>
      %sub3A = arith.constant 1.000000e+00 : f32
      %sub3A_177 = vector.broadcast %sub3A : f32 to vector<16xf32>
      %sub3A_178 = arith.subf %mul3A_176, %sub3A_177 : vector<16xf32>
      %swap3A = arith.constant 0 : i32
      %swap3A_179 = arith.index_cast %swap3A : i32 to index
      %swap3A_180 = arith.index_cast %scan3A_168 : i32 to index
      %swap3A_181 = arith.constant 0 : index
      %swap3A_182 = tpu.vector_load %arg7[%swap3A_179, %swap3A_180, %swap3A_181] {strides = array<i32>} : memref<2x200x128xf32, #tpu.memory_space<vmem>>, vector<16xf32>,
      tpu.vector_store %arg7[%swap3A_179, %swap3A_180, %swap3A_181], %sub3A_178 {strides = array<i32>} : memref<2x200x128xf32, #tpu.memory_space<vmem>>, vector<16xf32>,
      %convert_element_type3A_183 = arith.sitofp %get3A_173 : vector<16xi32> to vector<16xf32>
      %mul3A_184 = arith.constant 0.666666686 : f32
      %mul3A_185 = vector.broadcast %mul3A_184 : f32 to vector<16xf32>
      %mul3A_186 = arith.mulf %convert_element_type3A_183, %mul3A_185 : vector<16xf32>
      %sub3A_187 = arith.constant 1.000000e+00 : f32
      %sub3A_188 = vector.broadcast %sub3A_187 : f32 to vector<16xf32>
      %sub3A_189 = arith.subf %mul3A_186, %sub3A_188 : vector<16xf32>
      %swap3A_190 = arith.constant 1 : i32
      %swap3A_191 = arith.index_cast %swap3A_190 : i32 to index
      %swap3A_192 = arith.index_cast %scan3A_168 : i32 to index
      %swap3A_193 = arith.constant 0 : index
      %swap3A_194 = tpu.vector_load %arg7[%swap3A_191, %swap3A_192, %swap3A_193] {strides = array<i32>} : memref<2x200x128xf32, #tpu.memory_space<vmem>>, vector<16xf32>,
      tpu.vector_store %arg7[%swap3A_191, %swap3A_192, %swap3A_193], %sub3A_189 {strides = array<i32>} : memref<2x200x128xf32, #tpu.memory_space<vmem>>, vector<16xf32>,
      %get3A_195 = arith.index_cast %scan3A_168 : i32 to index
      %get3A_196 = arith.constant 16 : index
      %get3A_197 = tpu.vector_load %arg5[%get3A_195, %get3A_196] {strides = array<i32>} : memref<200x128xi32, #tpu.memory_space<vmem>>, vector<16xi32>,
      %get3A_198 = arith.index_cast %scan3A_168 : i32 to index
      %get3A_199 = arith.constant 16 : index
      %get3A_200 = tpu.vector_load %arg6[%get3A_198, %get3A_199] {strides = array<i32>} : memref<200x128xi32, #tpu.memory_space<vmem>>, vector<16xi32>,
      %convert_element_type3A_201 = arith.sitofp %get3A_197 : vector<16xi32> to vector<16xf32>
      %mul3A_202 = arith.constant 0.666666686 : f32
      %mul3A_203 = vector.broadcast %mul3A_202 : f32 to vector<16xf32>
      %mul3A_204 = arith.mulf %convert_element_type3A_201, %mul3A_203 : vector<16xf32>
      %sub3A_205 = arith.constant 1.000000e+00 : f32
      %sub3A_206 = vector.broadcast %sub3A_205 : f32 to vector<16xf32>
      %sub3A_207 = arith.subf %mul3A_204, %sub3A_206 : vector<16xf32>
      %swap3A_208 = arith.constant 0 : i32
      %swap3A_209 = arith.index_cast %swap3A_208 : i32 to index
      %swap3A_210 = arith.index_cast %scan3A_168 : i32 to index
      %swap3A_211 = arith.constant 16 : index
      %swap3A_212 = tpu.vector_load %arg7[%swap3A_209, %swap3A_210, %swap3A_211] {strides = array<i32>} : memref<2x200x128xf32, #tpu.memory_space<vmem>>, vector<16xf32>,
      tpu.vector_store %arg7[%swap3A_209, %swap3A_210, %swap3A_211], %sub3A_207 {strides = array<i32>} : memref<2x200x128xf32, #tpu.memory_space<vmem>>, vector<16xf32>,
      %convert_element_type3A_213 = arith.sitofp %get3A_200 : vector<16xi32> to vector<16xf32>
      %mul3A_214 = arith.constant 0.666666686 : f32
      %mul3A_215 = vector.broadcast %mul3A_214 : f32 to vector<16xf32>
      %mul3A_216 = arith.mulf %convert_element_type3A_213, %mul3A_215 : vector<16xf32>
      %sub3A_217 = arith.constant 1.000000e+00 : f32
      %sub3A_218 = vector.broadcast %sub3A_217 : f32 to vector<16xf32>
      %sub3A_219 = arith.subf %mul3A_216, %sub3A_218 : vector<16xf32>
      %swap3A_220 = arith.constant 1 : i32
      %swap3A_221 = arith.index_cast %swap3A_220 : i32 to index
      %swap3A_222 = arith.index_cast %scan3A_168 : i32 to index
      %swap3A_223 = arith.constant 16 : index
      %swap3A_224 = tpu.vector_load %arg7[%swap3A_221, %swap3A_222, %swap3A_223] {strides = array<i32>} : memref<2x200x128xf32, #tpu.memory_space<vmem>>, vector<16xf32>,
      tpu.vector_store %arg7[%swap3A_221, %swap3A_222, %swap3A_223], %sub3A_219 {strides = array<i32>} : memref<2x200x128xf32, #tpu.memory_space<vmem>>, vector<16xf32>,
      %get3A_225 = arith.index_cast %scan3A_168 : i32 to index
      %get3A_226 = arith.constant 32 : index
      %get3A_227 = tpu.vector_load %arg5[%get3A_225, %get3A_226] {strides = array<i32>} : memref<200x128xi32, #tpu.memory_space<vmem>>, vector<16xi32>,
      %get3A_228 = arith.index_cast %scan3A_168 : i32 to index
      %get3A_229 = arith.constant 32 : index
      %get3A_230 = tpu.vector_load %arg6[%get3A_228, %get3A_229] {strides = array<i32>} : memref<200x128xi32, #tpu.memory_space<vmem>>, vector<16xi32>,
      %convert_element_type3A_231 = arith.sitofp %get3A_227 : vector<16xi32> to vector<16xf32>
      %mul3A_232 = arith.constant 0.666666686 : f32
      %mul3A_233 = vector.broadcast %mul3A_232 : f32 to vector<16xf32>
      %mul3A_234 = arith.mulf %convert_element_type3A_231, %mul3A_233 : vector<16xf32>
      %sub3A_235 = arith.constant 1.000000e+00 : f32
      %sub3A_236 = vector.broadcast %sub3A_235 : f32 to vector<16xf32>
      %sub3A_237 = arith.subf %mul3A_234, %sub3A_236 : vector<16xf32>
      %swap3A_238 = arith.constant 0 : i32
      %swap3A_239 = arith.index_cast %swap3A_238 : i32 to index
      %swap3A_240 = arith.index_cast %scan3A_168 : i32 to index
      %swap3A_241 = arith.constant 32 : index
      %swap3A_242 = tpu.vector_load %arg7[%swap3A_239, %swap3A_240, %swap3A_241] {strides = array<i32>} : memref<2x200x128xf32, #tpu.memory_space<vmem>>, vector<16xf32>,
      tpu.vector_store %arg7[%swap3A_239, %swap3A_240, %swap3A_241], %sub3A_237 {strides = array<i32>} : memref<2x200x128xf32, #tpu.memory_space<vmem>>, vector<16xf32>,
      %convert_element_type3A_243 = arith.sitofp %get3A_230 : vector<16xi32> to vector<16xf32>
      %mul3A_244 = arith.constant 0.666666686 : f32
      %mul3A_245 = vector.broadcast %mul3A_244 : f32 to vector<16xf32>
      %mul3A_246 = arith.mulf %convert_element_type3A_243, %mul3A_245 : vector<16xf32>
      %sub3A_247 = arith.constant 1.000000e+00 : f32
      %sub3A_248 = vector.broadcast %sub3A_247 : f32 to vector<16xf32>
      %sub3A_249 = arith.subf %mul3A_246, %sub3A_248 : vector<16xf32>
      %swap3A_250 = arith.constant 1 : i32
      %swap3A_251 = arith.index_cast %swap3A_250 : i32 to index
      %swap3A_252 = arith.index_cast %scan3A_168 : i32 to index
      %swap3A_253 = arith.constant 32 : index
      %swap3A_254 = tpu.vector_load %arg7[%swap3A_251, %swap3A_252, %swap3A_253] {strides = array<i32>} : memref<2x200x128xf32, #tpu.memory_space<vmem>>, vector<16xf32>,
      tpu.vector_store %arg7[%swap3A_251, %swap3A_252, %swap3A_253], %sub3A_249 {strides = array<i32>} : memref<2x200x128xf32, #tpu.memory_space<vmem>>, vector<16xf32>,
      %get3A_255 = arith.index_cast %scan3A_168 : i32 to index
      %get3A_256 = arith.constant 48 : index
      %get3A_257 = tpu.vector_load %arg5[%get3A_255, %get3A_256] {strides = array<i32>} : memref<200x128xi32, #tpu.memory_space<vmem>>, vector<16xi32>,
      %get3A_258 = arith.index_cast %scan3A_168 : i32 to index
      %get3A_259 = arith.constant 48 : index
      %get3A_260 = tpu.vector_load %arg6[%get3A_258, %get3A_259] {strides = array<i32>} : memref<200x128xi32, #tpu.memory_space<vmem>>, vector<16xi32>,
      %convert_element_type3A_261 = arith.sitofp %get3A_257 : vector<16xi32> to vector<16xf32>
      %mul3A_262 = arith.constant 0.666666686 : f32
      %mul3A_263 = vector.broadcast %mul3A_262 : f32 to vector<16xf32>
      %mul3A_264 = arith.mulf %convert_element_type3A_261, %mul3A_263 : vector<16xf32>
      %sub3A_265 = arith.constant 1.000000e+00 : f32
      %sub3A_266 = vector.broadcast %sub3A_265 : f32 to vector<16xf32>
      %sub3A_267 = arith.subf %mul3A_264, %sub3A_266 : vector<16xf32>
      %swap3A_268 = arith.constant 0 : i32
      %swap3A_269 = arith.index_cast %swap3A_268 : i32 to index
      %swap3A_270 = arith.index_cast %scan3A_168 : i32 to index
      %swap3A_271 = arith.constant 48 : index
      %swap3A_272 = tpu.vector_load %arg7[%swap3A_269, %swap3A_270, %swap3A_271] {strides = array<i32>} : memref<2x200x128xf32, #tpu.memory_space<vmem>>, vector<16xf32>,
      tpu.vector_store %arg7[%swap3A_269, %swap3A_270, %swap3A_271], %sub3A_267 {strides = array<i32>} : memref<2x200x128xf32, #tpu.memory_space<vmem>>, vector<16xf32>,
      %convert_element_type3A_273 = arith.sitofp %get3A_260 : vector<16xi32> to vector<16xf32>
      %mul3A_274 = arith.constant 0.666666686 : f32
      %mul3A_275 = vector.broadcast %mul3A_274 : f32 to vector<16xf32>
      %mul3A_276 = arith.mulf %convert_element_type3A_273, %mul3A_275 : vector<16xf32>
      %sub3A_277 = arith.constant 1.000000e+00 : f32
      %sub3A_278 = vector.broadcast %sub3A_277 : f32 to vector<16xf32>
      %sub3A_279 = arith.subf %mul3A_276, %sub3A_278 : vector<16xf32>
      %swap3A_280 = arith.constant 1 : i32
      %swap3A_281 = arith.index_cast %swap3A_280 : i32 to index
      %swap3A_282 = arith.index_cast %scan3A_168 : i32 to index
      %swap3A_283 = arith.constant 48 : index
      %swap3A_284 = tpu.vector_load %arg7[%swap3A_281, %swap3A_282, %swap3A_283] {strides = array<i32>} : memref<2x200x128xf32, #tpu.memory_space<vmem>>, vector<16xf32>,
      tpu.vector_store %arg7[%swap3A_281, %swap3A_282, %swap3A_283], %sub3A_279 {strides = array<i32>} : memref<2x200x128xf32, #tpu.memory_space<vmem>>, vector<16xf32>,
      %get3A_285 = arith.index_cast %scan3A_168 : i32 to index
      %get3A_286 = arith.constant 64 : index
      %get3A_287 = tpu.vector_load %arg5[%get3A_285, %get3A_286] {strides = array<i32>} : memref<200x128xi32, #tpu.memory_space<vmem>>, vector<16xi32>,
      %get3A_288 = arith.index_cast %scan3A_168 : i32 to index
      %get3A_289 = arith.constant 64 : index
      %get3A_290 = tpu.vector_load %arg6[%get3A_288, %get3A_289] {strides = array<i32>} : memref<200x128xi32, #tpu.memory_space<vmem>>, vector<16xi32>,
      %convert_element_type3A_291 = arith.sitofp %get3A_287 : vector<16xi32> to vector<16xf32>
      %mul3A_292 = arith.constant 0.666666686 : f32
      %mul3A_293 = vector.broadcast %mul3A_292 : f32 to vector<16xf32>
      %mul3A_294 = arith.mulf %convert_element_type3A_291, %mul3A_293 : vector<16xf32>
      %sub3A_295 = arith.constant 1.000000e+00 : f32
      %sub3A_296 = vector.broadcast %sub3A_295 : f32 to vector<16xf32>
      %sub3A_297 = arith.subf %mul3A_294, %sub3A_296 : vector<16xf32>
      %swap3A_298 = arith.constant 0 : i32
      %swap3A_299 = arith.index_cast %swap3A_298 : i32 to index
      %swap3A_300 = arith.index_cast %scan3A_168 : i32 to index
      %swap3A_301 = arith.constant 64 : index
      %swap3A_302 = tpu.vector_load %arg7[%swap3A_299, %swap3A_300, %swap3A_301] {strides = array<i32>} : memref<2x200x128xf32, #tpu.memory_space<vmem>>, vector<16xf32>,
      tpu.vector_store %arg7[%swap3A_299, %swap3A_300, %swap3A_301], %sub3A_297 {strides = array<i32>} : memref<2x200x128xf32, #tpu.memory_space<vmem>>, vector<16xf32>,
      %convert_element_type3A_303 = arith.sitofp %get3A_290 : vector<16xi32> to vector<16xf32>
      %mul3A_304 = arith.constant 0.666666686 : f32
      %mul3A_305 = vector.broadcast %mul3A_304 : f32 to vector<16xf32>
      %mul3A_306 = arith.mulf %convert_element_type3A_303, %mul3A_305 : vector<16xf32>
      %sub3A_307 = arith.constant 1.000000e+00 : f32
      %sub3A_308 = vector.broadcast %sub3A_307 : f32 to vector<16xf32>
      %sub3A_309 = arith.subf %mul3A_306, %sub3A_308 : vector<16xf32>
      %swap3A_310 = arith.constant 1 : i32
      %swap3A_311 = arith.index_cast %swap3A_310 : i32 to index
      %swap3A_312 = arith.index_cast %scan3A_168 : i32 to index
      %swap3A_313 = arith.constant 64 : index
      %swap3A_314 = tpu.vector_load %arg7[%swap3A_311, %swap3A_312, %swap3A_313] {strides = array<i32>} : memref<2x200x128xf32, #tpu.memory_space<vmem>>, vector<16xf32>,
      tpu.vector_store %arg7[%swap3A_311, %swap3A_312, %swap3A_313], %sub3A_309 {strides = array<i32>} : memref<2x200x128xf32, #tpu.memory_space<vmem>>, vector<16xf32>,
      %get3A_315 = arith.index_cast %scan3A_168 : i32 to index
      %get3A_316 = arith.constant 80 : index
      %get3A_317 = tpu.vector_load %arg5[%get3A_315, %get3A_316] {strides = array<i32>} : memref<200x128xi32, #tpu.memory_space<vmem>>, vector<16xi32>,
      %get3A_318 = arith.index_cast %scan3A_168 : i32 to index
      %get3A_319 = arith.constant 80 : index
      %get3A_320 = tpu.vector_load %arg6[%get3A_318, %get3A_319] {strides = array<i32>} : memref<200x128xi32, #tpu.memory_space<vmem>>, vector<16xi32>,
      %convert_element_type3A_321 = arith.sitofp %get3A_317 : vector<16xi32> to vector<16xf32>
      %mul3A_322 = arith.constant 0.666666686 : f32
      %mul3A_323 = vector.broadcast %mul3A_322 : f32 to vector<16xf32>
      %mul3A_324 = arith.mulf %convert_element_type3A_321, %mul3A_323 : vector<16xf32>
      %sub3A_325 = arith.constant 1.000000e+00 : f32
      %sub3A_326 = vector.broadcast %sub3A_325 : f32 to vector<16xf32>
      %sub3A_327 = arith.subf %mul3A_324, %sub3A_326 : vector<16xf32>
      %swap3A_328 = arith.constant 0 : i32
      %swap3A_329 = arith.index_cast %swap3A_328 : i32 to index
      %swap3A_330 = arith.index_cast %scan3A_168 : i32 to index
      %swap3A_331 = arith.constant 80 : index
      %swap3A_332 = tpu.vector_load %arg7[%swap3A_329, %swap3A_330, %swap3A_331] {strides = array<i32>} : memref<2x200x128xf32, #tpu.memory_space<vmem>>, vector<16xf32>,
      tpu.vector_store %arg7[%swap3A_329, %swap3A_330, %swap3A_331], %sub3A_327 {strides = array<i32>} : memref<2x200x128xf32, #tpu.memory_space<vmem>>, vector<16xf32>,
      %convert_element_type3A_333 = arith.sitofp %get3A_320 : vector<16xi32> to vector<16xf32>
      %mul3A_334 = arith.constant 0.666666686 : f32
      %mul3A_335 = vector.broadcast %mul3A_334 : f32 to vector<16xf32>
      %mul3A_336 = arith.mulf %convert_element_type3A_333, %mul3A_335 : vector<16xf32>
      %sub3A_337 = arith.constant 1.000000e+00 : f32
      %sub3A_338 = vector.broadcast %sub3A_337 : f32 to vector<16xf32>
      %sub3A_339 = arith.subf %mul3A_336, %sub3A_338 : vector<16xf32>
      %swap3A_340 = arith.constant 1 : i32
      %swap3A_341 = arith.index_cast %swap3A_340 : i32 to index
      %swap3A_342 = arith.index_cast %scan3A_168 : i32 to index
      %swap3A_343 = arith.constant 80 : index
      %swap3A_344 = tpu.vector_load %arg7[%swap3A_341, %swap3A_342, %swap3A_343] {strides = array<i32>} : memref<2x200x128xf32, #tpu.memory_space<vmem>>, vector<16xf32>,
      tpu.vector_store %arg7[%swap3A_341, %swap3A_342, %swap3A_343], %sub3A_339 {strides = array<i32>} : memref<2x200x128xf32, #tpu.memory_space<vmem>>, vector<16xf32>,
      %get3A_345 = arith.index_cast %scan3A_168 : i32 to index
      %get3A_346 = arith.constant 96 : index
      %get3A_347 = tpu.vector_load %arg5[%get3A_345, %get3A_346] {strides = array<i32>} : memref<200x128xi32, #tpu.memory_space<vmem>>, vector<16xi32>,
      %get3A_348 = arith.index_cast %scan3A_168 : i32 to index
      %get3A_349 = arith.constant 96 : index
      %get3A_350 = tpu.vector_load %arg6[%get3A_348, %get3A_349] {strides = array<i32>} : memref<200x128xi32, #tpu.memory_space<vmem>>, vector<16xi32>,
      %convert_element_type3A_351 = arith.sitofp %get3A_347 : vector<16xi32> to vector<16xf32>
      %mul3A_352 = arith.constant 0.666666686 : f32
      %mul3A_353 = vector.broadcast %mul3A_352 : f32 to vector<16xf32>
      %mul3A_354 = arith.mulf %convert_element_type3A_351, %mul3A_353 : vector<16xf32>
      %sub3A_355 = arith.constant 1.000000e+00 : f32
      %sub3A_356 = vector.broadcast %sub3A_355 : f32 to vector<16xf32>
      %sub3A_357 = arith.subf %mul3A_354, %sub3A_356 : vector<16xf32>
      %swap3A_358 = arith.constant 0 : i32
      %swap3A_359 = arith.index_cast %swap3A_358 : i32 to index
      %swap3A_360 = arith.index_cast %scan3A_168 : i32 to index
      %swap3A_361 = arith.constant 96 : index
      %swap3A_362 = tpu.vector_load %arg7[%swap3A_359, %swap3A_360, %swap3A_361] {strides = array<i32>} : memref<2x200x128xf32, #tpu.memory_space<vmem>>, vector<16xf32>,
      tpu.vector_store %arg7[%swap3A_359, %swap3A_360, %swap3A_361], %sub3A_357 {strides = array<i32>} : memref<2x200x128xf32, #tpu.memory_space<vmem>>, vector<16xf32>,
      %convert_element_type3A_363 = arith.sitofp %get3A_350 : vector<16xi32> to vector<16xf32>
      %mul3A_364 = arith.constant 0.666666686 : f32
      %mul3A_365 = vector.broadcast %mul3A_364 : f32 to vector<16xf32>
      %mul3A_366 = arith.mulf %convert_element_type3A_363, %mul3A_365 : vector<16xf32>
      %sub3A_367 = arith.constant 1.000000e+00 : f32
      %sub3A_368 = vector.broadcast %sub3A_367 : f32 to vector<16xf32>
      %sub3A_369 = arith.subf %mul3A_366, %sub3A_368 : vector<16xf32>
      %swap3A_370 = arith.constant 1 : i32
      %swap3A_371 = arith.index_cast %swap3A_370 : i32 to index
      %swap3A_372 = arith.index_cast %scan3A_168 : i32 to index
      %swap3A_373 = arith.constant 96 : index
      %swap3A_374 = tpu.vector_load %arg7[%swap3A_371, %swap3A_372, %swap3A_373] {strides = array<i32>} : memref<2x200x128xf32, #tpu.memory_space<vmem>>, vector<16xf32>,
      tpu.vector_store %arg7[%swap3A_371, %swap3A_372, %swap3A_373], %sub3A_369 {strides = array<i32>} : memref<2x200x128xf32, #tpu.memory_space<vmem>>, vector<16xf32>,
      %get3A_375 = arith.index_cast %scan3A_168 : i32 to index
      %get3A_376 = arith.constant 112 : index
      %get3A_377 = tpu.vector_load %arg5[%get3A_375, %get3A_376] {strides = array<i32>} : memref<200x128xi32, #tpu.memory_space<vmem>>, vector<16xi32>,
      %get3A_378 = arith.index_cast %scan3A_168 : i32 to index
      %get3A_379 = arith.constant 112 : index
      %get3A_380 = tpu.vector_load %arg6[%get3A_378, %get3A_379] {strides = array<i32>} : memref<200x128xi32, #tpu.memory_space<vmem>>, vector<16xi32>,
      %convert_element_type3A_381 = arith.sitofp %get3A_377 : vector<16xi32> to vector<16xf32>
      %mul3A_382 = arith.constant 0.666666686 : f32
      %mul3A_383 = vector.broadcast %mul3A_382 : f32 to vector<16xf32>
      %mul3A_384 = arith.mulf %convert_element_type3A_381, %mul3A_383 : vector<16xf32>
      %sub3A_385 = arith.constant 1.000000e+00 : f32
      %sub3A_386 = vector.broadcast %sub3A_385 : f32 to vector<16xf32>
      %sub3A_387 = arith.subf %mul3A_384, %sub3A_386 : vector<16xf32>
      %swap3A_388 = arith.constant 0 : i32
      %swap3A_389 = arith.index_cast %swap3A_388 : i32 to index
      %swap3A_390 = arith.index_cast %scan3A_168 : i32 to index
      %swap3A_391 = arith.constant 112 : index
      %swap3A_392 = tpu.vector_load %arg7[%swap3A_389, %swap3A_390, %swap3A_391] {strides = array<i32>} : memref<2x200x128xf32, #tpu.memory_space<vmem>>, vector<16xf32>,
      tpu.vector_store %arg7[%swap3A_389, %swap3A_390, %swap3A_391], %sub3A_387 {strides = array<i32>} : memref<2x200x128xf32, #tpu.memory_space<vmem>>, vector<16xf32>,
      %convert_element_type3A_393 = arith.sitofp %get3A_380 : vector<16xi32> to vector<16xf32>
      %mul3A_394 = arith.constant 0.666666686 : f32
      %mul3A_395 = vector.broadcast %mul3A_394 : f32 to vector<16xf32>
      %mul3A_396 = arith.mulf %convert_element_type3A_393, %mul3A_395 : vector<16xf32>
      %sub3A_397 = arith.constant 1.000000e+00 : f32
      %sub3A_398 = vector.broadcast %sub3A_397 : f32 to vector<16xf32>
      %sub3A_399 = arith.subf %mul3A_396, %sub3A_398 : vector<16xf32>
      %swap3A_400 = arith.constant 1 : i32
      %swap3A_401 = arith.index_cast %swap3A_400 : i32 to index
      %swap3A_402 = arith.index_cast %scan3A_168 : i32 to index
      %swap3A_403 = arith.constant 112 : index
      %swap3A_404 = tpu.vector_load %arg7[%swap3A_401, %swap3A_402, %swap3A_403] {strides = array<i32>} : memref<2x200x128xf32, #tpu.memory_space<vmem>>, vector<16xf32>,
      tpu.vector_store %arg7[%swap3A_401, %swap3A_402, %swap3A_403], %sub3A_399 {strides = array<i32>} : memref<2x200x128xf32, #tpu.memory_space<vmem>>, vector<16xf32>,
      %scan3A_405 = arith.constant 1 : i32
      %scan3A_406 = arith.addi %scan3A_168, %scan3A_405 : i32
      %get3A_407 = arith.index_cast %scan3A_406 : i32 to index
      %get3A_408 = arith.constant 0 : index
      %get3A_409 = tpu.vector_load %arg5[%get3A_407, %get3A_408] {strides = array<i32>} : memref<200x128xi32, #tpu.memory_space<vmem>>, vector<16xi32>,
      %get3A_410 = arith.index_cast %scan3A_406 : i32 to index
      %get3A_411 = arith.constant 0 : index
      %get3A_412 = tpu.vector_load %arg6[%get3A_410, %get3A_411] {strides = array<i32>} : memref<200x128xi32, #tpu.memory_space<vmem>>, vector<16xi32>,
      %convert_element_type3A_413 = arith.sitofp %get3A_409 : vector<16xi32> to vector<16xf32>
      %mul3A_414 = arith.constant 0.666666686 : f32
      %mul3A_415 = vector.broadcast %mul3A_414 : f32 to vector<16xf32>
      %mul3A_416 = arith.mulf %convert_element_type3A_413, %mul3A_415 : vector<16xf32>
      %sub3A_417 = arith.constant 1.000000e+00 : f32
      %sub3A_418 = vector.broadcast %sub3A_417 : f32 to vector<16xf32>
      %sub3A_419 = arith.subf %mul3A_416, %sub3A_418 : vector<16xf32>
      %swap3A_420 = arith.constant 0 : i32
      %swap3A_421 = arith.index_cast %swap3A_420 : i32 to index
      %swap3A_422 = arith.index_cast %scan3A_406 : i32 to index
      %swap3A_423 = arith.constant 0 : index
      %swap3A_424 = tpu.vector_load %arg7[%swap3A_421, %swap3A_422, %swap3A_423] {strides = array<i32>} : memref<2x200x128xf32, #tpu.memory_space<vmem>>, vector<16xf32>,
      tpu.vector_store %arg7[%swap3A_421, %swap3A_422, %swap3A_423], %sub3A_419 {strides = array<i32>} : memref<2x200x128xf32, #tpu.memory_space<vmem>>, vector<16xf32>,
      %convert_element_type3A_425 = arith.sitofp %get3A_412 : vector<16xi32> to vector<16xf32>
      %mul3A_426 = arith.constant 0.666666686 : f32
      %mul3A_427 = vector.broadcast %mul3A_426 : f32 to vector<16xf32>
      %mul3A_428 = arith.mulf %convert_element_type3A_425, %mul3A_427 : vector<16xf32>
      %sub3A_429 = arith.constant 1.000000e+00 : f32
      %sub3A_430 = vector.broadcast %sub3A_429 : f32 to vector<16xf32>
      %sub3A_431 = arith.subf %mul3A_428, %sub3A_430 : vector<16xf32>
      %swap3A_432 = arith.constant 1 : i32
      %swap3A_433 = arith.index_cast %swap3A_432 : i32 to index
      %swap3A_434 = arith.index_cast %scan3A_406 : i32 to index
      %swap3A_435 = arith.constant 0 : index
      %swap3A_436 = tpu.vector_load %arg7[%swap3A_433, %swap3A_434, %swap3A_435] {strides = array<i32>} : memref<2x200x128xf32, #tpu.memory_space<vmem>>, vector<16xf32>,
      tpu.vector_store %arg7[%swap3A_433, %swap3A_434, %swap3A_435], %sub3A_431 {strides = array<i32>} : memref<2x200x128xf32, #tpu.memory_space<vmem>>, vector<16xf32>,
      %get3A_437 = arith.index_cast %scan3A_406 : i32 to index
      %get3A_438 = arith.constant 16 : index
      %get3A_439 = tpu.vector_load %arg5[%get3A_437, %get3A_438] {strides = array<i32>} : memref<200x128xi32, #tpu.memory_space<vmem>>, vector<16xi32>,
      %get3A_440 = arith.index_cast %scan3A_406 : i32 to index
      %get3A_441 = arith.constant 16 : index
      %get3A_442 = tpu.vector_load %arg6[%get3A_440, %get3A_441] {strides = array<i32>} : memref<200x128xi32, #tpu.memory_space<vmem>>, vector<16xi32>,
      %convert_element_type3A_443 = arith.sitofp %get3A_439 : vector<16xi32> to vector<16xf32>
      %mul3A_444 = arith.constant 0.666666686 : f32
      %mul3A_445 = vector.broadcast %mul3A_444 : f32 to vector<16xf32>
      %mul3A_446 = arith.mulf %convert_element_type3A_443, %mul3A_445 : vector<16xf32>
      %sub3A_447 = arith.constant 1.000000e+00 : f32
      %sub3A_448 = vector.broadcast %sub3A_447 : f32 to vector<16xf32>
      %sub3A_449 = arith.subf %mul3A_446, %sub3A_448 : vector<16xf32>
      %swap3A_450 = arith.constant 0 : i32
      %swap3A_451 = arith.index_cast %swap3A_450 : i32 to index
      %swap3A_452 = arith.index_cast %scan3A_406 : i32 to index
      %swap3A_453 = arith.constant 16 : index
      %swap3A_454 = tpu.vector_load %arg7[%swap3A_451, %swap3A_452, %swap3A_453] {strides = array<i32>} : memref<2x200x128xf32, #tpu.memory_space<vmem>>, vector<16xf32>,
      tpu.vector_store %arg7[%swap3A_451, %swap3A_452, %swap3A_453], %sub3A_449 {strides = array<i32>} : memref<2x200x128xf32, #tpu.memory_space<vmem>>, vector<16xf32>,
      %convert_element_type3A_455 = arith.sitofp %get3A_442 : vector<16xi32> to vector<16xf32>
      %mul3A_456 = arith.constant 0.666666686 : f32
      %mul3A_457 = vector.broadcast %mul3A_456 : f32 to vector<16xf32>
      %mul3A_458 = arith.mulf %convert_element_type3A_455, %mul3A_457 : vector<16xf32>
      %sub3A_459 = arith.constant 1.000000e+00 : f32
      %sub3A_460 = vector.broadcast %sub3A_459 : f32 to vector<16xf32>
      %sub3A_461 = arith.subf %mul3A_458, %sub3A_460 : vector<16xf32>
      %swap3A_462 = arith.constant 1 : i32
      %swap3A_463 = arith.index_cast %swap3A_462 : i32 to index
      %swap3A_464 = arith.index_cast %scan3A_406 : i32 to index
      %swap3A_465 = arith.constant 16 : index
      %swap3A_466 = tpu.vector_load %arg7[%swap3A_463, %swap3A_464, %swap3A_465] {strides = array<i32>} : memref<2x200x128xf32, #tpu.memory_space<vmem>>, vector<16xf32>,
      tpu.vector_store %arg7[%swap3A_463, %swap3A_464, %swap3A_465], %sub3A_461 {strides = array<i32>} : memref<2x200x128xf32, #tpu.memory_space<vmem>>, vector<16xf32>,
      %get3A_467 = arith.index_cast %scan3A_406 : i32 to index
      %get3A_468 = arith.constant 32 : index
      %get3A_469 = tpu.vector_load %arg5[%get3A_467, %get3A_468] {strides = array<i32>} : memref<200x128xi32, #tpu.memory_space<vmem>>, vector<16xi32>,
      %get3A_470 = arith.index_cast %scan3A_406 : i32 to index
      %get3A_471 = arith.constant 32 : index
      %get3A_472 = tpu.vector_load %arg6[%get3A_470, %get3A_471] {strides = array<i32>} : memref<200x128xi32, #tpu.memory_space<vmem>>, vector<16xi32>,
      %convert_element_type3A_473 = arith.sitofp %get3A_469 : vector<16xi32> to vector<16xf32>
      %mul3A_474 = arith.constant 0.666666686 : f32
      %mul3A_475 = vector.broadcast %mul3A_474 : f32 to vector<16xf32>
      %mul3A_476 = arith.mulf %convert_element_type3A_473, %mul3A_475 : vector<16xf32>
      %sub3A_477 = arith.constant 1.000000e+00 : f32
      %sub3A_478 = vector.broadcast %sub3A_477 : f32 to vector<16xf32>
      %sub3A_479 = arith.subf %mul3A_476, %sub3A_478 : vector<16xf32>
      %swap3A_480 = arith.constant 0 : i32
      %swap3A_481 = arith.index_cast %swap3A_480 : i32 to index
      %swap3A_482 = arith.index_cast %scan3A_406 : i32 to index
      %swap3A_483 = arith.constant 32 : index
      %swap3A_484 = tpu.vector_load %arg7[%swap3A_481, %swap3A_482, %swap3A_483] {strides = array<i32>} : memref<2x200x128xf32, #tpu.memory_space<vmem>>, vector<16xf32>,
      tpu.vector_store %arg7[%swap3A_481, %swap3A_482, %swap3A_483], %sub3A_479 {strides = array<i32>} : memref<2x200x128xf32, #tpu.memory_space<vmem>>, vector<16xf32>,
      %convert_element_type3A_485 = arith.sitofp %get3A_472 : vector<16xi32> to vector<16xf32>
      %mul3A_486 = arith.constant 0.666666686 : f32
      %mul3A_487 = vector.broadcast %mul3A_486 : f32 to vector<16xf32>
      %mul3A_488 = arith.mulf %convert_element_type3A_485, %mul3A_487 : vector<16xf32>
      %sub3A_489 = arith.constant 1.000000e+00 : f32
      %sub3A_490 = vector.broadcast %sub3A_489 : f32 to vector<16xf32>
      %sub3A_491 = arith.subf %mul3A_488, %sub3A_490 : vector<16xf32>
      %swap3A_492 = arith.constant 1 : i32
      %swap3A_493 = arith.index_cast %swap3A_492 : i32 to index
      %swap3A_494 = arith.index_cast %scan3A_406 : i32 to index
      %swap3A_495 = arith.constant 32 : index
      %swap3A_496 = tpu.vector_load %arg7[%swap3A_493, %swap3A_494, %swap3A_495] {strides = array<i32>} : memref<2x200x128xf32, #tpu.memory_space<vmem>>, vector<16xf32>,
      tpu.vector_store %arg7[%swap3A_493, %swap3A_494, %swap3A_495], %sub3A_491 {strides = array<i32>} : memref<2x200x128xf32, #tpu.memory_space<vmem>>, vector<16xf32>,
      %get3A_497 = arith.index_cast %scan3A_406 : i32 to index
      %get3A_498 = arith.constant 48 : index
      %get3A_499 = tpu.vector_load %arg5[%get3A_497, %get3A_498] {strides = array<i32>} : memref<200x128xi32, #tpu.memory_space<vmem>>, vector<16xi32>,
      %get3A_500 = arith.index_cast %scan3A_406 : i32 to index
      %get3A_501 = arith.constant 48 : index
      %get3A_502 = tpu.vector_load %arg6[%get3A_500, %get3A_501] {strides = array<i32>} : memref<200x128xi32, #tpu.memory_space<vmem>>, vector<16xi32>,
      %convert_element_type3A_503 = arith.sitofp %get3A_499 : vector<16xi32> to vector<16xf32>
      %mul3A_504 = arith.constant 0.666666686 : f32
      %mul3A_505 = vector.broadcast %mul3A_504 : f32 to vector<16xf32>
      %mul3A_506 = arith.mulf %convert_element_type3A_503, %mul3A_505 : vector<16xf32>
      %sub3A_507 = arith.constant 1.000000e+00 : f32
      %sub3A_508 = vector.broadcast %sub3A_507 : f32 to vector<16xf32>
      %sub3A_509 = arith.subf %mul3A_506, %sub3A_508 : vector<16xf32>
      %swap3A_510 = arith.constant 0 : i32
      %swap3A_511 = arith.index_cast %swap3A_510 : i32 to index
      %swap3A_512 = arith.index_cast %scan3A_406 : i32 to index
      %swap3A_513 = arith.constant 48 : index
      %swap3A_514 = tpu.vector_load %arg7[%swap3A_511, %swap3A_512, %swap3A_513] {strides = array<i32>} : memref<2x200x128xf32, #tpu.memory_space<vmem>>, vector<16xf32>,
      tpu.vector_store %arg7[%swap3A_511, %swap3A_512, %swap3A_513], %sub3A_509 {strides = array<i32>} : memref<2x200x128xf32, #tpu.memory_space<vmem>>, vector<16xf32>,
      %convert_element_type3A_515 = arith.sitofp %get3A_502 : vector<16xi32> to vector<16xf32>
      %mul3A_516 = arith.constant 0.666666686 : f32
      %mul3A_517 = vector.broadcast %mul3A_516 : f32 to vector<16xf32>
      %mul3A_518 = arith.mulf %convert_element_type3A_515, %mul3A_517 : vector<16xf32>
      %sub3A_519 = arith.constant 1.000000e+00 : f32
      %sub3A_520 = vector.broadcast %sub3A_519 : f32 to vector<16xf32>
      %sub3A_521 = arith.subf %mul3A_518, %sub3A_520 : vector<16xf32>
      %swap3A_522 = arith.constant 1 : i32
      %swap3A_523 = arith.index_cast %swap3A_522 : i32 to index
      %swap3A_524 = arith.index_cast %scan3A_406 : i32 to index
      %swap3A_525 = arith.constant 48 : index
      %swap3A_526 = tpu.vector_load %arg7[%swap3A_523, %swap3A_524, %swap3A_525] {strides = array<i32>} : memref<2x200x128xf32, #tpu.memory_space<vmem>>, vector<16xf32>,
      tpu.vector_store %arg7[%swap3A_523, %swap3A_524, %swap3A_525], %sub3A_521 {strides = array<i32>} : memref<2x200x128xf32, #tpu.memory_space<vmem>>, vector<16xf32>,
      %get3A_527 = arith.index_cast %scan3A_406 : i32 to index
      %get3A_528 = arith.constant 64 : index
      %get3A_529 = tpu.vector_load %arg5[%get3A_527, %get3A_528] {strides = array<i32>} : memref<200x128xi32, #tpu.memory_space<vmem>>, vector<16xi32>,
      %get3A_530 = arith.index_cast %scan3A_406 : i32 to index
      %get3A_531 = arith.constant 64 : index
      %get3A_532 = tpu.vector_load %arg6[%get3A_530, %get3A_531] {strides = array<i32>} : memref<200x128xi32, #tpu.memory_space<vmem>>, vector<16xi32>,
      %convert_element_type3A_533 = arith.sitofp %get3A_529 : vector<16xi32> to vector<16xf32>
      %mul3A_534 = arith.constant 0.666666686 : f32
      %mul3A_535 = vector.broadcast %mul3A_534 : f32 to vector<16xf32>
      %mul3A_536 = arith.mulf %convert_element_type3A_533, %mul3A_535 : vector<16xf32>
      %sub3A_537 = arith.constant 1.000000e+00 : f32
      %sub3A_538 = vector.broadcast %sub3A_537 : f32 to vector<16xf32>
      %sub3A_539 = arith.subf %mul3A_536, %sub3A_538 : vector<16xf32>
      %swap3A_540 = arith.constant 0 : i32
      %swap3A_541 = arith.index_cast %swap3A_540 : i32 to index
      %swap3A_542 = arith.index_cast %scan3A_406 : i32 to index
      %swap3A_543 = arith.constant 64 : index
      %swap3A_544 = tpu.vector_load %arg7[%swap3A_541, %swap3A_542, %swap3A_543] {strides = array<i32>} : memref<2x200x128xf32, #tpu.memory_space<vmem>>, vector<16xf32>,
      tpu.vector_store %arg7[%swap3A_541, %swap3A_542, %swap3A_543], %sub3A_539 {strides = array<i32>} : memref<2x200x128xf32, #tpu.memory_space<vmem>>, vector<16xf32>,
      %convert_element_type3A_545 = arith.sitofp %get3A_532 : vector<16xi32> to vector<16xf32>
      %mul3A_546 = arith.constant 0.666666686 : f32
      %mul3A_547 = vector.broadcast %mul3A_546 : f32 to vector<16xf32>
      %mul3A_548 = arith.mulf %convert_element_type3A_545, %mul3A_547 : vector<16xf32>
      %sub3A_549 = arith.constant 1.000000e+00 : f32
      %sub3A_550 = vector.broadcast %sub3A_549 : f32 to vector<16xf32>
      %sub3A_551 = arith.subf %mul3A_548, %sub3A_550 : vector<16xf32>
      %swap3A_552 = arith.constant 1 : i32
      %swap3A_553 = arith.index_cast %swap3A_552 : i32 to index
      %swap3A_554 = arith.index_cast %scan3A_406 : i32 to index
      %swap3A_555 = arith.constant 64 : index
      %swap3A_556 = tpu.vector_load %arg7[%swap3A_553, %swap3A_554, %swap3A_555] {strides = array<i32>} : memref<2x200x128xf32, #tpu.memory_space<vmem>>, vector<16xf32>,
      tpu.vector_store %arg7[%swap3A_553, %swap3A_554, %swap3A_555], %sub3A_551 {strides = array<i32>} : memref<2x200x128xf32, #tpu.memory_space<vmem>>, vector<16xf32>,
      %get3A_557 = arith.index_cast %scan3A_406 : i32 to index
      %get3A_558 = arith.constant 80 : index
      %get3A_559 = tpu.vector_load %arg5[%get3A_557, %get3A_558] {strides = array<i32>} : memref<200x128xi32, #tpu.memory_space<vmem>>, vector<16xi32>,
      %get3A_560 = arith.index_cast %scan3A_406 : i32 to index
      %get3A_561 = arith.constant 80 : index
      %get3A_562 = tpu.vector_load %arg6[%get3A_560, %get3A_561] {strides = array<i32>} : memref<200x128xi32, #tpu.memory_space<vmem>>, vector<16xi32>,
      %convert_element_type3A_563 = arith.sitofp %get3A_559 : vector<16xi32> to vector<16xf32>
      %mul3A_564 = arith.constant 0.666666686 : f32
      %mul3A_565 = vector.broadcast %mul3A_564 : f32 to vector<16xf32>
      %mul3A_566 = arith.mulf %convert_element_type3A_563, %mul3A_565 : vector<16xf32>
      %sub3A_567 = arith.constant 1.000000e+00 : f32
      %sub3A_568 = vector.broadcast %sub3A_567 : f32 to vector<16xf32>
      %sub3A_569 = arith.subf %mul3A_566, %sub3A_568 : vector<16xf32>
      %swap3A_570 = arith.constant 0 : i32
      %swap3A_571 = arith.index_cast %swap3A_570 : i32 to index
      %swap3A_572 = arith.index_cast %scan3A_406 : i32 to index
      %swap3A_573 = arith.constant 80 : index
      %swap3A_574 = tpu.vector_load %arg7[%swap3A_571, %swap3A_572, %swap3A_573] {strides = array<i32>} : memref<2x200x128xf32, #tpu.memory_space<vmem>>, vector<16xf32>,
      tpu.vector_store %arg7[%swap3A_571, %swap3A_572, %swap3A_573], %sub3A_569 {strides = array<i32>} : memref<2x200x128xf32, #tpu.memory_space<vmem>>, vector<16xf32>,
      %convert_element_type3A_575 = arith.sitofp %get3A_562 : vector<16xi32> to vector<16xf32>
      %mul3A_576 = arith.constant 0.666666686 : f32
      %mul3A_577 = vector.broadcast %mul3A_576 : f32 to vector<16xf32>
      %mul3A_578 = arith.mulf %convert_element_type3A_575, %mul3A_577 : vector<16xf32>
      %sub3A_579 = arith.constant 1.000000e+00 : f32
      %sub3A_580 = vector.broadcast %sub3A_579 : f32 to vector<16xf32>
      %sub3A_581 = arith.subf %mul3A_578, %sub3A_580 : vector<16xf32>
      %swap3A_582 = arith.constant 1 : i32
      %swap3A_583 = arith.index_cast %swap3A_582 : i32 to index
      %swap3A_584 = arith.index_cast %scan3A_406 : i32 to index
      %swap3A_585 = arith.constant 80 : index
      %swap3A_586 = tpu.vector_load %arg7[%swap3A_583, %swap3A_584, %swap3A_585] {strides = array<i32>} : memref<2x200x128xf32, #tpu.memory_space<vmem>>, vector<16xf32>,
      tpu.vector_store %arg7[%swap3A_583, %swap3A_584, %swap3A_585], %sub3A_581 {strides = array<i32>} : memref<2x200x128xf32, #tpu.memory_space<vmem>>, vector<16xf32>,
      %get3A_587 = arith.index_cast %scan3A_406 : i32 to index
      %get3A_588 = arith.constant 96 : index
      %get3A_589 = tpu.vector_load %arg5[%get3A_587, %get3A_588] {strides = array<i32>} : memref<200x128xi32, #tpu.memory_space<vmem>>, vector<16xi32>,
      %get3A_590 = arith.index_cast %scan3A_406 : i32 to index
      %get3A_591 = arith.constant 96 : index
      %get3A_592 = tpu.vector_load %arg6[%get3A_590, %get3A_591] {strides = array<i32>} : memref<200x128xi32, #tpu.memory_space<vmem>>, vector<16xi32>,
      %convert_element_type3A_593 = arith.sitofp %get3A_589 : vector<16xi32> to vector<16xf32>
      %mul3A_594 = arith.constant 0.666666686 : f32
      %mul3A_595 = vector.broadcast %mul3A_594 : f32 to vector<16xf32>
      %mul3A_596 = arith.mulf %convert_element_type3A_593, %mul3A_595 : vector<16xf32>
      %sub3A_597 = arith.constant 1.000000e+00 : f32
      %sub3A_598 = vector.broadcast %sub3A_597 : f32 to vector<16xf32>
      %sub3A_599 = arith.subf %mul3A_596, %sub3A_598 : vector<16xf32>
      %swap3A_600 = arith.constant 0 : i32
      %swap3A_601 = arith.index_cast %swap3A_600 : i32 to index
      %swap3A_602 = arith.index_cast %scan3A_406 : i32 to index
      %swap3A_603 = arith.constant 96 : index
      %swap3A_604 = tpu.vector_load %arg7[%swap3A_601, %swap3A_602, %swap3A_603] {strides = array<i32>} : memref<2x200x128xf32, #tpu.memory_space<vmem>>, vector<16xf32>,
      tpu.vector_store %arg7[%swap3A_601, %swap3A_602, %swap3A_603], %sub3A_599 {strides = array<i32>} : memref<2x200x128xf32, #tpu.memory_space<vmem>>, vector<16xf32>,
      %convert_element_type3A_605 = arith.sitofp %get3A_592 : vector<16xi32> to vector<16xf32>
      %mul3A_606 = arith.constant 0.666666686 : f32
      %mul3A_607 = vector.broadcast %mul3A_606 : f32 to vector<16xf32>
      %mul3A_608 = arith.mulf %convert_element_type3A_605, %mul3A_607 : vector<16xf32>
      %sub3A_609 = arith.constant 1.000000e+00 : f32
      %sub3A_610 = vector.broadcast %sub3A_609 : f32 to vector<16xf32>
      %sub3A_611 = arith.subf %mul3A_608, %sub3A_610 : vector<16xf32>
      %swap3A_612 = arith.constant 1 : i32
      %swap3A_613 = arith.index_cast %swap3A_612 : i32 to index
      %swap3A_614 = arith.index_cast %scan3A_406 : i32 to index
      %swap3A_615 = arith.constant 96 : index
      %swap3A_616 = tpu.vector_load %arg7[%swap3A_613, %swap3A_614, %swap3A_615] {strides = array<i32>} : memref<2x200x128xf32, #tpu.memory_space<vmem>>, vector<16xf32>,
      tpu.vector_store %arg7[%swap3A_613, %swap3A_614, %swap3A_615], %sub3A_611 {strides = array<i32>} : memref<2x200x128xf32, #tpu.memory_space<vmem>>, vector<16xf32>,
      %get3A_617 = arith.index_cast %scan3A_406 : i32 to index
      %get3A_618 = arith.constant 112 : index
      %get3A_619 = tpu.vector_load %arg5[%get3A_617, %get3A_618] {strides = array<i32>} : memref<200x128xi32, #tpu.memory_space<vmem>>, vector<16xi32>,
      %get3A_620 = arith.index_cast %scan3A_406 : i32 to index
      %get3A_621 = arith.constant 112 : index
      %get3A_622 = tpu.vector_load %arg6[%get3A_620, %get3A_621] {strides = array<i32>} : memref<200x128xi32, #tpu.memory_space<vmem>>, vector<16xi32>,
      %convert_element_type3A_623 = arith.sitofp %get3A_619 : vector<16xi32> to vector<16xf32>
      %mul3A_624 = arith.constant 0.666666686 : f32
      %mul3A_625 = vector.broadcast %mul3A_624 : f32 to vector<16xf32>
      %mul3A_626 = arith.mulf %convert_element_type3A_623, %mul3A_625 : vector<16xf32>
      %sub3A_627 = arith.constant 1.000000e+00 : f32
      %sub3A_628 = vector.broadcast %sub3A_627 : f32 to vector<16xf32>
      %sub3A_629 = arith.subf %mul3A_626, %sub3A_628 : vector<16xf32>
      %swap3A_630 = arith.constant 0 : i32
      %swap3A_631 = arith.index_cast %swap3A_630 : i32 to index
      %swap3A_632 = arith.index_cast %scan3A_406 : i32 to index
      %swap3A_633 = arith.constant 112 : index
      %swap3A_634 = tpu.vector_load %arg7[%swap3A_631, %swap3A_632, %swap3A_633] {strides = array<i32>} : memref<2x200x128xf32, #tpu.memory_space<vmem>>, vector<16xf32>,
      tpu.vector_store %arg7[%swap3A_631, %swap3A_632, %swap3A_633], %sub3A_629 {strides = array<i32>} : memref<2x200x128xf32, #tpu.memory_space<vmem>>, vector<16xf32>,
      %convert_element_type3A_635 = arith.sitofp %get3A_622 : vector<16xi32> to vector<16xf32>
      %mul3A_636 = arith.constant 0.666666686 : f32
      %mul3A_637 = vector.broadcast %mul3A_636 : f32 to vector<16xf32>
      %mul3A_638 = arith.mulf %convert_element_type3A_635, %mul3A_637 : vector<16xf32>
      %sub3A_639 = arith.constant 1.000000e+00 : f32
      %sub3A_640 = vector.broadcast %sub3A_639 : f32 to vector<16xf32>
      %sub3A_641 = arith.subf %mul3A_638, %sub3A_640 : vector<16xf32>
      %swap3A_642 = arith.constant 1 : i32
      %swap3A_643 = arith.index_cast %swap3A_642 : i32 to index
      %swap3A_644 = arith.index_cast %scan3A_406 : i32 to index
      %swap3A_645 = arith.constant 112 : index
      %swap3A_646 = tpu.vector_load %arg7[%swap3A_643, %swap3A_644, %swap3A_645] {strides = array<i32>} : memref<2x200x128xf32, #tpu.memory_space<vmem>>, vector<16xf32>,
      tpu.vector_store %arg7[%swap3A_643, %swap3A_644, %swap3A_645], %sub3A_641 {strides = array<i32>} : memref<2x200x128xf32, #tpu.memory_space<vmem>>, vector<16xf32>,
    }
    %scan3A_109 = arith.constant 200 : i32
    %add3A_110 = arith.constant 256 : i32
    %add3A_111 = arith.addi %mul3A_2, %add3A_110 : i32
    %dma_start3A_112 = arith.constant 0 : i32
    %dma_start3A_113 = arith.constant 0 : i32
    %dma_start3A_114 = tpu.memref_slice %arg4[%dma_start3A_112, %dma_start3A_113, %add3A_111] : memref<2x200x16384xf32, #tpu.memory_space<hbm>> -> memref<2x200x128xf32, #tpu.memory_space<hbm>>
    %dma_start3A_115 = arith.constant 0 : i32
    %dma_start3A_116 = arith.constant 0 : i32
    %dma_start3A_117 = tpu.memref_slice %arg4[%dma_start3A_115, %dma_start3A_116, %add3A_111] : memref<2x200x16384xf32, #tpu.memory_space<hbm>> -> memref<2x200x128xf32, #tpu.memory_space<hbm>>
    tpu.enqueue_dma source(%arg7 : memref<2x200x128xf32, #tpu.memory_space<vmem>>) target(%dma_start3A_117 : memref<2x200x128xf32, #tpu.memory_space<hbm>>) target_semaphore(%arg10 : memref<!tpu.dma_semaphore, #tpu.memory_space<semaphore_mem>>)
    %add3A_118 = arith.constant 384 : i32
    %add3A_119 = arith.addi %mul3A_2, %add3A_118 : i32
    %dma_start3A_120 = arith.constant 0 : i32
    %dma_start3A_121 = tpu.memref_slice %arg2[%dma_start3A_120, %add3A_119] : memref<200x16384xi32, #tpu.memory_space<hbm>> -> memref<200x128xi32, #tpu.memory_space<hbm>>
    %dma_start3A_122 = arith.constant 0 : i32
    %dma_start3A_123 = tpu.memref_slice %arg2[%dma_start3A_122, %add3A_119] : memref<200x16384xi32, #tpu.memory_space<hbm>> -> memref<200x128xi32, #tpu.memory_space<hbm>>
    tpu.enqueue_dma source(%dma_start3A_123 : memref<200x128xi32, #tpu.memory_space<hbm>>) target(%arg5 : memref<200x128xi32, #tpu.memory_space<vmem>>) target_semaphore(%arg8 : memref<!tpu.dma_semaphore, #tpu.memory_space<semaphore_mem>>)
    %dma_start3A_124 = arith.constant 0 : i32
    %dma_start3A_125 = tpu.memref_slice %arg3[%dma_start3A_124, %add3A_119] : memref<200x16384xi32, #tpu.memory_space<hbm>> -> memref<200x128xi32, #tpu.memory_space<hbm>>
    %dma_start3A_126 = arith.constant 0 : i32
    %dma_start3A_127 = tpu.memref_slice %arg3[%dma_start3A_126, %add3A_119] : memref<200x16384xi32, #tpu.memory_space<hbm>> -> memref<200x128xi32, #tpu.memory_space<hbm>>
    tpu.enqueue_dma source(%dma_start3A_127 : memref<200x128xi32, #tpu.memory_space<hbm>>) target(%arg6 : memref<200x128xi32, #tpu.memory_space<vmem>>) target_semaphore(%arg9 : memref<!tpu.dma_semaphore, #tpu.memory_space<semaphore_mem>>)
    %add3A_128 = arith.constant 384 : i32
    %add3A_129 = arith.addi %mul3A_2, %add3A_128 : i32
    %dma_wait3A_130 = arith.constant 0 : i32
    %dma_wait3A_131 = tpu.memref_slice %arg2[%dma_wait3A_130, %add3A_129] : memref<200x16384xi32, #tpu.memory_space<hbm>> -> memref<200x128xi32, #tpu.memory_space<hbm>>
    %dma_wait3A_132 = arith.constant 0 : i32
    %dma_wait3A_133 = tpu.memref_slice %arg2[%dma_wait3A_132, %add3A_129] : memref<200x16384xi32, #tpu.memory_space<hbm>> -> memref<200x128xi32, #tpu.memory_space<hbm>>
    tpu.wait_dma2 semaphore(%arg8 : memref<!tpu.dma_semaphore, #tpu.memory_space<semaphore_mem>>) src(%dma_wait3A_133 : memref<200x128xi32, #tpu.memory_space<hbm>>) dst(%arg5 : memref<200x128xi32, #tpu.memory_space<vmem>>)
    %dma_wait3A_134 = arith.constant 0 : i32
    %dma_wait3A_135 = tpu.memref_slice %arg3[%dma_wait3A_134, %add3A_129] : memref<200x16384xi32, #tpu.memory_space<hbm>> -> memref<200x128xi32, #tpu.memory_space<hbm>>
    %dma_wait3A_136 = arith.constant 0 : i32
    %dma_wait3A_137 = tpu.memref_slice %arg3[%dma_wait3A_136, %add3A_129] : memref<200x16384xi32, #tpu.memory_space<hbm>> -> memref<200x128xi32, #tpu.memory_space<hbm>>
    tpu.wait_dma2 semaphore(%arg9 : memref<!tpu.dma_semaphore, #tpu.memory_space<semaphore_mem>>) src(%dma_wait3A_137 : memref<200x128xi32, #tpu.memory_space<hbm>>) dst(%arg6 : memref<200x128xi32, #tpu.memory_space<vmem>>)
    %add3A_138 = arith.constant 256 : i32
    %add3A_139 = arith.addi %mul3A_2, %add3A_138 : i32
    %dma_wait3A_140 = arith.constant 0 : i32
    %dma_wait3A_141 = arith.constant 0 : i32
    %dma_wait3A_142 = tpu.memref_slice %arg4[%dma_wait3A_140, %dma_wait3A_141, %add3A_139] : memref<2x200x16384xf32, #tpu.memory_space<hbm>> -> memref<2x200x128xf32, #tpu.memory_space<hbm>>
    %dma_wait3A_143 = arith.constant 0 : i32
    %dma_wait3A_144 = arith.constant 0 : i32
    %dma_wait3A_145 = tpu.memref_slice %arg4[%dma_wait3A_143, %dma_wait3A_144, %add3A_139] : memref<2x200x16384xf32, #tpu.memory_space<hbm>> -> memref<2x200x128xf32, #tpu.memory_space<hbm>>
    tpu.wait_dma2 semaphore(%arg10 : memref<!tpu.dma_semaphore, #tpu.memory_space<semaphore_mem>>) src(%arg7 : memref<2x200x128xf32, #tpu.memory_space<vmem>>) dst(%dma_wait3A_145 : memref<2x200x128xf32, #tpu.memory_space<hbm>>)
    %scan3A_146 = arith.constant 0 : i32
    %scan3A_147 = arith.constant 0 : i32
    %scan3A_148 = arith.constant 200 : i32
    %scan3A_149 = arith.addi %scan3A_147, %scan3A_148 : i32
    %scan3A_150 = arith.constant 2 : i32
    scf.for %scan3A_168 = %scan3A_147 to %scan3A_149 step %scan3A_150  : i32 {
      %get3A = arith.index_cast %scan3A_168 : i32 to index
      %get3A_169 = arith.constant 0 : index
      %get3A_170 = tpu.vector_load %arg5[%get3A, %get3A_169] {strides = array<i32>} : memref<200x128xi32, #tpu.memory_space<vmem>>, vector<16xi32>,
      %get3A_171 = arith.index_cast %scan3A_168 : i32 to index
      %get3A_172 = arith.constant 0 : index
      %get3A_173 = tpu.vector_load %arg6[%get3A_171, %get3A_172] {strides = array<i32>} : memref<200x128xi32, #tpu.memory_space<vmem>>, vector<16xi32>,
      %convert_element_type3A = arith.sitofp %get3A_170 : vector<16xi32> to vector<16xf32>
      %mul3A_174 = arith.constant 0.666666686 : f32
      %mul3A_175 = vector.broadcast %mul3A_174 : f32 to vector<16xf32>
      %mul3A_176 = arith.mulf %convert_element_type3A, %mul3A_175 : vector<16xf32>
      %sub3A = arith.constant 1.000000e+00 : f32
      %sub3A_177 = vector.broadcast %sub3A : f32 to vector<16xf32>
      %sub3A_178 = arith.subf %mul3A_176, %sub3A_177 : vector<16xf32>
      %swap3A = arith.constant 0 : i32
      %swap3A_179 = arith.index_cast %swap3A : i32 to index
      %swap3A_180 = arith.index_cast %scan3A_168 : i32 to index
      %swap3A_181 = arith.constant 0 : index
      %swap3A_182 = tpu.vector_load %arg7[%swap3A_179, %swap3A_180, %swap3A_181] {strides = array<i32>} : memref<2x200x128xf32, #tpu.memory_space<vmem>>, vector<16xf32>,
      tpu.vector_store %arg7[%swap3A_179, %swap3A_180, %swap3A_181], %sub3A_178 {strides = array<i32>} : memref<2x200x128xf32, #tpu.memory_space<vmem>>, vector<16xf32>,
      %convert_element_type3A_183 = arith.sitofp %get3A_173 : vector<16xi32> to vector<16xf32>
      %mul3A_184 = arith.constant 0.666666686 : f32
      %mul3A_185 = vector.broadcast %mul3A_184 : f32 to vector<16xf32>
      %mul3A_186 = arith.mulf %convert_element_type3A_183, %mul3A_185 : vector<16xf32>
      %sub3A_187 = arith.constant 1.000000e+00 : f32
      %sub3A_188 = vector.broadcast %sub3A_187 : f32 to vector<16xf32>
      %sub3A_189 = arith.subf %mul3A_186, %sub3A_188 : vector<16xf32>
      %swap3A_190 = arith.constant 1 : i32
      %swap3A_191 = arith.index_cast %swap3A_190 : i32 to index
      %swap3A_192 = arith.index_cast %scan3A_168 : i32 to index
      %swap3A_193 = arith.constant 0 : index
      %swap3A_194 = tpu.vector_load %arg7[%swap3A_191, %swap3A_192, %swap3A_193] {strides = array<i32>} : memref<2x200x128xf32, #tpu.memory_space<vmem>>, vector<16xf32>,
      tpu.vector_store %arg7[%swap3A_191, %swap3A_192, %swap3A_193], %sub3A_189 {strides = array<i32>} : memref<2x200x128xf32, #tpu.memory_space<vmem>>, vector<16xf32>,
      %get3A_195 = arith.index_cast %scan3A_168 : i32 to index
      %get3A_196 = arith.constant 16 : index
      %get3A_197 = tpu.vector_load %arg5[%get3A_195, %get3A_196] {strides = array<i32>} : memref<200x128xi32, #tpu.memory_space<vmem>>, vector<16xi32>,
      %get3A_198 = arith.index_cast %scan3A_168 : i32 to index
      %get3A_199 = arith.constant 16 : index
      %get3A_200 = tpu.vector_load %arg6[%get3A_198, %get3A_199] {strides = array<i32>} : memref<200x128xi32, #tpu.memory_space<vmem>>, vector<16xi32>,
      %convert_element_type3A_201 = arith.sitofp %get3A_197 : vector<16xi32> to vector<16xf32>
      %mul3A_202 = arith.constant 0.666666686 : f32
      %mul3A_203 = vector.broadcast %mul3A_202 : f32 to vector<16xf32>
      %mul3A_204 = arith.mulf %convert_element_type3A_201, %mul3A_203 : vector<16xf32>
      %sub3A_205 = arith.constant 1.000000e+00 : f32
      %sub3A_206 = vector.broadcast %sub3A_205 : f32 to vector<16xf32>
      %sub3A_207 = arith.subf %mul3A_204, %sub3A_206 : vector<16xf32>
      %swap3A_208 = arith.constant 0 : i32
      %swap3A_209 = arith.index_cast %swap3A_208 : i32 to index
      %swap3A_210 = arith.index_cast %scan3A_168 : i32 to index
      %swap3A_211 = arith.constant 16 : index
      %swap3A_212 = tpu.vector_load %arg7[%swap3A_209, %swap3A_210, %swap3A_211] {strides = array<i32>} : memref<2x200x128xf32, #tpu.memory_space<vmem>>, vector<16xf32>,
      tpu.vector_store %arg7[%swap3A_209, %swap3A_210, %swap3A_211], %sub3A_207 {strides = array<i32>} : memref<2x200x128xf32, #tpu.memory_space<vmem>>, vector<16xf32>,
      %convert_element_type3A_213 = arith.sitofp %get3A_200 : vector<16xi32> to vector<16xf32>
      %mul3A_214 = arith.constant 0.666666686 : f32
      %mul3A_215 = vector.broadcast %mul3A_214 : f32 to vector<16xf32>
      %mul3A_216 = arith.mulf %convert_element_type3A_213, %mul3A_215 : vector<16xf32>
      %sub3A_217 = arith.constant 1.000000e+00 : f32
      %sub3A_218 = vector.broadcast %sub3A_217 : f32 to vector<16xf32>
      %sub3A_219 = arith.subf %mul3A_216, %sub3A_218 : vector<16xf32>
      %swap3A_220 = arith.constant 1 : i32
      %swap3A_221 = arith.index_cast %swap3A_220 : i32 to index
      %swap3A_222 = arith.index_cast %scan3A_168 : i32 to index
      %swap3A_223 = arith.constant 16 : index
      %swap3A_224 = tpu.vector_load %arg7[%swap3A_221, %swap3A_222, %swap3A_223] {strides = array<i32>} : memref<2x200x128xf32, #tpu.memory_space<vmem>>, vector<16xf32>,
      tpu.vector_store %arg7[%swap3A_221, %swap3A_222, %swap3A_223], %sub3A_219 {strides = array<i32>} : memref<2x200x128xf32, #tpu.memory_space<vmem>>, vector<16xf32>,
      %get3A_225 = arith.index_cast %scan3A_168 : i32 to index
      %get3A_226 = arith.constant 32 : index
      %get3A_227 = tpu.vector_load %arg5[%get3A_225, %get3A_226] {strides = array<i32>} : memref<200x128xi32, #tpu.memory_space<vmem>>, vector<16xi32>,
      %get3A_228 = arith.index_cast %scan3A_168 : i32 to index
      %get3A_229 = arith.constant 32 : index
      %get3A_230 = tpu.vector_load %arg6[%get3A_228, %get3A_229] {strides = array<i32>} : memref<200x128xi32, #tpu.memory_space<vmem>>, vector<16xi32>,
      %convert_element_type3A_231 = arith.sitofp %get3A_227 : vector<16xi32> to vector<16xf32>
      %mul3A_232 = arith.constant 0.666666686 : f32
      %mul3A_233 = vector.broadcast %mul3A_232 : f32 to vector<16xf32>
      %mul3A_234 = arith.mulf %convert_element_type3A_231, %mul3A_233 : vector<16xf32>
      %sub3A_235 = arith.constant 1.000000e+00 : f32
      %sub3A_236 = vector.broadcast %sub3A_235 : f32 to vector<16xf32>
      %sub3A_237 = arith.subf %mul3A_234, %sub3A_236 : vector<16xf32>
      %swap3A_238 = arith.constant 0 : i32
      %swap3A_239 = arith.index_cast %swap3A_238 : i32 to index
      %swap3A_240 = arith.index_cast %scan3A_168 : i32 to index
      %swap3A_241 = arith.constant 32 : index
      %swap3A_242 = tpu.vector_load %arg7[%swap3A_239, %swap3A_240, %swap3A_241] {strides = array<i32>} : memref<2x200x128xf32, #tpu.memory_space<vmem>>, vector<16xf32>,
      tpu.vector_store %arg7[%swap3A_239, %swap3A_240, %swap3A_241], %sub3A_237 {strides = array<i32>} : memref<2x200x128xf32, #tpu.memory_space<vmem>>, vector<16xf32>,
      %convert_element_type3A_243 = arith.sitofp %get3A_230 : vector<16xi32> to vector<16xf32>
      %mul3A_244 = arith.constant 0.666666686 : f32
      %mul3A_245 = vector.broadcast %mul3A_244 : f32 to vector<16xf32>
      %mul3A_246 = arith.mulf %convert_element_type3A_243, %mul3A_245 : vector<16xf32>
      %sub3A_247 = arith.constant 1.000000e+00 : f32
      %sub3A_248 = vector.broadcast %sub3A_247 : f32 to vector<16xf32>
      %sub3A_249 = arith.subf %mul3A_246, %sub3A_248 : vector<16xf32>
      %swap3A_250 = arith.constant 1 : i32
      %swap3A_251 = arith.index_cast %swap3A_250 : i32 to index
      %swap3A_252 = arith.index_cast %scan3A_168 : i32 to index
      %swap3A_253 = arith.constant 32 : index
      %swap3A_254 = tpu.vector_load %arg7[%swap3A_251, %swap3A_252, %swap3A_253] {strides = array<i32>} : memref<2x200x128xf32, #tpu.memory_space<vmem>>, vector<16xf32>,
      tpu.vector_store %arg7[%swap3A_251, %swap3A_252, %swap3A_253], %sub3A_249 {strides = array<i32>} : memref<2x200x128xf32, #tpu.memory_space<vmem>>, vector<16xf32>,
      %get3A_255 = arith.index_cast %scan3A_168 : i32 to index
      %get3A_256 = arith.constant 48 : index
      %get3A_257 = tpu.vector_load %arg5[%get3A_255, %get3A_256] {strides = array<i32>} : memref<200x128xi32, #tpu.memory_space<vmem>>, vector<16xi32>,
      %get3A_258 = arith.index_cast %scan3A_168 : i32 to index
      %get3A_259 = arith.constant 48 : index
      %get3A_260 = tpu.vector_load %arg6[%get3A_258, %get3A_259] {strides = array<i32>} : memref<200x128xi32, #tpu.memory_space<vmem>>, vector<16xi32>,
      %convert_element_type3A_261 = arith.sitofp %get3A_257 : vector<16xi32> to vector<16xf32>
      %mul3A_262 = arith.constant 0.666666686 : f32
      %mul3A_263 = vector.broadcast %mul3A_262 : f32 to vector<16xf32>
      %mul3A_264 = arith.mulf %convert_element_type3A_261, %mul3A_263 : vector<16xf32>
      %sub3A_265 = arith.constant 1.000000e+00 : f32
      %sub3A_266 = vector.broadcast %sub3A_265 : f32 to vector<16xf32>
      %sub3A_267 = arith.subf %mul3A_264, %sub3A_266 : vector<16xf32>
      %swap3A_268 = arith.constant 0 : i32
      %swap3A_269 = arith.index_cast %swap3A_268 : i32 to index
      %swap3A_270 = arith.index_cast %scan3A_168 : i32 to index
      %swap3A_271 = arith.constant 48 : index
      %swap3A_272 = tpu.vector_load %arg7[%swap3A_269, %swap3A_270, %swap3A_271] {strides = array<i32>} : memref<2x200x128xf32, #tpu.memory_space<vmem>>, vector<16xf32>,
      tpu.vector_store %arg7[%swap3A_269, %swap3A_270, %swap3A_271], %sub3A_267 {strides = array<i32>} : memref<2x200x128xf32, #tpu.memory_space<vmem>>, vector<16xf32>,
      %convert_element_type3A_273 = arith.sitofp %get3A_260 : vector<16xi32> to vector<16xf32>
      %mul3A_274 = arith.constant 0.666666686 : f32
      %mul3A_275 = vector.broadcast %mul3A_274 : f32 to vector<16xf32>
      %mul3A_276 = arith.mulf %convert_element_type3A_273, %mul3A_275 : vector<16xf32>
      %sub3A_277 = arith.constant 1.000000e+00 : f32
      %sub3A_278 = vector.broadcast %sub3A_277 : f32 to vector<16xf32>
      %sub3A_279 = arith.subf %mul3A_276, %sub3A_278 : vector<16xf32>
      %swap3A_280 = arith.constant 1 : i32
      %swap3A_281 = arith.index_cast %swap3A_280 : i32 to index
      %swap3A_282 = arith.index_cast %scan3A_168 : i32 to index
      %swap3A_283 = arith.constant 48 : index
      %swap3A_284 = tpu.vector_load %arg7[%swap3A_281, %swap3A_282, %swap3A_283] {strides = array<i32>} : memref<2x200x128xf32, #tpu.memory_space<vmem>>, vector<16xf32>,
      tpu.vector_store %arg7[%swap3A_281, %swap3A_282, %swap3A_283], %sub3A_279 {strides = array<i32>} : memref<2x200x128xf32, #tpu.memory_space<vmem>>, vector<16xf32>,
      %get3A_285 = arith.index_cast %scan3A_168 : i32 to index
      %get3A_286 = arith.constant 64 : index
      %get3A_287 = tpu.vector_load %arg5[%get3A_285, %get3A_286] {strides = array<i32>} : memref<200x128xi32, #tpu.memory_space<vmem>>, vector<16xi32>,
      %get3A_288 = arith.index_cast %scan3A_168 : i32 to index
      %get3A_289 = arith.constant 64 : index
      %get3A_290 = tpu.vector_load %arg6[%get3A_288, %get3A_289] {strides = array<i32>} : memref<200x128xi32, #tpu.memory_space<vmem>>, vector<16xi32>,
      %convert_element_type3A_291 = arith.sitofp %get3A_287 : vector<16xi32> to vector<16xf32>
      %mul3A_292 = arith.constant 0.666666686 : f32
      %mul3A_293 = vector.broadcast %mul3A_292 : f32 to vector<16xf32>
      %mul3A_294 = arith.mulf %convert_element_type3A_291, %mul3A_293 : vector<16xf32>
      %sub3A_295 = arith.constant 1.000000e+00 : f32
      %sub3A_296 = vector.broadcast %sub3A_295 : f32 to vector<16xf32>
      %sub3A_297 = arith.subf %mul3A_294, %sub3A_296 : vector<16xf32>
      %swap3A_298 = arith.constant 0 : i32
      %swap3A_299 = arith.index_cast %swap3A_298 : i32 to index
      %swap3A_300 = arith.index_cast %scan3A_168 : i32 to index
      %swap3A_301 = arith.constant 64 : index
      %swap3A_302 = tpu.vector_load %arg7[%swap3A_299, %swap3A_300, %swap3A_301] {strides = array<i32>} : memref<2x200x128xf32, #tpu.memory_space<vmem>>, vector<16xf32>,
      tpu.vector_store %arg7[%swap3A_299, %swap3A_300, %swap3A_301], %sub3A_297 {strides = array<i32>} : memref<2x200x128xf32, #tpu.memory_space<vmem>>, vector<16xf32>,
      %convert_element_type3A_303 = arith.sitofp %get3A_290 : vector<16xi32> to vector<16xf32>
      %mul3A_304 = arith.constant 0.666666686 : f32
      %mul3A_305 = vector.broadcast %mul3A_304 : f32 to vector<16xf32>
      %mul3A_306 = arith.mulf %convert_element_type3A_303, %mul3A_305 : vector<16xf32>
      %sub3A_307 = arith.constant 1.000000e+00 : f32
      %sub3A_308 = vector.broadcast %sub3A_307 : f32 to vector<16xf32>
      %sub3A_309 = arith.subf %mul3A_306, %sub3A_308 : vector<16xf32>
      %swap3A_310 = arith.constant 1 : i32
      %swap3A_311 = arith.index_cast %swap3A_310 : i32 to index
      %swap3A_312 = arith.index_cast %scan3A_168 : i32 to index
      %swap3A_313 = arith.constant 64 : index
      %swap3A_314 = tpu.vector_load %arg7[%swap3A_311, %swap3A_312, %swap3A_313] {strides = array<i32>} : memref<2x200x128xf32, #tpu.memory_space<vmem>>, vector<16xf32>,
      tpu.vector_store %arg7[%swap3A_311, %swap3A_312, %swap3A_313], %sub3A_309 {strides = array<i32>} : memref<2x200x128xf32, #tpu.memory_space<vmem>>, vector<16xf32>,
      %get3A_315 = arith.index_cast %scan3A_168 : i32 to index
      %get3A_316 = arith.constant 80 : index
      %get3A_317 = tpu.vector_load %arg5[%get3A_315, %get3A_316] {strides = array<i32>} : memref<200x128xi32, #tpu.memory_space<vmem>>, vector<16xi32>,
      %get3A_318 = arith.index_cast %scan3A_168 : i32 to index
      %get3A_319 = arith.constant 80 : index
      %get3A_320 = tpu.vector_load %arg6[%get3A_318, %get3A_319] {strides = array<i32>} : memref<200x128xi32, #tpu.memory_space<vmem>>, vector<16xi32>,
      %convert_element_type3A_321 = arith.sitofp %get3A_317 : vector<16xi32> to vector<16xf32>
      %mul3A_322 = arith.constant 0.666666686 : f32
      %mul3A_323 = vector.broadcast %mul3A_322 : f32 to vector<16xf32>
      %mul3A_324 = arith.mulf %convert_element_type3A_321, %mul3A_323 : vector<16xf32>
      %sub3A_325 = arith.constant 1.000000e+00 : f32
      %sub3A_326 = vector.broadcast %sub3A_325 : f32 to vector<16xf32>
      %sub3A_327 = arith.subf %mul3A_324, %sub3A_326 : vector<16xf32>
      %swap3A_328 = arith.constant 0 : i32
      %swap3A_329 = arith.index_cast %swap3A_328 : i32 to index
      %swap3A_330 = arith.index_cast %scan3A_168 : i32 to index
      %swap3A_331 = arith.constant 80 : index
      %swap3A_332 = tpu.vector_load %arg7[%swap3A_329, %swap3A_330, %swap3A_331] {strides = array<i32>} : memref<2x200x128xf32, #tpu.memory_space<vmem>>, vector<16xf32>,
      tpu.vector_store %arg7[%swap3A_329, %swap3A_330, %swap3A_331], %sub3A_327 {strides = array<i32>} : memref<2x200x128xf32, #tpu.memory_space<vmem>>, vector<16xf32>,
      %convert_element_type3A_333 = arith.sitofp %get3A_320 : vector<16xi32> to vector<16xf32>
      %mul3A_334 = arith.constant 0.666666686 : f32
      %mul3A_335 = vector.broadcast %mul3A_334 : f32 to vector<16xf32>
      %mul3A_336 = arith.mulf %convert_element_type3A_333, %mul3A_335 : vector<16xf32>
      %sub3A_337 = arith.constant 1.000000e+00 : f32
      %sub3A_338 = vector.broadcast %sub3A_337 : f32 to vector<16xf32>
      %sub3A_339 = arith.subf %mul3A_336, %sub3A_338 : vector<16xf32>
      %swap3A_340 = arith.constant 1 : i32
      %swap3A_341 = arith.index_cast %swap3A_340 : i32 to index
      %swap3A_342 = arith.index_cast %scan3A_168 : i32 to index
      %swap3A_343 = arith.constant 80 : index
      %swap3A_344 = tpu.vector_load %arg7[%swap3A_341, %swap3A_342, %swap3A_343] {strides = array<i32>} : memref<2x200x128xf32, #tpu.memory_space<vmem>>, vector<16xf32>,
      tpu.vector_store %arg7[%swap3A_341, %swap3A_342, %swap3A_343], %sub3A_339 {strides = array<i32>} : memref<2x200x128xf32, #tpu.memory_space<vmem>>, vector<16xf32>,
      %get3A_345 = arith.index_cast %scan3A_168 : i32 to index
      %get3A_346 = arith.constant 96 : index
      %get3A_347 = tpu.vector_load %arg5[%get3A_345, %get3A_346] {strides = array<i32>} : memref<200x128xi32, #tpu.memory_space<vmem>>, vector<16xi32>,
      %get3A_348 = arith.index_cast %scan3A_168 : i32 to index
      %get3A_349 = arith.constant 96 : index
      %get3A_350 = tpu.vector_load %arg6[%get3A_348, %get3A_349] {strides = array<i32>} : memref<200x128xi32, #tpu.memory_space<vmem>>, vector<16xi32>,
      %convert_element_type3A_351 = arith.sitofp %get3A_347 : vector<16xi32> to vector<16xf32>
      %mul3A_352 = arith.constant 0.666666686 : f32
      %mul3A_353 = vector.broadcast %mul3A_352 : f32 to vector<16xf32>
      %mul3A_354 = arith.mulf %convert_element_type3A_351, %mul3A_353 : vector<16xf32>
      %sub3A_355 = arith.constant 1.000000e+00 : f32
      %sub3A_356 = vector.broadcast %sub3A_355 : f32 to vector<16xf32>
      %sub3A_357 = arith.subf %mul3A_354, %sub3A_356 : vector<16xf32>
      %swap3A_358 = arith.constant 0 : i32
      %swap3A_359 = arith.index_cast %swap3A_358 : i32 to index
      %swap3A_360 = arith.index_cast %scan3A_168 : i32 to index
      %swap3A_361 = arith.constant 96 : index
      %swap3A_362 = tpu.vector_load %arg7[%swap3A_359, %swap3A_360, %swap3A_361] {strides = array<i32>} : memref<2x200x128xf32, #tpu.memory_space<vmem>>, vector<16xf32>,
      tpu.vector_store %arg7[%swap3A_359, %swap3A_360, %swap3A_361], %sub3A_357 {strides = array<i32>} : memref<2x200x128xf32, #tpu.memory_space<vmem>>, vector<16xf32>,
      %convert_element_type3A_363 = arith.sitofp %get3A_350 : vector<16xi32> to vector<16xf32>
      %mul3A_364 = arith.constant 0.666666686 : f32
      %mul3A_365 = vector.broadcast %mul3A_364 : f32 to vector<16xf32>
      %mul3A_366 = arith.mulf %convert_element_type3A_363, %mul3A_365 : vector<16xf32>
      %sub3A_367 = arith.constant 1.000000e+00 : f32
      %sub3A_368 = vector.broadcast %sub3A_367 : f32 to vector<16xf32>
      %sub3A_369 = arith.subf %mul3A_366, %sub3A_368 : vector<16xf32>
      %swap3A_370 = arith.constant 1 : i32
      %swap3A_371 = arith.index_cast %swap3A_370 : i32 to index
      %swap3A_372 = arith.index_cast %scan3A_168 : i32 to index
      %swap3A_373 = arith.constant 96 : index
      %swap3A_374 = tpu.vector_load %arg7[%swap3A_371, %swap3A_372, %swap3A_373] {strides = array<i32>} : memref<2x200x128xf32, #tpu.memory_space<vmem>>, vector<16xf32>,
      tpu.vector_store %arg7[%swap3A_371, %swap3A_372, %swap3A_373], %sub3A_369 {strides = array<i32>} : memref<2x200x128xf32, #tpu.memory_space<vmem>>, vector<16xf32>,
      %get3A_375 = arith.index_cast %scan3A_168 : i32 to index
      %get3A_376 = arith.constant 112 : index
      %get3A_377 = tpu.vector_load %arg5[%get3A_375, %get3A_376] {strides = array<i32>} : memref<200x128xi32, #tpu.memory_space<vmem>>, vector<16xi32>,
      %get3A_378 = arith.index_cast %scan3A_168 : i32 to index
      %get3A_379 = arith.constant 112 : index
      %get3A_380 = tpu.vector_load %arg6[%get3A_378, %get3A_379] {strides = array<i32>} : memref<200x128xi32, #tpu.memory_space<vmem>>, vector<16xi32>,
      %convert_element_type3A_381 = arith.sitofp %get3A_377 : vector<16xi32> to vector<16xf32>
      %mul3A_382 = arith.constant 0.666666686 : f32
      %mul3A_383 = vector.broadcast %mul3A_382 : f32 to vector<16xf32>
      %mul3A_384 = arith.mulf %convert_element_type3A_381, %mul3A_383 : vector<16xf32>
      %sub3A_385 = arith.constant 1.000000e+00 : f32
      %sub3A_386 = vector.broadcast %sub3A_385 : f32 to vector<16xf32>
      %sub3A_387 = arith.subf %mul3A_384, %sub3A_386 : vector<16xf32>
      %swap3A_388 = arith.constant 0 : i32
      %swap3A_389 = arith.index_cast %swap3A_388 : i32 to index
      %swap3A_390 = arith.index_cast %scan3A_168 : i32 to index
      %swap3A_391 = arith.constant 112 : index
      %swap3A_392 = tpu.vector_load %arg7[%swap3A_389, %swap3A_390, %swap3A_391] {strides = array<i32>} : memref<2x200x128xf32, #tpu.memory_space<vmem>>, vector<16xf32>,
      tpu.vector_store %arg7[%swap3A_389, %swap3A_390, %swap3A_391], %sub3A_387 {strides = array<i32>} : memref<2x200x128xf32, #tpu.memory_space<vmem>>, vector<16xf32>,
      %convert_element_type3A_393 = arith.sitofp %get3A_380 : vector<16xi32> to vector<16xf32>
      %mul3A_394 = arith.constant 0.666666686 : f32
      %mul3A_395 = vector.broadcast %mul3A_394 : f32 to vector<16xf32>
      %mul3A_396 = arith.mulf %convert_element_type3A_393, %mul3A_395 : vector<16xf32>
      %sub3A_397 = arith.constant 1.000000e+00 : f32
      %sub3A_398 = vector.broadcast %sub3A_397 : f32 to vector<16xf32>
      %sub3A_399 = arith.subf %mul3A_396, %sub3A_398 : vector<16xf32>
      %swap3A_400 = arith.constant 1 : i32
      %swap3A_401 = arith.index_cast %swap3A_400 : i32 to index
      %swap3A_402 = arith.index_cast %scan3A_168 : i32 to index
      %swap3A_403 = arith.constant 112 : index
      %swap3A_404 = tpu.vector_load %arg7[%swap3A_401, %swap3A_402, %swap3A_403] {strides = array<i32>} : memref<2x200x128xf32, #tpu.memory_space<vmem>>, vector<16xf32>,
      tpu.vector_store %arg7[%swap3A_401, %swap3A_402, %swap3A_403], %sub3A_399 {strides = array<i32>} : memref<2x200x128xf32, #tpu.memory_space<vmem>>, vector<16xf32>,
      %scan3A_405 = arith.constant 1 : i32
      %scan3A_406 = arith.addi %scan3A_168, %scan3A_405 : i32
      %get3A_407 = arith.index_cast %scan3A_406 : i32 to index
      %get3A_408 = arith.constant 0 : index
      %get3A_409 = tpu.vector_load %arg5[%get3A_407, %get3A_408] {strides = array<i32>} : memref<200x128xi32, #tpu.memory_space<vmem>>, vector<16xi32>,
      %get3A_410 = arith.index_cast %scan3A_406 : i32 to index
      %get3A_411 = arith.constant 0 : index
      %get3A_412 = tpu.vector_load %arg6[%get3A_410, %get3A_411] {strides = array<i32>} : memref<200x128xi32, #tpu.memory_space<vmem>>, vector<16xi32>,
      %convert_element_type3A_413 = arith.sitofp %get3A_409 : vector<16xi32> to vector<16xf32>
      %mul3A_414 = arith.constant 0.666666686 : f32
      %mul3A_415 = vector.broadcast %mul3A_414 : f32 to vector<16xf32>
      %mul3A_416 = arith.mulf %convert_element_type3A_413, %mul3A_415 : vector<16xf32>
      %sub3A_417 = arith.constant 1.000000e+00 : f32
      %sub3A_418 = vector.broadcast %sub3A_417 : f32 to vector<16xf32>
      %sub3A_419 = arith.subf %mul3A_416, %sub3A_418 : vector<16xf32>
      %swap3A_420 = arith.constant 0 : i32
      %swap3A_421 = arith.index_cast %swap3A_420 : i32 to index
      %swap3A_422 = arith.index_cast %scan3A_406 : i32 to index
      %swap3A_423 = arith.constant 0 : index
      %swap3A_424 = tpu.vector_load %arg7[%swap3A_421, %swap3A_422, %swap3A_423] {strides = array<i32>} : memref<2x200x128xf32, #tpu.memory_space<vmem>>, vector<16xf32>,
      tpu.vector_store %arg7[%swap3A_421, %swap3A_422, %swap3A_423], %sub3A_419 {strides = array<i32>} : memref<2x200x128xf32, #tpu.memory_space<vmem>>, vector<16xf32>,
      %convert_element_type3A_425 = arith.sitofp %get3A_412 : vector<16xi32> to vector<16xf32>
      %mul3A_426 = arith.constant 0.666666686 : f32
      %mul3A_427 = vector.broadcast %mul3A_426 : f32 to vector<16xf32>
      %mul3A_428 = arith.mulf %convert_element_type3A_425, %mul3A_427 : vector<16xf32>
      %sub3A_429 = arith.constant 1.000000e+00 : f32
      %sub3A_430 = vector.broadcast %sub3A_429 : f32 to vector<16xf32>
      %sub3A_431 = arith.subf %mul3A_428, %sub3A_430 : vector<16xf32>
      %swap3A_432 = arith.constant 1 : i32
      %swap3A_433 = arith.index_cast %swap3A_432 : i32 to index
      %swap3A_434 = arith.index_cast %scan3A_406 : i32 to index
      %swap3A_435 = arith.constant 0 : index
      %swap3A_436 = tpu.vector_load %arg7[%swap3A_433, %swap3A_434, %swap3A_435] {strides = array<i32>} : memref<2x200x128xf32, #tpu.memory_space<vmem>>, vector<16xf32>,
      tpu.vector_store %arg7[%swap3A_433, %swap3A_434, %swap3A_435], %sub3A_431 {strides = array<i32>} : memref<2x200x128xf32, #tpu.memory_space<vmem>>, vector<16xf32>,
      %get3A_437 = arith.index_cast %scan3A_406 : i32 to index
      %get3A_438 = arith.constant 16 : index
      %get3A_439 = tpu.vector_load %arg5[%get3A_437, %get3A_438] {strides = array<i32>} : memref<200x128xi32, #tpu.memory_space<vmem>>, vector<16xi32>,
      %get3A_440 = arith.index_cast %scan3A_406 : i32 to index
      %get3A_441 = arith.constant 16 : index
      %get3A_442 = tpu.vector_load %arg6[%get3A_440, %get3A_441] {strides = array<i32>} : memref<200x128xi32, #tpu.memory_space<vmem>>, vector<16xi32>,
      %convert_element_type3A_443 = arith.sitofp %get3A_439 : vector<16xi32> to vector<16xf32>
      %mul3A_444 = arith.constant 0.666666686 : f32
      %mul3A_445 = vector.broadcast %mul3A_444 : f32 to vector<16xf32>
      %mul3A_446 = arith.mulf %convert_element_type3A_443, %mul3A_445 : vector<16xf32>
      %sub3A_447 = arith.constant 1.000000e+00 : f32
      %sub3A_448 = vector.broadcast %sub3A_447 : f32 to vector<16xf32>
      %sub3A_449 = arith.subf %mul3A_446, %sub3A_448 : vector<16xf32>
      %swap3A_450 = arith.constant 0 : i32
      %swap3A_451 = arith.index_cast %swap3A_450 : i32 to index
      %swap3A_452 = arith.index_cast %scan3A_406 : i32 to index
      %swap3A_453 = arith.constant 16 : index
      %swap3A_454 = tpu.vector_load %arg7[%swap3A_451, %swap3A_452, %swap3A_453] {strides = array<i32>} : memref<2x200x128xf32, #tpu.memory_space<vmem>>, vector<16xf32>,
      tpu.vector_store %arg7[%swap3A_451, %swap3A_452, %swap3A_453], %sub3A_449 {strides = array<i32>} : memref<2x200x128xf32, #tpu.memory_space<vmem>>, vector<16xf32>,
      %convert_element_type3A_455 = arith.sitofp %get3A_442 : vector<16xi32> to vector<16xf32>
      %mul3A_456 = arith.constant 0.666666686 : f32
      %mul3A_457 = vector.broadcast %mul3A_456 : f32 to vector<16xf32>
      %mul3A_458 = arith.mulf %convert_element_type3A_455, %mul3A_457 : vector<16xf32>
      %sub3A_459 = arith.constant 1.000000e+00 : f32
      %sub3A_460 = vector.broadcast %sub3A_459 : f32 to vector<16xf32>
      %sub3A_461 = arith.subf %mul3A_458, %sub3A_460 : vector<16xf32>
      %swap3A_462 = arith.constant 1 : i32
      %swap3A_463 = arith.index_cast %swap3A_462 : i32 to index
      %swap3A_464 = arith.index_cast %scan3A_406 : i32 to index
      %swap3A_465 = arith.constant 16 : index
      %swap3A_466 = tpu.vector_load %arg7[%swap3A_463, %swap3A_464, %swap3A_465] {strides = array<i32>} : memref<2x200x128xf32, #tpu.memory_space<vmem>>, vector<16xf32>,
      tpu.vector_store %arg7[%swap3A_463, %swap3A_464, %swap3A_465], %sub3A_461 {strides = array<i32>} : memref<2x200x128xf32, #tpu.memory_space<vmem>>, vector<16xf32>,
      %get3A_467 = arith.index_cast %scan3A_406 : i32 to index
      %get3A_468 = arith.constant 32 : index
      %get3A_469 = tpu.vector_load %arg5[%get3A_467, %get3A_468] {strides = array<i32>} : memref<200x128xi32, #tpu.memory_space<vmem>>, vector<16xi32>,
      %get3A_470 = arith.index_cast %scan3A_406 : i32 to index
      %get3A_471 = arith.constant 32 : index
      %get3A_472 = tpu.vector_load %arg6[%get3A_470, %get3A_471] {strides = array<i32>} : memref<200x128xi32, #tpu.memory_space<vmem>>, vector<16xi32>,
      %convert_element_type3A_473 = arith.sitofp %get3A_469 : vector<16xi32> to vector<16xf32>
      %mul3A_474 = arith.constant 0.666666686 : f32
      %mul3A_475 = vector.broadcast %mul3A_474 : f32 to vector<16xf32>
      %mul3A_476 = arith.mulf %convert_element_type3A_473, %mul3A_475 : vector<16xf32>
      %sub3A_477 = arith.constant 1.000000e+00 : f32
      %sub3A_478 = vector.broadcast %sub3A_477 : f32 to vector<16xf32>
      %sub3A_479 = arith.subf %mul3A_476, %sub3A_478 : vector<16xf32>
      %swap3A_480 = arith.constant 0 : i32
      %swap3A_481 = arith.index_cast %swap3A_480 : i32 to index
      %swap3A_482 = arith.index_cast %scan3A_406 : i32 to index
      %swap3A_483 = arith.constant 32 : index
      %swap3A_484 = tpu.vector_load %arg7[%swap3A_481, %swap3A_482, %swap3A_483] {strides = array<i32>} : memref<2x200x128xf32, #tpu.memory_space<vmem>>, vector<16xf32>,
      tpu.vector_store %arg7[%swap3A_481, %swap3A_482, %swap3A_483], %sub3A_479 {strides = array<i32>} : memref<2x200x128xf32, #tpu.memory_space<vmem>>, vector<16xf32>,
      %convert_element_type3A_485 = arith.sitofp %get3A_472 : vector<16xi32> to vector<16xf32>
      %mul3A_486 = arith.constant 0.666666686 : f32
      %mul3A_487 = vector.broadcast %mul3A_486 : f32 to vector<16xf32>
      %mul3A_488 = arith.mulf %convert_element_type3A_485, %mul3A_487 : vector<16xf32>
      %sub3A_489 = arith.constant 1.000000e+00 : f32
      %sub3A_490 = vector.broadcast %sub3A_489 : f32 to vector<16xf32>
      %sub3A_491 = arith.subf %mul3A_488, %sub3A_490 : vector<16xf32>
      %swap3A_492 = arith.constant 1 : i32
      %swap3A_493 = arith.index_cast %swap3A_492 : i32 to index
      %swap3A_494 = arith.index_cast %scan3A_406 : i32 to index
      %swap3A_495 = arith.constant 32 : index
      %swap3A_496 = tpu.vector_load %arg7[%swap3A_493, %swap3A_494, %swap3A_495] {strides = array<i32>} : memref<2x200x128xf32, #tpu.memory_space<vmem>>, vector<16xf32>,
      tpu.vector_store %arg7[%swap3A_493, %swap3A_494, %swap3A_495], %sub3A_491 {strides = array<i32>} : memref<2x200x128xf32, #tpu.memory_space<vmem>>, vector<16xf32>,
      %get3A_497 = arith.index_cast %scan3A_406 : i32 to index
      %get3A_498 = arith.constant 48 : index
      %get3A_499 = tpu.vector_load %arg5[%get3A_497, %get3A_498] {strides = array<i32>} : memref<200x128xi32, #tpu.memory_space<vmem>>, vector<16xi32>,
      %get3A_500 = arith.index_cast %scan3A_406 : i32 to index
      %get3A_501 = arith.constant 48 : index
      %get3A_502 = tpu.vector_load %arg6[%get3A_500, %get3A_501] {strides = array<i32>} : memref<200x128xi32, #tpu.memory_space<vmem>>, vector<16xi32>,
      %convert_element_type3A_503 = arith.sitofp %get3A_499 : vector<16xi32> to vector<16xf32>
      %mul3A_504 = arith.constant 0.666666686 : f32
      %mul3A_505 = vector.broadcast %mul3A_504 : f32 to vector<16xf32>
      %mul3A_506 = arith.mulf %convert_element_type3A_503, %mul3A_505 : vector<16xf32>
      %sub3A_507 = arith.constant 1.000000e+00 : f32
      %sub3A_508 = vector.broadcast %sub3A_507 : f32 to vector<16xf32>
      %sub3A_509 = arith.subf %mul3A_506, %sub3A_508 : vector<16xf32>
      %swap3A_510 = arith.constant 0 : i32
      %swap3A_511 = arith.index_cast %swap3A_510 : i32 to index
      %swap3A_512 = arith.index_cast %scan3A_406 : i32 to index
      %swap3A_513 = arith.constant 48 : index
      %swap3A_514 = tpu.vector_load %arg7[%swap3A_511, %swap3A_512, %swap3A_513] {strides = array<i32>} : memref<2x200x128xf32, #tpu.memory_space<vmem>>, vector<16xf32>,
      tpu.vector_store %arg7[%swap3A_511, %swap3A_512, %swap3A_513], %sub3A_509 {strides = array<i32>} : memref<2x200x128xf32, #tpu.memory_space<vmem>>, vector<16xf32>,
      %convert_element_type3A_515 = arith.sitofp %get3A_502 : vector<16xi32> to vector<16xf32>
      %mul3A_516 = arith.constant 0.666666686 : f32
      %mul3A_517 = vector.broadcast %mul3A_516 : f32 to vector<16xf32>
      %mul3A_518 = arith.mulf %convert_element_type3A_515, %mul3A_517 : vector<16xf32>
      %sub3A_519 = arith.constant 1.000000e+00 : f32
      %sub3A_520 = vector.broadcast %sub3A_519 : f32 to vector<16xf32>
      %sub3A_521 = arith.subf %mul3A_518, %sub3A_520 : vector<16xf32>
      %swap3A_522 = arith.constant 1 : i32
      %swap3A_523 = arith.index_cast %swap3A_522 : i32 to index
      %swap3A_524 = arith.index_cast %scan3A_406 : i32 to index
      %swap3A_525 = arith.constant 48 : index
      %swap3A_526 = tpu.vector_load %arg7[%swap3A_523, %swap3A_524, %swap3A_525] {strides = array<i32>} : memref<2x200x128xf32, #tpu.memory_space<vmem>>, vector<16xf32>,
      tpu.vector_store %arg7[%swap3A_523, %swap3A_524, %swap3A_525], %sub3A_521 {strides = array<i32>} : memref<2x200x128xf32, #tpu.memory_space<vmem>>, vector<16xf32>,
      %get3A_527 = arith.index_cast %scan3A_406 : i32 to index
      %get3A_528 = arith.constant 64 : index
      %get3A_529 = tpu.vector_load %arg5[%get3A_527, %get3A_528] {strides = array<i32>} : memref<200x128xi32, #tpu.memory_space<vmem>>, vector<16xi32>,
      %get3A_530 = arith.index_cast %scan3A_406 : i32 to index
      %get3A_531 = arith.constant 64 : index
      %get3A_532 = tpu.vector_load %arg6[%get3A_530, %get3A_531] {strides = array<i32>} : memref<200x128xi32, #tpu.memory_space<vmem>>, vector<16xi32>,
      %convert_element_type3A_533 = arith.sitofp %get3A_529 : vector<16xi32> to vector<16xf32>
      %mul3A_534 = arith.constant 0.666666686 : f32
      %mul3A_535 = vector.broadcast %mul3A_534 : f32 to vector<16xf32>
      %mul3A_536 = arith.mulf %convert_element_type3A_533, %mul3A_535 : vector<16xf32>
      %sub3A_537 = arith.constant 1.000000e+00 : f32
      %sub3A_538 = vector.broadcast %sub3A_537 : f32 to vector<16xf32>
      %sub3A_539 = arith.subf %mul3A_536, %sub3A_538 : vector<16xf32>
      %swap3A_540 = arith.constant 0 : i32
      %swap3A_541 = arith.index_cast %swap3A_540 : i32 to index
      %swap3A_542 = arith.index_cast %scan3A_406 : i32 to index
      %swap3A_543 = arith.constant 64 : index
      %swap3A_544 = tpu.vector_load %arg7[%swap3A_541, %swap3A_542, %swap3A_543] {strides = array<i32>} : memref<2x200x128xf32, #tpu.memory_space<vmem>>, vector<16xf32>,
      tpu.vector_store %arg7[%swap3A_541, %swap3A_542, %swap3A_543], %sub3A_539 {strides = array<i32>} : memref<2x200x128xf32, #tpu.memory_space<vmem>>, vector<16xf32>,
      %convert_element_type3A_545 = arith.sitofp %get3A_532 : vector<16xi32> to vector<16xf32>
      %mul3A_546 = arith.constant 0.666666686 : f32
      %mul3A_547 = vector.broadcast %mul3A_546 : f32 to vector<16xf32>
      %mul3A_548 = arith.mulf %convert_element_type3A_545, %mul3A_547 : vector<16xf32>
      %sub3A_549 = arith.constant 1.000000e+00 : f32
      %sub3A_550 = vector.broadcast %sub3A_549 : f32 to vector<16xf32>
      %sub3A_551 = arith.subf %mul3A_548, %sub3A_550 : vector<16xf32>
      %swap3A_552 = arith.constant 1 : i32
      %swap3A_553 = arith.index_cast %swap3A_552 : i32 to index
      %swap3A_554 = arith.index_cast %scan3A_406 : i32 to index
      %swap3A_555 = arith.constant 64 : index
      %swap3A_556 = tpu.vector_load %arg7[%swap3A_553, %swap3A_554, %swap3A_555] {strides = array<i32>} : memref<2x200x128xf32, #tpu.memory_space<vmem>>, vector<16xf32>,
      tpu.vector_store %arg7[%swap3A_553, %swap3A_554, %swap3A_555], %sub3A_551 {strides = array<i32>} : memref<2x200x128xf32, #tpu.memory_space<vmem>>, vector<16xf32>,
      %get3A_557 = arith.index_cast %scan3A_406 : i32 to index
      %get3A_558 = arith.constant 80 : index
      %get3A_559 = tpu.vector_load %arg5[%get3A_557, %get3A_558] {strides = array<i32>} : memref<200x128xi32, #tpu.memory_space<vmem>>, vector<16xi32>,
      %get3A_560 = arith.index_cast %scan3A_406 : i32 to index
      %get3A_561 = arith.constant 80 : index
      %get3A_562 = tpu.vector_load %arg6[%get3A_560, %get3A_561] {strides = array<i32>} : memref<200x128xi32, #tpu.memory_space<vmem>>, vector<16xi32>,
      %convert_element_type3A_563 = arith.sitofp %get3A_559 : vector<16xi32> to vector<16xf32>
      %mul3A_564 = arith.constant 0.666666686 : f32
      %mul3A_565 = vector.broadcast %mul3A_564 : f32 to vector<16xf32>
      %mul3A_566 = arith.mulf %convert_element_type3A_563, %mul3A_565 : vector<16xf32>
      %sub3A_567 = arith.constant 1.000000e+00 : f32
      %sub3A_568 = vector.broadcast %sub3A_567 : f32 to vector<16xf32>
      %sub3A_569 = arith.subf %mul3A_566, %sub3A_568 : vector<16xf32>
      %swap3A_570 = arith.constant 0 : i32
      %swap3A_571 = arith.index_cast %swap3A_570 : i32 to index
      %swap3A_572 = arith.index_cast %scan3A_406 : i32 to index
      %swap3A_573 = arith.constant 80 : index
      %swap3A_574 = tpu.vector_load %arg7[%swap3A_571, %swap3A_572, %swap3A_573] {strides = array<i32>} : memref<2x200x128xf32, #tpu.memory_space<vmem>>, vector<16xf32>,
      tpu.vector_store %arg7[%swap3A_571, %swap3A_572, %swap3A_573], %sub3A_569 {strides = array<i32>} : memref<2x200x128xf32, #tpu.memory_space<vmem>>, vector<16xf32>,
      %convert_element_type3A_575 = arith.sitofp %get3A_562 : vector<16xi32> to vector<16xf32>
      %mul3A_576 = arith.constant 0.666666686 : f32
      %mul3A_577 = vector.broadcast %mul3A_576 : f32 to vector<16xf32>
      %mul3A_578 = arith.mulf %convert_element_type3A_575, %mul3A_577 : vector<16xf32>
      %sub3A_579 = arith.constant 1.000000e+00 : f32
      %sub3A_580 = vector.broadcast %sub3A_579 : f32 to vector<16xf32>
      %sub3A_581 = arith.subf %mul3A_578, %sub3A_580 : vector<16xf32>
      %swap3A_582 = arith.constant 1 : i32
      %swap3A_583 = arith.index_cast %swap3A_582 : i32 to index
      %swap3A_584 = arith.index_cast %scan3A_406 : i32 to index
      %swap3A_585 = arith.constant 80 : index
      %swap3A_586 = tpu.vector_load %arg7[%swap3A_583, %swap3A_584, %swap3A_585] {strides = array<i32>} : memref<2x200x128xf32, #tpu.memory_space<vmem>>, vector<16xf32>,
      tpu.vector_store %arg7[%swap3A_583, %swap3A_584, %swap3A_585], %sub3A_581 {strides = array<i32>} : memref<2x200x128xf32, #tpu.memory_space<vmem>>, vector<16xf32>,
      %get3A_587 = arith.index_cast %scan3A_406 : i32 to index
      %get3A_588 = arith.constant 96 : index
      %get3A_589 = tpu.vector_load %arg5[%get3A_587, %get3A_588] {strides = array<i32>} : memref<200x128xi32, #tpu.memory_space<vmem>>, vector<16xi32>,
      %get3A_590 = arith.index_cast %scan3A_406 : i32 to index
      %get3A_591 = arith.constant 96 : index
      %get3A_592 = tpu.vector_load %arg6[%get3A_590, %get3A_591] {strides = array<i32>} : memref<200x128xi32, #tpu.memory_space<vmem>>, vector<16xi32>,
      %convert_element_type3A_593 = arith.sitofp %get3A_589 : vector<16xi32> to vector<16xf32>
      %mul3A_594 = arith.constant 0.666666686 : f32
      %mul3A_595 = vector.broadcast %mul3A_594 : f32 to vector<16xf32>
      %mul3A_596 = arith.mulf %convert_element_type3A_593, %mul3A_595 : vector<16xf32>
      %sub3A_597 = arith.constant 1.000000e+00 : f32
      %sub3A_598 = vector.broadcast %sub3A_597 : f32 to vector<16xf32>
      %sub3A_599 = arith.subf %mul3A_596, %sub3A_598 : vector<16xf32>
      %swap3A_600 = arith.constant 0 : i32
      %swap3A_601 = arith.index_cast %swap3A_600 : i32 to index
      %swap3A_602 = arith.index_cast %scan3A_406 : i32 to index
      %swap3A_603 = arith.constant 96 : index
      %swap3A_604 = tpu.vector_load %arg7[%swap3A_601, %swap3A_602, %swap3A_603] {strides = array<i32>} : memref<2x200x128xf32, #tpu.memory_space<vmem>>, vector<16xf32>,
      tpu.vector_store %arg7[%swap3A_601, %swap3A_602, %swap3A_603], %sub3A_599 {strides = array<i32>} : memref<2x200x128xf32, #tpu.memory_space<vmem>>, vector<16xf32>,
      %convert_element_type3A_605 = arith.sitofp %get3A_592 : vector<16xi32> to vector<16xf32>
      %mul3A_606 = arith.constant 0.666666686 : f32
      %mul3A_607 = vector.broadcast %mul3A_606 : f32 to vector<16xf32>
      %mul3A_608 = arith.mulf %convert_element_type3A_605, %mul3A_607 : vector<16xf32>
      %sub3A_609 = arith.constant 1.000000e+00 : f32
      %sub3A_610 = vector.broadcast %sub3A_609 : f32 to vector<16xf32>
      %sub3A_611 = arith.subf %mul3A_608, %sub3A_610 : vector<16xf32>
      %swap3A_612 = arith.constant 1 : i32
      %swap3A_613 = arith.index_cast %swap3A_612 : i32 to index
      %swap3A_614 = arith.index_cast %scan3A_406 : i32 to index
      %swap3A_615 = arith.constant 96 : index
      %swap3A_616 = tpu.vector_load %arg7[%swap3A_613, %swap3A_614, %swap3A_615] {strides = array<i32>} : memref<2x200x128xf32, #tpu.memory_space<vmem>>, vector<16xf32>,
      tpu.vector_store %arg7[%swap3A_613, %swap3A_614, %swap3A_615], %sub3A_611 {strides = array<i32>} : memref<2x200x128xf32, #tpu.memory_space<vmem>>, vector<16xf32>,
      %get3A_617 = arith.index_cast %scan3A_406 : i32 to index
      %get3A_618 = arith.constant 112 : index
      %get3A_619 = tpu.vector_load %arg5[%get3A_617, %get3A_618] {strides = array<i32>} : memref<200x128xi32, #tpu.memory_space<vmem>>, vector<16xi32>,
      %get3A_620 = arith.index_cast %scan3A_406 : i32 to index
      %get3A_621 = arith.constant 112 : index
      %get3A_622 = tpu.vector_load %arg6[%get3A_620, %get3A_621] {strides = array<i32>} : memref<200x128xi32, #tpu.memory_space<vmem>>, vector<16xi32>,
      %convert_element_type3A_623 = arith.sitofp %get3A_619 : vector<16xi32> to vector<16xf32>
      %mul3A_624 = arith.constant 0.666666686 : f32
      %mul3A_625 = vector.broadcast %mul3A_624 : f32 to vector<16xf32>
      %mul3A_626 = arith.mulf %convert_element_type3A_623, %mul3A_625 : vector<16xf32>
      %sub3A_627 = arith.constant 1.000000e+00 : f32
      %sub3A_628 = vector.broadcast %sub3A_627 : f32 to vector<16xf32>
      %sub3A_629 = arith.subf %mul3A_626, %sub3A_628 : vector<16xf32>
      %swap3A_630 = arith.constant 0 : i32
      %swap3A_631 = arith.index_cast %swap3A_630 : i32 to index
      %swap3A_632 = arith.index_cast %scan3A_406 : i32 to index
      %swap3A_633 = arith.constant 112 : index
      %swap3A_634 = tpu.vector_load %arg7[%swap3A_631, %swap3A_632, %swap3A_633] {strides = array<i32>} : memref<2x200x128xf32, #tpu.memory_space<vmem>>, vector<16xf32>,
      tpu.vector_store %arg7[%swap3A_631, %swap3A_632, %swap3A_633], %sub3A_629 {strides = array<i32>} : memref<2x200x128xf32, #tpu.memory_space<vmem>>, vector<16xf32>,
      %convert_element_type3A_635 = arith.sitofp %get3A_622 : vector<16xi32> to vector<16xf32>
      %mul3A_636 = arith.constant 0.666666686 : f32
      %mul3A_637 = vector.broadcast %mul3A_636 : f32 to vector<16xf32>
      %mul3A_638 = arith.mulf %convert_element_type3A_635, %mul3A_637 : vector<16xf32>
      %sub3A_639 = arith.constant 1.000000e+00 : f32
      %sub3A_640 = vector.broadcast %sub3A_639 : f32 to vector<16xf32>
      %sub3A_641 = arith.subf %mul3A_638, %sub3A_640 : vector<16xf32>
      %swap3A_642 = arith.constant 1 : i32
      %swap3A_643 = arith.index_cast %swap3A_642 : i32 to index
      %swap3A_644 = arith.index_cast %scan3A_406 : i32 to index
      %swap3A_645 = arith.constant 112 : index
      %swap3A_646 = tpu.vector_load %arg7[%swap3A_643, %swap3A_644, %swap3A_645] {strides = array<i32>} : memref<2x200x128xf32, #tpu.memory_space<vmem>>, vector<16xf32>,
      tpu.vector_store %arg7[%swap3A_643, %swap3A_644, %swap3A_645], %sub3A_641 {strides = array<i32>} : memref<2x200x128xf32, #tpu.memory_space<vmem>>, vector<16xf32>,
    }
    %scan3A_151 = arith.constant 200 : i32
    %add3A_152 = arith.constant 384 : i32
    %add3A_153 = arith.addi %mul3A_2, %add3A_152 : i32
    %dma_start3A_154 = arith.constant 0 : i32
    %dma_start3A_155 = arith.constant 0 : i32
    %dma_start3A_156 = tpu.memref_slice %arg4[%dma_start3A_154, %dma_start3A_155, %add3A_153] : memref<2x200x16384xf32, #tpu.memory_space<hbm>> -> memref<2x200x128xf32, #tpu.memory_space<hbm>>
    %dma_start3A_157 = arith.constant 0 : i32
    %dma_start3A_158 = arith.constant 0 : i32
    %dma_start3A_159 = tpu.memref_slice %arg4[%dma_start3A_157, %dma_start3A_158, %add3A_153] : memref<2x200x16384xf32, #tpu.memory_space<hbm>> -> memref<2x200x128xf32, #tpu.memory_space<hbm>>
    tpu.enqueue_dma source(%arg7 : memref<2x200x128xf32, #tpu.memory_space<vmem>>) target(%dma_start3A_159 : memref<2x200x128xf32, #tpu.memory_space<hbm>>) target_semaphore(%arg10 : memref<!tpu.dma_semaphore, #tpu.memory_space<semaphore_mem>>)
    %add3A_160 = arith.constant 384 : i32
    %add3A_161 = arith.addi %mul3A_2, %add3A_160 : i32
    %dma_wait3A_162 = arith.constant 0 : i32
    %dma_wait3A_163 = arith.constant 0 : i32
    %dma_wait3A_164 = tpu.memref_slice %arg4[%dma_wait3A_162, %dma_wait3A_163, %add3A_161] : memref<2x200x16384xf32, #tpu.memory_space<hbm>> -> memref<2x200x128xf32, #tpu.memory_space<hbm>>
    %dma_wait3A_165 = arith.constant 0 : i32
    %dma_wait3A_166 = arith.constant 0 : i32
    %dma_wait3A_167 = tpu.memref_slice %arg4[%dma_wait3A_165, %dma_wait3A_166, %add3A_161] : memref<2x200x16384xf32, #tpu.memory_space<hbm>> -> memref<2x200x128xf32, #tpu.memory_space<hbm>>
    tpu.wait_dma2 semaphore(%arg10 : memref<!tpu.dma_semaphore, #tpu.memory_space<semaphore_mem>>) src(%arg7 : memref<2x200x128xf32, #tpu.memory_space<vmem>>) dst(%dma_wait3A_167 : memref<2x200x128xf32, #tpu.memory_space<hbm>>)
    return
  }
}

</mosaic_0001>

<sc_bundles>
// kernel: kernel.3.cloned.1.call-start
scs
__scs_entry_jumppad:
0x0: {  	(pc) =	sbr.rel $0x88, $3  }
0x1: {  	(tag) =	ssettag $0x0;
	lr =	simm.s32 $0x1  }
0x2: {  	[smem:$0x3F9F] =	sst lr;
	_ =	strace $0xD0000000  }
0x3: {  	_ = 	snop  }
0x4: {  	_ = 	snop  }
0x5: {  	_ = 	snop  }
0x6: {  	_ = 	snop  }
0x7: {  	_ = 	snop  }
__scs_overlays_trampoline_lowered:
0x8: {  	[smem:$0x3FAE] =	sst s0  }
0x9: {  	[smem:$0x3FAF] =	sst s1  }
0xa: {  	[smem:$0x3FB0] =	sst s2  }
0xb: {  	[smem:$0x3FB1] =	sst s3  }
0xc: {  	[smem:$0x3FB2] =	sst s4  }
0xd: {  	[smem:$0x3FB3] =	sst s5  }
0xe: {  	[smem:$0x3FB4] =	sst s6  }
0xf: {  	[smem:$0x3FB5] =	sst s7  }
0x10: {  	[smem:$0x3FB6] =	sst s8  }
0x11: {  	[smem:$0x3FB7] =	sst s9;
	s0 =	simm.s32 @!p0 $0x0  }
0x12: {  	s1 =	sld [smem:$0x3F9D];
	s0 =	simm.s32 @p0 $0x1  }
0x13: {  	[smem:$0x3FB8] =	sst s0;
	s0 =	simm.s32 @!p1 $0x0  }
0x14: {  	s2 =	sld [smem:$0x3F9C];
	s0 =	simm.s32 @p1 $0x1  }
0x15: {  	[smem:$0x3FB9] =	sst s0;
	s0 =	simm.s32 @!p2 $0x0  }
0x16: {  	s3 =	sld [smem:$0x3FDB];
	s0 =	simm.s32 @p2 $0x1  }
0x17: {  	s4 =	simm.s32 $0x1BF5;
	[smem:$0x3FBB] =	sst s0  }
0x18: {  	s0 =	sld [smem:$0x3F9E];
	_ =	swait.ge [sflag:s4], $0x0  }
0x19: {  	s7 =	sld [smem:$0x3F9F]  }
0x1a: {  	s8 =	sadd.s32 $0xFFFFE003, lr  }
0x1b: {  	s9 =	sadd.s32 $0xFFFFFEF7, lr;
	s5 =	simm.s32 $0xFFFFFFFF;
	p2 =	slt.u32 s8, $0xFFFFF086  }
0x1c: {  	p1 =	slt.u32 s9, $0xF7A;
	s5 =	simm.s32 @!p2 $0x0  }
0x1d: {  	s5 =	simm.s32 @p1 $0x1;
	p0 =	seq.s32 s7, s2  }
0x1e: {  	s7 =	smul.u32 @!p0 $0xF7A, s2;
	p2 =	seq.s32 @!p0 s5, $0x0  }
0x1f: {  	s9 =	smul.u32 $0xF7A, s1;
	s8 =	simm.s32 @!p0 $0x1BF5;
	p2 =	por !p2, p0  }
0x20: {  	[sflag:s8] =	ssyncset.s32 @!p0 $0xFFFFF086;
	s6 =	sadd.s32 @!p0 s3, s7;
	s7 =	simm.s32 @!p0 $0x108  }
0x21: {  	s3 =	sadd.s32 s3, s9;
	s6 =	sadd.s32 @!p0 $0x88, s6;
	s7 =	simm.s32 @p2 $0x1082  }
0x22: {  	[simem:s7], [sflag:s8] =	dma.local @!p0 [hbm:s6], $0xF7A  }
0x23: {  	s9 =	sor.u32 $0xD0000000, s2;
	s6 =	simm.s32 $0x108;
	_ =	swait.ge @!p0 [sflag:s8], $0x0  }
0x24: {  	s3 =	sadd.s32 $0x88, s3;
	s6 =	simm.s32 @!p1 $0x1082;
	[sflag:s4] =	ssyncset.s32 $0xFFFFF086  }
0x25: {  	[simem:s6], [sflag:s4] =	dma.local [hbm:s3], $0xF7A  }
0x26: {  	[smem:$0x3F9F] =	sst s1;
	(tag) =	ssettag s2;
	_ =	strace s9  }
0x27: {  	s1 =	sld [smem:$0x3FAF]  }
0x28: {  	s2 =	sld [smem:$0x3FB0]  }
0x29: {  	s4 =	sld [smem:$0x3FB2]  }
0x2a: {  	p0 =	seq.s32 s5, $0x0;
	s5 =	sld [smem:$0x3FB3]  }
0x2b: {  	s6 =	sld [smem:$0x3FB4]  }
0x2c: {  	s7 =	sld [smem:$0x3FB5]  }
0x2d: {  	s3 =	simm.s32 $0x108;
	s8 =	sld [smem:$0x3FB6]  }
0x2e: {  	s3 =	simm.s32 @!p0 $0x1082;
	s9 =	sld [smem:$0x3FB7]  }
0x2f: {  	lr =	sadd.s32 s0, s3;
	s0 =	sld [smem:$0x3FAE]  }
0x30: {  	s3 =	sld [smem:$0x3FB1]  }
0x31: {  	[smem:$0x3FBA] =	sst s10  }
0x32: {  	s10 =	sld [smem:$0x3FB8];
	_ =	sdelay $0x3  }
0x33: {  	p0 =	seq.s32 s10, $0x1;
	s10 =	sld [smem:$0x3FBA];
	_ =	sdelay $0x3  }
0x34: {  	[smem:$0x3FBA] =	sst s10  }
0x35: {  	s10 =	sld [smem:$0x3FB9];
	_ =	sdelay $0x3  }
0x36: {  	p1 =	seq.s32 s10, $0x1;
	s10 =	sld [smem:$0x3FBA];
	_ =	sdelay $0x3  }
0x37: {  	[smem:$0x3FBA] =	sst s10  }
0x38: {  	s10 =	sld [smem:$0x3FBB]  }
0x39: {  	_ = 	snop;
	(pc) =	sbr.ind lr, $3  }
0x3a: {  	_ = 	snop  }
0x3b: {  	_ = 	snop  }
0x3c: {  	p2 =	seq.s32 s10, $0x1;
	s10 =	sld [smem:$0x3FBA]  }
0x3d: {  	_ =	shalt  }
0x3e: {  	_ =	shalt  }
0x3f: {  	_ =	shalt  }
0x40: {  	_ =	shalt  }
0x41: {  	_ =	shalt  }
0x42: {  	_ =	shalt  }
0x43: {  	_ =	shalt  }
0x44: {  	_ =	shalt  }
0x45: {  	_ =	shalt  }
0x46: {  	_ =	shalt  }
0x47: {  	_ =	shalt  }
0x48: {  	_ =	shalt  }
0x49: {  	_ =	shalt  }
0x4a: {  	_ =	shalt  }
0x4b: {  	_ =	shalt  }
0x4c: {  	_ =	shalt  }
0x4d: {  	_ =	shalt  }
0x4e: {  	_ =	shalt  }
0x4f: {  	_ =	shalt  }
0x50: {  	_ =	shalt  }
0x51: {  	_ =	shalt  }
0x52: {  	_ =	shalt  }
0x53: {  	_ =	shalt  }
0x54: {  	_ =	shalt  }
0x55: {  	_ =	shalt  }
0x56: {  	_ =	shalt  }
0x57: {  	_ =	shalt  }
0x58: {  	_ =	shalt  }
0x59: {  	_ =	shalt  }
0x5a: {  	_ =	shalt  }
0x5b: {  	_ =	shalt  }
0x5c: {  	_ =	shalt  }
0x5d: {  	_ =	shalt  }
0x5e: {  	_ =	shalt  }
0x5f: {  	_ =	shalt  }
0x60: {  	_ =	shalt  }
0x61: {  	_ =	shalt  }
0x62: {  	_ =	shalt  }
0x63: {  	_ =	shalt  }
0x64: {  	_ =	shalt  }
0x65: {  	_ =	shalt  }
0x66: {  	_ =	shalt  }
0x67: {  	_ =	shalt  }
0x68: {  	_ =	shalt  }
0x69: {  	_ =	shalt  }
0x6a: {  	_ =	shalt  }
0x6b: {  	_ =	shalt  }
0x6c: {  	_ =	shalt  }
0x6d: {  	_ =	shalt  }
0x6e: {  	_ =	shalt  }
0x6f: {  	_ =	shalt  }
0x70: {  	_ =	shalt  }
0x71: {  	_ =	shalt  }
0x72: {  	_ =	shalt  }
0x73: {  	_ =	shalt  }
0x74: {  	_ =	shalt  }
0x75: {  	_ =	shalt  }
0x76: {  	_ =	shalt  }
0x77: {  	_ =	shalt  }
0x78: {  	_ =	shalt  }
0x79: {  	_ =	shalt  }
0x7a: {  	_ =	shalt  }
0x7b: {  	_ =	shalt  }
0x7c: {  	_ =	shalt  }
0x7d: {  	_ =	shalt  }
0x7e: {  	_ =	shalt  }
0x7f: {  	_ =	shalt  }
0x80: {  	_ =	shalt  }
0x81: {  	_ =	shalt  }
0x82: {  	_ =	shalt  }
0x83: {  	_ =	shalt  }
0x84: {  	_ =	shalt  }
0x85: {  	_ =	shalt  }
0x86: {  	_ =	shalt  }
0x87: {  	_ =	shalt  }
.Lfunc_end0:
.L_simem_size_0:
called_computation_lowered:
.L_overlay_start_0:
0x88: {  	s2 =	sld [smem:$0x3FD9]  }
0x89: {  	s3 =	sld [smem:$0x3FFE];
	_ =	sdelay $0x1  }
0x8a: {  	s1 =	srdreg.scid  }
0x8b: {  	s0 =	sand.u32 $0x1, s1  }
0x8c: {  	s18 =	sshll.u32 s0, $0xA;
	s2 =	sadd.s32 s3, s2  }
0x8d: {  	s2 =	sadd.s32 s2, s18  }
0x8e: {  	[smem:$0x3FC6] =	sst s2  }
0x8f: {  	_ = 	snop  }
0x90: {  	s2 =	sld [smem:$0x3FC9]  }
0x91: {  	s19 =	sld [smem:$0x3FC8]  }
0x92: {  	s4 =	sld [smem:$0x3FD0];
	(tm) =	ssettm $0x1  }
0x93: {  	s5 =	sld [smem:$0x3FFB];
	_ =	sdelay $0x3  }
0x94: {  	_ =	strace s5  }
0x95: {  	s5 =	sld [smem:$0x3FFC];
	_ =	sdelay $0x3  }
0x96: {  	_ =	strace s5  }
0x97: {  	s5 =	sld [smem:$0x3FFD];
	_ =	sdelay $0x3  }
0x98: {  	_ =	strace s5  }
0x99: {  	_ =	strace $0x8FFFFFFF  }
0x9a: {  	s20 =	sld [smem:$0x3FDB];
	_ =	sdelay $0x1  }
0x9b: {  	s6 =	simm.s32 $_scs_section_size  }
0x9c: {  	s7 =	simm.s32 $_size__tile_overlayer_lowered;
	s8 =	simm.s32 $_tile_overlayer_lowered  }
0x9d: {  	s23 =	simm.s32 $0x1BFF;
	s22 =	sshll.u32 s8, $0x1;
	s5 =	sadd.s32 s6, s20  }
0x9e: {  	s9 =	simm.s32 $0x0;
	s21 =	sshll.u32 s7, $0x1;
	s7 =	sadd.s32 s22, s5  }
0x9f: {  	[timem:s9], [sflag:s23] =	dma.local [hbm:s7], s21  }
0xa0: {  	_ =	swait.ge [sflag:s23], s21  }
0xa1: {  	s6 =	ssub.s32 $0x0, s21;
	[sflag:s23] =	ssyncset.done $0x0  }
0xa2: {  	[sflag:s23] =	ssyncadd.s32 s6;
	_ =	sdelay $0x1  }
0xa3: {  	s24 =	simm.s32 $0x1B8B  }
0xa4: {  	_ =	swait.ge [sflag:s24], $0x1  }
0xa5: {  	[sflag:s24] =	ssyncset.done $0x0  }
0xa6: {  	s25 =	simm.s32 $0x1B8E;
	[sflag:s24] =	ssyncadd.s32 $0xFFFFFFFF  }
0xa7: {  	s26 =	simm.s32 $execute0_lowered;
	[smem:$0x3FD2] =	sst s25  }
0xa8: {  	s6 =	sshll.u32 s26, $0x1;
	_ =	strace $0x80000046;
	[dreg:$0x1] =	wrdreg $0xFFFFFFFF  }
0xa9: {  	s28 =	simm.s32 $_size_execute0_lowered;
	s5 =	sadd.s32 s5, s6;
	[dreg:$0x0] =	wrdreg $0x0  }
0xaa: {  	s6 =	sshll.u32 s28, $0x1;
	[dreg:$0x2] =	wrdreg s5  }
0xab: {  	[dreg:$0x3] =	wrdreg s6  }
0xac: {  	[dreg:$0x4] =	wrdreg $0xC0  }
0xad: {  	_ =	task [dreg:s9], $0x5FFFF  }
0xae: {  	[dreg:$0x1] =	wrdreg $0xFFFFFFFF  }
0xaf: {  	[dreg:$0x0] =	wrdreg $0x60  }
0xb0: {  	[dreg:$0x2] =	wrdreg s2  }
0xb1: {  	[dreg:$0x3] =	wrdreg s19  }
0xb2: {  	[dreg:$0x4] =	wrdreg s4  }
0xb3: {  	[dreg:$0x5] =	wrdreg $0x9  }
0xb4: {  	_ =	task.clear_ibuf [dreg:s9], $0x6FFFF;
	_ =	strace $0x90000046  }
0xb5: {  	s29 =	simm.s32 $0x9;
	_ =	strace $0x80000048  }
0xb6: {  	_ =	swait.ge [sflag:s29], $0x1  }
0xb7: {  	[sflag:s29] =	ssyncadd.s32 $0xFFFFFFFF  }
0xb8: {  	_ =	strace $0x90000048  }
0xb9: {  	_ =	sfence  }
0xba: {  	s30 =	sld [smem:$0x0];
	_ =	sdelay $0x2  }
0xbb: {  	s31 =	sshll.u32 s1, $0xD;
	s1 =	sshrl.u32 s1, $0x2  }
0xbc: {  	s3 =	sand.u32 $0x4000, s31;
	s1 =	sadd.s32 s1, s30  }
0xbd: {  	s0 =	sor.u32 s3, s0;
	s1 =	sshll.u32 s1, $0x11  }
0xbe: {  	s0 =	sor.u32 s1, s0  }
0xbf: {  	s0 =	sadd.s32 $0x8F2B, s0  }
0xc0: {  	[sflag:s0] =	ssyncadd.remote.s32 $0x1  }
0xc1: {  	_ =	sfence.sel $0xFFFF  }
0xc2: {  	[dreg:$0x0] =	wrdreg $0xFFFFFFFF;
	(pc) =	sbr.abs _section_cstart, $3  }
0xc3: {  	[dreg:$0x1] =	wrdreg $0xFFFFFFFF  }
0xc4: {  	_ =	task.clear_ibuf [dreg:s9], $0x2FFFF;
	_ =	strace $0x9FFFFFFF  }
0xc5: {  	(tm) =	ssettm $0x7FFFFFFF  }
tec
execute0_lowered:
.L_overlay_start_1:
0x0: {  	(tag) =	ssettag $0x1  }
0x1: {  	s12 =	rddreg [dreg:$0x0]  }
0x2: {  	s13 =	rddreg [dreg:$0x1]  }
0x3: {  	s14 =	rddreg [dreg:$0x2];
	s1 =	srdreg.scid  }
0x4: {  	s0 =	rddreg [dreg:$0x3];
	s2 =	simm.s32 $0x0;
	s17 =	simm.s32 $0x20000  }
0x5: {  	s18 =	simm.s32 $0x6400;
	s19 =	simm.s32 $0x1;
	s20 =	simm.s32 $0x2  }
0x6: {  	s21 =	simm.s32 $0xC800;
	s22 =	simm.s32 $0x3;
	s23 =	simm.s32 $0x0  }
0x7: {  	s3 =	sand.u32 $0x1, s1;
	[smem:$0x7FF] =	sst s2;
	s1 =	stileid.u32  }
0x8: {  	s4 =	ssub.s32 $0x2, s3;
	s6 =	sshll.u32 s1, $0xA;
	s3 =	sshll.u32 s3, $0x9  }
0x9: {  	_ =	strace $0x80000047;
	s5 =	sshrl.u32 s4, $0x1;
	s16 =	sor.u32 s3, s6  }
0xa: {  	s15 =	ssub.s32 s4, s5;
	s3 =	sadd.s32 s12, s16;
	s4 =	sadd.s32 s13, s16  }
0xb: {  	s8 =	sor.u32 $0x80, s16;
	s5 =	sadd.s32 s14, s16;
	s11 =	sor.u32 $0x100, s16  }
0xc: {  	s16 =	sor.u32 $0x180, s16;
	s6 =	sadd.s32 s12, s8;
	s7 =	sadd.s32 s13, s8  }
0xd: {  	s8 =	sadd.s32 s14, s8;
	s9 =	sadd.s32 s12, s11;
	s10 =	sadd.s32 s13, s11  }
0xe: {  	s11 =	sadd.s32 s14, s11;
	s12 =	sadd.s32 s12, s16;
	s13 =	sadd.s32 s13, s16  }
0xf: {  	s14 =	sadd.s32 s14, s16;
	s15 =	smax.u32 s15, $0x1;
	s16 =	simm.s32 $0x400  }
.LBB2_1:
0x10: {  	[tilespmem:s2], [sflag:$0x1] =	stream.strided.gather [hbm4b:s3+s16], $0x6400, s17, s16, $0x38;
	[tilespmem:$0x19000] =	vst v63  }
0x11: {  	_ = 	snop  }
0x12: {  	[tilespmem:s18], [sflag:$0x2] =	stream.strided.gather [hbm4b:s4+s16], $0x6400, s17, s16, $0x38;
	[tilespmem:$0x19000] =	vst v63  }
0x13: {  	_ =	swait.ge [sflag:s19], $0x6400  }
0x14: {  	[sflag:s19] =	ssyncset.done $0x0  }
0x15: {  	[sflag:s19] =	ssyncadd.s32 $0xFFFF9C00  }
0x16: {  	_ =	swait.ge [sflag:s20], $0x6400  }
0x17: {  	[sflag:s20] =	ssyncset.done $0x0  }
0x18: {  	s24 =	simm.s32 $0x0;
	[sflag:s20] =	ssyncadd.s32 $0xFFFF9C00  }
0x19: {  	v0 =	vld [tilespmem:s24+$0x64F0]  }
0x1a: {  	v1 =	vld [tilespmem:s24+$0x0];
	_ =	sdelay $0x2  }
0x1b: {  	v2 =	vld [tilespmem:s24+$0x6400]  }
0x1c: {  	v3 =	vld [tilespmem:s24+$0x10];
	v0 =	vcvt.s32.f32 v0  }
0x1d: {  	v4 =	vld [tilespmem:s24+$0x6410];
	v1 =	vcvt.s32.f32 v1  }
0x1e: {  	v5 =	vld [tilespmem:s24+$0x20];
	v0 =	vmul.f32 $6.666666860e-01, v0  }
0x1f: {  	v6 =	vld [tilespmem:s24+$0x6420];
	v1 =	vmul.f32 $6.666666860e-01, v1  }
0x20: {  	v7 =	vld [tilespmem:s24+$0x30];
	v2 =	vcvt.s32.f32 v2;
	v0 =	vadd.f32 $-1.000000000e+00, v0  }
0x21: {  	v8 =	vld [tilespmem:s24+$0x6430];
	v3 =	vcvt.s32.f32 v3;
	v1 =	vadd.f32 $-1.000000000e+00, v1  }
0x22: {  	v9 =	vld [tilespmem:s24+$0x40];
	v2 =	vmul.f32 $6.666666860e-01, v2;
	[tilespmem:s24+$0x12CF0] =	vst v0;
	v0 =	vcvt.s32.f32 v4  }
0x23: {  	v3 =	vmul.f32 $6.666666860e-01, v3;
	[tilespmem:s24+$0xC800] =	vst v1;
	v1 =	vld [tilespmem:s24+$0x6450];
	v4 =	vcvt.s32.f32 v5  }
0x24: {  	v10 =	vld [tilespmem:s24+$0x6440];
	v2 =	vadd.f32 $-1.000000000e+00, v2;
	v5 =	vcvt.s32.f32 v6;
	v0 =	vmul.f32 $6.666666860e-01, v0  }
0x25: {  	v11 =	vld [tilespmem:s24+$0x50];
	v3 =	vadd.f32 $-1.000000000e+00, v3;
	v6 =	vcvt.s32.f32 v7;
	v4 =	vmul.f32 $6.666666860e-01, v4  }
0x26: {  	[tilespmem:s24+$0x12C00] =	vst v2;
	v2 =	vld [tilespmem:s24+$0x60];
	v7 =	vcvt.s32.f32 v8;
	v5 =	vmul.f32 $6.666666860e-01, v5;
	v0 =	vadd.f32 $-1.000000000e+00, v0  }
0x27: {  	[tilespmem:s24+$0xC810] =	vst v3;
	v3 =	vld [tilespmem:s24+$0x6460];
	v8 =	vcvt.s32.f32 v9;
	v6 =	vmul.f32 $6.666666860e-01, v6;
	v4 =	vadd.f32 $-1.000000000e+00, v4  }
0x28: {  	v7 =	vmul.f32 $6.666666860e-01, v7;
	v5 =	vadd.f32 $-1.000000000e+00, v5;
	v1 =	vcvt.s32.f32 v1;
	[tilespmem:s24+$0x12C10] =	vst v0  }
0x29: {  	v9 =	vcvt.s32.f32 v10;
	v8 =	vmul.f32 $6.666666860e-01, v8;
	v6 =	vadd.f32 $-1.000000000e+00, v6;
	[tilespmem:s24+$0xC820] =	vst v4;
	v4 =	vld [tilespmem:s24+$0x6470]  }
0x2a: {  	v10 =	vcvt.s32.f32 v11;
	v7 =	vadd.f32 $-1.000000000e+00, v7;
	[tilespmem:s24+$0x12C20] =	vst v5;
	v1 =	vmul.f32 $6.666666860e-01, v1  }
0x2b: {  	v9 =	vmul.f32 $6.666666860e-01, v9;
	v8 =	vadd.f32 $-1.000000000e+00, v8;
	v2 =	vcvt.s32.f32 v2;
	v0 =	vld [tilespmem:s24+$0x70];
	[tilespmem:s24+$0xC830] =	vst v6  }
0x2c: {  	v10 =	vmul.f32 $6.666666860e-01, v10;
	v3 =	vcvt.s32.f32 v3;
	v5 =	vld [tilespmem:s24+$0x80];
	[tilespmem:s24+$0x12C30] =	vst v7;
	v1 =	vadd.f32 $-1.000000000e+00, v1  }
0x2d: {  	v9 =	vadd.f32 $-1.000000000e+00, v9;
	v6 =	vld [tilespmem:s24+$0x6480];
	[tilespmem:s24+$0xC840] =	vst v8;
	v2 =	vmul.f32 $6.666666860e-01, v2  }
0x2e: {  	v10 =	vadd.f32 $-1.000000000e+00, v10;
	v7 =	vld [tilespmem:s24+$0x90];
	v3 =	vmul.f32 $6.666666860e-01, v3;
	[tilespmem:s24+$0x12C50] =	vst v1;
	v1 =	vcvt.s32.f32 v4  }
0x2f: {  	v8 =	vld [tilespmem:s24+$0x6490];
	[tilespmem:s24+$0x12C40] =	vst v9;
	v2 =	vadd.f32 $-1.000000000e+00, v2  }
0x30: {  	v9 =	vld [tilespmem:s24+$0xA0];
	[tilespmem:s24+$0xC850] =	vst v10;
	v3 =	vadd.f32 $-1.000000000e+00, v3;
	v0 =	vcvt.s32.f32 v0;
	v1 =	vmul.f32 $6.666666860e-01, v1  }
0x31: {  	v10 =	vld [tilespmem:s24+$0x64A0];
	[tilespmem:s24+$0xC860] =	vst v2;
	v2 =	vcvt.s32.f32 v5  }
0x32: {  	v11 =	vld [tilespmem:s24+$0xB0];
	[tilespmem:s24+$0x12C60] =	vst v3;
	v3 =	vcvt.s32.f32 v6;
	v0 =	vmul.f32 $6.666666860e-01, v0;
	v5 =	vadd.f32 $-1.000000000e+00, v1  }
0x33: {  	v4 =	vld [tilespmem:s24+$0x64B0];
	v6 =	vcvt.s32.f32 v7;
	v2 =	vmul.f32 $6.666666860e-01, v2  }
0x34: {  	v12 =	vld [tilespmem:s24+$0xC0];
	v3 =	vmul.f32 $6.666666860e-01, v3;
	v0 =	vadd.f32 $-1.000000000e+00, v0;
	[tilespmem:s24+$0x12C70] =	vst v5;
	v5 =	vcvt.s32.f32 v8  }
0x35: {  	v7 =	vcvt.s32.f32 v9;
	v6 =	vmul.f32 $6.666666860e-01, v6;
	v1 =	vld [tilespmem:s24+$0x64C0];
	v2 =	vadd.f32 $-1.000000000e+00, v2  }
0x36: {  	v9 =	vcvt.s32.f32 v10;
	v3 =	vadd.f32 $-1.000000000e+00, v3;
	[tilespmem:s24+$0xC870] =	vst v0;
	v0 =	vld [tilespmem:s24+$0xD0];
	v5 =	vmul.f32 $6.666666860e-01, v5  }
0x37: {  	v11 =	vcvt.s32.f32 v11;
	v7 =	vmul.f32 $6.666666860e-01, v7;
	v6 =	vadd.f32 $-1.000000000e+00, v6;
	[tilespmem:s24+$0xC880] =	vst v2;
	v2 =	vld [tilespmem:s24+$0x64D0]  }
0x38: {  	v9 =	vmul.f32 $6.666666860e-01, v9;
	v10 =	vcvt.s32.f32 v4;
	[tilespmem:s24+$0x12C80] =	vst v3;
	v3 =	vld [tilespmem:s24+$0xE0];
	v8 =	vadd.f32 $-1.000000000e+00, v5  }
0x39: {  	s25 =	simm.s32 $0x0;
	s26 =	simm.s32 $0x400;
	v4 =	vld [tilespmem:s24+$0x64E0];
	[tilespmem:s24+$0xC890] =	vst v6;
	v6 =	vmul.f32 $6.666666860e-01, v11;
	v5 =	vadd.f32 $-1.000000000e+00, v7;
	v7 =	vcvt.s32.f32 v12  }
.LBB2_2:
0x3a: {  	s28 =	sshra.s32 s26, $0x2;
	s25 =	sadd.s32 $0x2, s25;
	[tilespmem:s24+$0x12C90] =	vst v8;
	v8 =	vadd.f32 $-1.000000000e+00, v9;
	v9 =	vmul.f32 $6.666666860e-01, v10;
	v1 =	vcvt.s32.f32 v1;
	v10 =	vld [tilespmem:s24+$0xF0]  }
0x3b: {  	v11 =	vld [tilespmem:s28+$0x64F0];
	p0 =	slt.u32 s25, $0xC6;
	[tilespmem:s24+$0xC8A0] =	vst v5;
	v5 =	vadd.f32 $-1.000000000e+00, v6;
	v6 =	vmul.f32 $6.666666860e-01, v7;
	v0 =	vcvt.s32.f32 v0  }
0x3c: {  	v7 =	vld [tilespmem:s28+$0x0];
	[tilespmem:s24+$0x12CA0] =	vst v8;
	v8 =	vadd.f32 $-1.000000000e+00, v9;
	v1 =	vmul.f32 $6.666666860e-01, v1;
	v2 =	vcvt.s32.f32 v2  }
0x3d: {  	v9 =	vld [tilespmem:s28+$0x6400];
	[tilespmem:s24+$0xC8B0] =	vst v5;
	v5 =	vadd.f32 $-1.000000000e+00, v6;
	v0 =	vmul.f32 $6.666666860e-01, v0;
	v3 =	vcvt.s32.f32 v3  }
0x3e: {  	v6 =	vld [tilespmem:s28+$0x10];
	[tilespmem:s24+$0x12CB0] =	vst v8;
	v1 =	vadd.f32 $-1.000000000e+00, v1;
	v2 =	vmul.f32 $6.666666860e-01, v2;
	v4 =	vcvt.s32.f32 v4  }
0x3f: {  	v8 =	vld [tilespmem:s28+$0x6410];
	[tilespmem:s24+$0xC8C0] =	vst v5;
	v0 =	vadd.f32 $-1.000000000e+00, v0;
	v3 =	vmul.f32 $6.666666860e-01, v3;
	v5 =	vcvt.s32.f32 v10  }
0x40: {  	v10 =	vld [tilespmem:s28+$0x20];
	v11 =	vcvt.s32.f32 v11;
	[tilespmem:s24+$0x12CC0] =	vst v1;
	v1 =	vadd.f32 $-1.000000000e+00, v2;
	v2 =	vmul.f32 $6.666666860e-01, v4  }
0x41: {  	v4 =	vcvt.s32.f32 v7;
	v7 =	vld [tilespmem:s28+$0x6420];
	[tilespmem:s24+$0xC8D0] =	vst v0;
	v0 =	vadd.f32 $-1.000000000e+00, v3;
	v3 =	vmul.f32 $6.666666860e-01, v5  }
0x42: {  	v5 =	vcvt.s32.f32 v9;
	v9 =	vld [tilespmem:s28+$0x30];
	v11 =	vmul.f32 $6.666666860e-01, v11;
	[tilespmem:s24+$0x12CD0] =	vst v1;
	v1 =	vadd.f32 $-1.000000000e+00, v2  }
0x43: {  	v2 =	vmul.f32 $6.666666860e-01, v4;
	v4 =	vcvt.s32.f32 v6;
	v6 =	vld [tilespmem:s28+$0x6430];
	[tilespmem:s24+$0xC8E0] =	vst v0;
	v0 =	vadd.f32 $-1.000000000e+00, v3  }
0x44: {  	v3 =	vmul.f32 $6.666666860e-01, v5;
	v5 =	vcvt.s32.f32 v8;
	v8 =	vld [tilespmem:s28+$0x40];
	v11 =	vadd.f32 $-1.000000000e+00, v11;
	[tilespmem:s24+$0x12CE0] =	vst v1  }
0x45: {  	v1 =	vadd.f32 $-1.000000000e+00, v2;
	v2 =	vmul.f32 $6.666666860e-01, v4;
	v4 =	vcvt.s32.f32 v10;
	v10 =	vld [tilespmem:s28+$0x6440];
	[tilespmem:s24+$0xC8F0] =	vst v0;
	s24 =	smov.u32 s28  }
0x46: {  	v0 =	vadd.f32 $-1.000000000e+00, v3;
	v3 =	vmul.f32 $6.666666860e-01, v5;
	v5 =	vcvt.s32.f32 v7;
	v7 =	vld [tilespmem:s24+$0x50];
	[tilespmem:s24+$0x12CF0] =	vst v11  }
0x47: {  	[tilespmem:s24+$0xC800] =	vst v1;
	v1 =	vadd.f32 $-1.000000000e+00, v2;
	v2 =	vmul.f32 $6.666666860e-01, v4;
	v4 =	vcvt.s32.f32 v9;
	v9 =	vld [tilespmem:s24+$0x6450]  }
0x48: {  	[tilespmem:s24+$0x12C00] =	vst v0;
	v0 =	vadd.f32 $-1.000000000e+00, v3;
	v3 =	vmul.f32 $6.666666860e-01, v5;
	v5 =	vcvt.s32.f32 v6;
	v6 =	vld [tilespmem:s24+$0x60]  }
0x49: {  	[tilespmem:s24+$0xC810] =	vst v1;
	v1 =	vadd.f32 $-1.000000000e+00, v2;
	v2 =	vmul.f32 $6.666666860e-01, v4;
	v4 =	vcvt.s32.f32 v8;
	v8 =	vld [tilespmem:s24+$0x6460]  }
0x4a: {  	[tilespmem:s24+$0x12C10] =	vst v0;
	v0 =	vadd.f32 $-1.000000000e+00, v3;
	v3 =	vmul.f32 $6.666666860e-01, v5;
	v5 =	vcvt.s32.f32 v10;
	v10 =	vld [tilespmem:s24+$0x70]  }
0x4b: {  	[tilespmem:s24+$0xC820] =	vst v1;
	v1 =	vadd.f32 $-1.000000000e+00, v2;
	v2 =	vmul.f32 $6.666666860e-01, v4;
	v4 =	vcvt.s32.f32 v7;
	v7 =	vld [tilespmem:s24+$0x6470]  }
0x4c: {  	[tilespmem:s24+$0x12C20] =	vst v0;
	v0 =	vadd.f32 $-1.000000000e+00, v3;
	v3 =	vmul.f32 $6.666666860e-01, v5;
	v5 =	vcvt.s32.f32 v9;
	v9 =	vld [tilespmem:s24+$0x80]  }
0x4d: {  	[tilespmem:s24+$0xC830] =	vst v1;
	v1 =	vadd.f32 $-1.000000000e+00, v2;
	v2 =	vmul.f32 $6.666666860e-01, v4;
	v4 =	vcvt.s32.f32 v6;
	v6 =	vld [tilespmem:s24+$0x6480]  }
0x4e: {  	[tilespmem:s24+$0x12C30] =	vst v0;
	v0 =	vadd.f32 $-1.000000000e+00, v3;
	v3 =	vmul.f32 $6.666666860e-01, v5;
	v5 =	vcvt.s32.f32 v8;
	v8 =	vld [tilespmem:s24+$0x90]  }
0x4f: {  	[tilespmem:s24+$0xC840] =	vst v1;
	v1 =	vadd.f32 $-1.000000000e+00, v2;
	v2 =	vmul.f32 $6.666666860e-01, v4;
	v4 =	vcvt.s32.f32 v10;
	v10 =	vld [tilespmem:s24+$0x6490]  }
0x50: {  	[tilespmem:s24+$0x12C40] =	vst v0;
	v0 =	vadd.f32 $-1.000000000e+00, v3;
	v3 =	vmul.f32 $6.666666860e-01, v5;
	v5 =	vcvt.s32.f32 v7;
	v7 =	vld [tilespmem:s24+$0xA0]  }
0x51: {  	[tilespmem:s24+$0xC850] =	vst v1;
	v1 =	vadd.f32 $-1.000000000e+00, v2;
	v2 =	vmul.f32 $6.666666860e-01, v4;
	v4 =	vcvt.s32.f32 v9;
	v9 =	vld [tilespmem:s24+$0x64A0]  }
0x52: {  	[tilespmem:s24+$0x12C50] =	vst v0;
	v0 =	vadd.f32 $-1.000000000e+00, v3;
	v3 =	vmul.f32 $6.666666860e-01, v5;
	v5 =	vcvt.s32.f32 v6;
	v6 =	vld [tilespmem:s24+$0xB0]  }
0x53: {  	[tilespmem:s24+$0xC860] =	vst v1;
	v1 =	vadd.f32 $-1.000000000e+00, v2;
	v2 =	vmul.f32 $6.666666860e-01, v4;
	v4 =	vcvt.s32.f32 v8;
	v11 =	vld [tilespmem:s24+$0x64B0]  }
0x54: {  	[tilespmem:s24+$0x12C60] =	vst v0;
	v0 =	vadd.f32 $-1.000000000e+00, v3;
	v3 =	vmul.f32 $6.666666860e-01, v5;
	v5 =	vcvt.s32.f32 v10;
	v12 =	vld [tilespmem:s24+$0xC0]  }
.Ltmp0:
0x55: {  	[tilespmem:s24+$0xC870] =	vst v1;
	v2 =	vadd.f32 $-1.000000000e+00, v2;
	v4 =	vmul.f32 $6.666666860e-01, v4;
	v7 =	vcvt.s32.f32 v7;
	v1 =	vld [tilespmem:s24+$0x64C0];
	(pc) =	sbr.rel @p0 .LBB2_2-.Ltmp0, $4  }
0x56: {  	[tilespmem:s24+$0x12C70] =	vst v0;
	v3 =	vadd.f32 $-1.000000000e+00, v3;
	v5 =	vmul.f32 $6.666666860e-01, v5;
	v9 =	vcvt.s32.f32 v9;
	v0 =	vld [tilespmem:s24+$0xD0]  }
0x57: {  	[tilespmem:s24+$0xC880] =	vst v2;
	v4 =	vadd.f32 $-1.000000000e+00, v4;
	v7 =	vmul.f32 $6.666666860e-01, v7;
	v6 =	vcvt.s32.f32 v6;
	v2 =	vld [tilespmem:s24+$0x64D0]  }
0x58: {  	[tilespmem:s24+$0x12C80] =	vst v3;
	v8 =	vadd.f32 $-1.000000000e+00, v5;
	v9 =	vmul.f32 $6.666666860e-01, v9;
	v10 =	vcvt.s32.f32 v11;
	v3 =	vld [tilespmem:s24+$0xE0]  }
0x59: {  	s26 =	sadd.s32 $0x400, s26;
	[tilespmem:s24+$0xC890] =	vst v4;
	v5 =	vadd.f32 $-1.000000000e+00, v7;
	v6 =	vmul.f32 $6.666666860e-01, v6;
	v7 =	vcvt.s32.f32 v12;
	v4 =	vld [tilespmem:s24+$0x64E0]  }
0x5a: {  	[tilespmem:s24+$0x12C90] =	vst v8;
	v8 =	vadd.f32 $-1.000000000e+00, v9;
	v9 =	vmul.f32 $6.666666860e-01, v10;
	v1 =	vcvt.s32.f32 v1;
	v10 =	vld [tilespmem:s24+$0xF0]  }
0x5b: {  	[tilespmem:s24+$0xC8A0] =	vst v5;
	v5 =	vadd.f32 $-1.000000000e+00, v6;
	v6 =	vmul.f32 $6.666666860e-01, v7;
	v0 =	vcvt.s32.f32 v0  }
0x5c: {  	[tilespmem:s24+$0x12CA0] =	vst v8;
	v7 =	vadd.f32 $-1.000000000e+00, v9;
	v1 =	vmul.f32 $6.666666860e-01, v1;
	v2 =	vcvt.s32.f32 v2  }
0x5d: {  	[tilespmem:s24+$0xC8B0] =	vst v5;
	v5 =	vadd.f32 $-1.000000000e+00, v6;
	v0 =	vmul.f32 $6.666666860e-01, v0;
	v3 =	vcvt.s32.f32 v3  }
0x5e: {  	[tilespmem:s24+$0x12CB0] =	vst v7;
	v1 =	vadd.f32 $-1.000000000e+00, v1;
	v2 =	vmul.f32 $6.666666860e-01, v2;
	v4 =	vcvt.s32.f32 v4  }
0x5f: {  	[tilespmem:s24+$0xC8C0] =	vst v5;
	v0 =	vadd.f32 $-1.000000000e+00, v0;
	v3 =	vmul.f32 $6.666666860e-01, v3;
	v5 =	vcvt.s32.f32 v10  }
0x60: {  	[tilespmem:s24+$0x12CC0] =	vst v1;
	v1 =	vadd.f32 $-1.000000000e+00, v2;
	v2 =	vmul.f32 $6.666666860e-01, v4  }
0x61: {  	[tilespmem:s24+$0xC8D0] =	vst v0;
	v0 =	vadd.f32 $-1.000000000e+00, v3;
	v3 =	vmul.f32 $6.666666860e-01, v5  }
0x62: {  	[tilespmem:s24+$0x12CD0] =	vst v1;
	v1 =	vadd.f32 $-1.000000000e+00, v2  }
0x63: {  	[tilespmem:s24+$0xC8E0] =	vst v0;
	v0 =	vadd.f32 $-1.000000000e+00, v3  }
0x64: {  	[tilespmem:s24+$0x12CE0] =	vst v1  }
0x65: {  	[tilespmem:s24+$0xC8F0] =	vst v0  }
0x66: {  	[hbm4b:s5+s16] =	stream.strided.scatter [tilespmem:s21], [sflag:$0x3], $0xC800, s17, s16, $0x38;
	[tilespmem:$0x19000] =	vst v63  }
0x67: {  	s31 =	simm.s32 $0x0  }
0x68: {  	[tilespmem:s31], [sflag:$0x1] =	stream.strided.gather [hbm4b:s6+s16], $0x6400, s17, s16, $0x38;
	[tilespmem:$0x19000] =	vst v63  }
0x69: {  	_ = 	snop  }
0x6a: {  	[tilespmem:s18], [sflag:$0x2] =	stream.strided.gather [hbm4b:s7+s16], $0x6400, s17, s16, $0x38;
	[tilespmem:$0x19000] =	vst v63  }
0x6b: {  	_ =	swait.ge [sflag:s19], $0x6400  }
0x6c: {  	[sflag:s19] =	ssyncset.done $0x0  }
0x6d: {  	[sflag:s19] =	ssyncadd.s32 $0xFFFF9C00  }
0x6e: {  	_ =	swait.ge [sflag:s20], $0x6400  }
0x6f: {  	[sflag:s20] =	ssyncset.done $0x0  }
0x70: {  	[sflag:s20] =	ssyncadd.s32 $0xFFFF9C00  }
0x71: {  	_ =	swait.ge [sflag:s22], $0xC800  }
0x72: {  	[sflag:s22] =	ssyncset.done $0x0  }
0x73: {  	s24 =	simm.s32 $0x0;
	[sflag:s22] =	ssyncadd.s32 $0xFFFF3800  }
0x74: {  	v0 =	vld [tilespmem:s24+$0x64F0]  }
0x75: {  	v1 =	vld [tilespmem:s24+$0x0];
	_ =	sdelay $0x2  }
0x76: {  	v2 =	vld [tilespmem:s24+$0x6400]  }
0x77: {  	v3 =	vld [tilespmem:s24+$0x10];
	v0 =	vcvt.s32.f32 v0  }
0x78: {  	v4 =	vld [tilespmem:s24+$0x6410];
	v1 =	vcvt.s32.f32 v1  }
0x79: {  	v5 =	vld [tilespmem:s24+$0x20];
	v0 =	vmul.f32 $6.666666860e-01, v0  }
0x7a: {  	v6 =	vld [tilespmem:s24+$0x6420];
	v1 =	vmul.f32 $6.666666860e-01, v1  }
0x7b: {  	v7 =	vld [tilespmem:s24+$0x30];
	v2 =	vcvt.s32.f32 v2;
	v0 =	vadd.f32 $-1.000000000e+00, v0  }
0x7c: {  	v8 =	vld [tilespmem:s24+$0x6430];
	v3 =	vcvt.s32.f32 v3;
	v1 =	vadd.f32 $-1.000000000e+00, v1  }
0x7d: {  	v9 =	vld [tilespmem:s24+$0x40];
	v2 =	vmul.f32 $6.666666860e-01, v2;
	[tilespmem:s24+$0x12CF0] =	vst v0;
	v0 =	vcvt.s32.f32 v4  }
0x7e: {  	v3 =	vmul.f32 $6.666666860e-01, v3;
	[tilespmem:s24+$0xC800] =	vst v1;
	v1 =	vld [tilespmem:s24+$0x6450];
	v4 =	vcvt.s32.f32 v5  }
0x7f: {  	v10 =	vld [tilespmem:s24+$0x6440];
	v2 =	vadd.f32 $-1.000000000e+00, v2;
	v5 =	vcvt.s32.f32 v6;
	v0 =	vmul.f32 $6.666666860e-01, v0  }
0x80: {  	v11 =	vld [tilespmem:s24+$0x50];
	v3 =	vadd.f32 $-1.000000000e+00, v3;
	v6 =	vcvt.s32.f32 v7;
	v4 =	vmul.f32 $6.666666860e-01, v4  }
0x81: {  	[tilespmem:s24+$0x12C00] =	vst v2;
	v2 =	vld [tilespmem:s24+$0x60];
	v7 =	vcvt.s32.f32 v8;
	v5 =	vmul.f32 $6.666666860e-01, v5;
	v0 =	vadd.f32 $-1.000000000e+00, v0  }
0x82: {  	[tilespmem:s24+$0xC810] =	vst v3;
	v3 =	vld [tilespmem:s24+$0x6460];
	v8 =	vcvt.s32.f32 v9;
	v6 =	vmul.f32 $6.666666860e-01, v6;
	v4 =	vadd.f32 $-1.000000000e+00, v4  }
0x83: {  	v7 =	vmul.f32 $6.666666860e-01, v7;
	v5 =	vadd.f32 $-1.000000000e+00, v5;
	v1 =	vcvt.s32.f32 v1;
	[tilespmem:s24+$0x12C10] =	vst v0  }
0x84: {  	v9 =	vcvt.s32.f32 v10;
	v8 =	vmul.f32 $6.666666860e-01, v8;
	v6 =	vadd.f32 $-1.000000000e+00, v6;
	[tilespmem:s24+$0xC820] =	vst v4;
	v4 =	vld [tilespmem:s24+$0x6470]  }
0x85: {  	v10 =	vcvt.s32.f32 v11;
	v7 =	vadd.f32 $-1.000000000e+00, v7;
	[tilespmem:s24+$0x12C20] =	vst v5;
	v1 =	vmul.f32 $6.666666860e-01, v1  }
0x86: {  	v9 =	vmul.f32 $6.666666860e-01, v9;
	v8 =	vadd.f32 $-1.000000000e+00, v8;
	v2 =	vcvt.s32.f32 v2;
	v0 =	vld [tilespmem:s24+$0x70];
	[tilespmem:s24+$0xC830] =	vst v6  }
0x87: {  	v10 =	vmul.f32 $6.666666860e-01, v10;
	v3 =	vcvt.s32.f32 v3;
	v5 =	vld [tilespmem:s24+$0x80];
	[tilespmem:s24+$0x12C30] =	vst v7;
	v1 =	vadd.f32 $-1.000000000e+00, v1  }
0x88: {  	v9 =	vadd.f32 $-1.000000000e+00, v9;
	v6 =	vld [tilespmem:s24+$0x6480];
	[tilespmem:s24+$0xC840] =	vst v8;
	v2 =	vmul.f32 $6.666666860e-01, v2  }
0x89: {  	v10 =	vadd.f32 $-1.000000000e+00, v10;
	v7 =	vld [tilespmem:s24+$0x90];
	v3 =	vmul.f32 $6.666666860e-01, v3;
	[tilespmem:s24+$0x12C50] =	vst v1;
	v1 =	vcvt.s32.f32 v4  }
0x8a: {  	v8 =	vld [tilespmem:s24+$0x6490];
	[tilespmem:s24+$0x12C40] =	vst v9;
	v2 =	vadd.f32 $-1.000000000e+00, v2  }
0x8b: {  	v9 =	vld [tilespmem:s24+$0xA0];
	[tilespmem:s24+$0xC850] =	vst v10;
	v3 =	vadd.f32 $-1.000000000e+00, v3;
	v0 =	vcvt.s32.f32 v0;
	v1 =	vmul.f32 $6.666666860e-01, v1  }
0x8c: {  	v10 =	vld [tilespmem:s24+$0x64A0];
	[tilespmem:s24+$0xC860] =	vst v2;
	v2 =	vcvt.s32.f32 v5  }
0x8d: {  	v11 =	vld [tilespmem:s24+$0xB0];
	[tilespmem:s24+$0x12C60] =	vst v3;
	v3 =	vcvt.s32.f32 v6;
	v0 =	vmul.f32 $6.666666860e-01, v0;
	v5 =	vadd.f32 $-1.000000000e+00, v1  }
0x8e: {  	v4 =	vld [tilespmem:s24+$0x64B0];
	v6 =	vcvt.s32.f32 v7;
	v2 =	vmul.f32 $6.666666860e-01, v2  }
0x8f: {  	v12 =	vld [tilespmem:s24+$0xC0];
	v3 =	vmul.f32 $6.666666860e-01, v3;
	v0 =	vadd.f32 $-1.000000000e+00, v0;
	[tilespmem:s24+$0x12C70] =	vst v5;
	v5 =	vcvt.s32.f32 v8  }
0x90: {  	v7 =	vcvt.s32.f32 v9;
	v6 =	vmul.f32 $6.666666860e-01, v6;
	v1 =	vld [tilespmem:s24+$0x64C0];
	v2 =	vadd.f32 $-1.000000000e+00, v2  }
0x91: {  	v9 =	vcvt.s32.f32 v10;
	v3 =	vadd.f32 $-1.000000000e+00, v3;
	[tilespmem:s24+$0xC870] =	vst v0;
	v0 =	vld [tilespmem:s24+$0xD0];
	v5 =	vmul.f32 $6.666666860e-01, v5  }
0x92: {  	v11 =	vcvt.s32.f32 v11;
	v7 =	vmul.f32 $6.666666860e-01, v7;
	v6 =	vadd.f32 $-1.000000000e+00, v6;
	[tilespmem:s24+$0xC880] =	vst v2;
	v2 =	vld [tilespmem:s24+$0x64D0]  }
0x93: {  	v9 =	vmul.f32 $6.666666860e-01, v9;
	v10 =	vcvt.s32.f32 v4;
	[tilespmem:s24+$0x12C80] =	vst v3;
	v3 =	vld [tilespmem:s24+$0xE0];
	v8 =	vadd.f32 $-1.000000000e+00, v5  }
0x94: {  	s25 =	simm.s32 $0x0;
	s26 =	simm.s32 $0x400;
	v4 =	vld [tilespmem:s24+$0x64E0];
	[tilespmem:s24+$0xC890] =	vst v6;
	v6 =	vmul.f32 $6.666666860e-01, v11;
	v5 =	vadd.f32 $-1.000000000e+00, v7;
	v7 =	vcvt.s32.f32 v12  }
.LBB2_4:
0x95: {  	s28 =	sshra.s32 s26, $0x2;
	s25 =	sadd.s32 $0x2, s25;
	[tilespmem:s24+$0x12C90] =	vst v8;
	v8 =	vadd.f32 $-1.000000000e+00, v9;
	v9 =	vmul.f32 $6.666666860e-01, v10;
	v1 =	vcvt.s32.f32 v1;
	v10 =	vld [tilespmem:s24+$0xF0]  }
0x96: {  	v11 =	vld [tilespmem:s28+$0x64F0];
	p0 =	slt.u32 s25, $0xC6;
	[tilespmem:s24+$0xC8A0] =	vst v5;
	v5 =	vadd.f32 $-1.000000000e+00, v6;
	v6 =	vmul.f32 $6.666666860e-01, v7;
	v0 =	vcvt.s32.f32 v0  }
0x97: {  	v7 =	vld [tilespmem:s28+$0x0];
	[tilespmem:s24+$0x12CA0] =	vst v8;
	v8 =	vadd.f32 $-1.000000000e+00, v9;
	v1 =	vmul.f32 $6.666666860e-01, v1;
	v2 =	vcvt.s32.f32 v2  }
0x98: {  	v9 =	vld [tilespmem:s28+$0x6400];
	[tilespmem:s24+$0xC8B0] =	vst v5;
	v5 =	vadd.f32 $-1.000000000e+00, v6;
	v0 =	vmul.f32 $6.666666860e-01, v0;
	v3 =	vcvt.s32.f32 v3  }
0x99: {  	v6 =	vld [tilespmem:s28+$0x10];
	[tilespmem:s24+$0x12CB0] =	vst v8;
	v1 =	vadd.f32 $-1.000000000e+00, v1;
	v2 =	vmul.f32 $6.666666860e-01, v2;
	v4 =	vcvt.s32.f32 v4  }
0x9a: {  	v8 =	vld [tilespmem:s28+$0x6410];
	[tilespmem:s24+$0xC8C0] =	vst v5;
	v0 =	vadd.f32 $-1.000000000e+00, v0;
	v3 =	vmul.f32 $6.666666860e-01, v3;
	v5 =	vcvt.s32.f32 v10  }
0x9b: {  	v10 =	vld [tilespmem:s28+$0x20];
	v11 =	vcvt.s32.f32 v11;
	[tilespmem:s24+$0x12CC0] =	vst v1;
	v1 =	vadd.f32 $-1.000000000e+00, v2;
	v2 =	vmul.f32 $6.666666860e-01, v4  }
0x9c: {  	v4 =	vcvt.s32.f32 v7;
	v7 =	vld [tilespmem:s28+$0x6420];
	[tilespmem:s24+$0xC8D0] =	vst v0;
	v0 =	vadd.f32 $-1.000000000e+00, v3;
	v3 =	vmul.f32 $6.666666860e-01, v5  }
0x9d: {  	v5 =	vcvt.s32.f32 v9;
	v9 =	vld [tilespmem:s28+$0x30];
	v11 =	vmul.f32 $6.666666860e-01, v11;
	[tilespmem:s24+$0x12CD0] =	vst v1;
	v1 =	vadd.f32 $-1.000000000e+00, v2  }
0x9e: {  	v2 =	vmul.f32 $6.666666860e-01, v4;
	v4 =	vcvt.s32.f32 v6;
	v6 =	vld [tilespmem:s28+$0x6430];
	[tilespmem:s24+$0xC8E0] =	vst v0;
	v0 =	vadd.f32 $-1.000000000e+00, v3  }
0x9f: {  	v3 =	vmul.f32 $6.666666860e-01, v5;
	v5 =	vcvt.s32.f32 v8;
	v8 =	vld [tilespmem:s28+$0x40];
	v11 =	vadd.f32 $-1.000000000e+00, v11;
	[tilespmem:s24+$0x12CE0] =	vst v1  }
0xa0: {  	v1 =	vadd.f32 $-1.000000000e+00, v2;
	v2 =	vmul.f32 $6.666666860e-01, v4;
	v4 =	vcvt.s32.f32 v10;
	v10 =	vld [tilespmem:s28+$0x6440];
	[tilespmem:s24+$0xC8F0] =	vst v0;
	s24 =	smov.u32 s28  }
0xa1: {  	v0 =	vadd.f32 $-1.000000000e+00, v3;
	v3 =	vmul.f32 $6.666666860e-01, v5;
	v5 =	vcvt.s32.f32 v7;
	v7 =	vld [tilespmem:s24+$0x50];
	[tilespmem:s24+$0x12CF0] =	vst v11  }
0xa2: {  	[tilespmem:s24+$0xC800] =	vst v1;
	v1 =	vadd.f32 $-1.000000000e+00, v2;
	v2 =	vmul.f32 $6.666666860e-01, v4;
	v4 =	vcvt.s32.f32 v9;
	v9 =	vld [tilespmem:s24+$0x6450]  }
0xa3: {  	[tilespmem:s24+$0x12C00] =	vst v0;
	v0 =	vadd.f32 $-1.000000000e+00, v3;
	v3 =	vmul.f32 $6.666666860e-01, v5;
	v5 =	vcvt.s32.f32 v6;
	v6 =	vld [tilespmem:s24+$0x60]  }
0xa4: {  	[tilespmem:s24+$0xC810] =	vst v1;
	v1 =	vadd.f32 $-1.000000000e+00, v2;
	v2 =	vmul.f32 $6.666666860e-01, v4;
	v4 =	vcvt.s32.f32 v8;
	v8 =	vld [tilespmem:s24+$0x6460]  }
0xa5: {  	[tilespmem:s24+$0x12C10] =	vst v0;
	v0 =	vadd.f32 $-1.000000000e+00, v3;
	v3 =	vmul.f32 $6.666666860e-01, v5;
	v5 =	vcvt.s32.f32 v10;
	v10 =	vld [tilespmem:s24+$0x70]  }
0xa6: {  	[tilespmem:s24+$0xC820] =	vst v1;
	v1 =	vadd.f32 $-1.000000000e+00, v2;
	v2 =	vmul.f32 $6.666666860e-01, v4;
	v4 =	vcvt.s32.f32 v7;
	v7 =	vld [tilespmem:s24+$0x6470]  }
0xa7: {  	[tilespmem:s24+$0x12C20] =	vst v0;
	v0 =	vadd.f32 $-1.000000000e+00, v3;
	v3 =	vmul.f32 $6.666666860e-01, v5;
	v5 =	vcvt.s32.f32 v9;
	v9 =	vld [tilespmem:s24+$0x80]  }
0xa8: {  	[tilespmem:s24+$0xC830] =	vst v1;
	v1 =	vadd.f32 $-1.000000000e+00, v2;
	v2 =	vmul.f32 $6.666666860e-01, v4;
	v4 =	vcvt.s32.f32 v6;
	v6 =	vld [tilespmem:s24+$0x6480]  }
0xa9: {  	[tilespmem:s24+$0x12C30] =	vst v0;
	v0 =	vadd.f32 $-1.000000000e+00, v3;
	v3 =	vmul.f32 $6.666666860e-01, v5;
	v5 =	vcvt.s32.f32 v8;
	v8 =	vld [tilespmem:s24+$0x90]  }
0xaa: {  	[tilespmem:s24+$0xC840] =	vst v1;
	v1 =	vadd.f32 $-1.000000000e+00, v2;
	v2 =	vmul.f32 $6.666666860e-01, v4;
	v4 =	vcvt.s32.f32 v10;
	v10 =	vld [tilespmem:s24+$0x6490]  }
0xab: {  	[tilespmem:s24+$0x12C40] =	vst v0;
	v0 =	vadd.f32 $-1.000000000e+00, v3;
	v3 =	vmul.f32 $6.666666860e-01, v5;
	v5 =	vcvt.s32.f32 v7;
	v7 =	vld [tilespmem:s24+$0xA0]  }
0xac: {  	[tilespmem:s24+$0xC850] =	vst v1;
	v1 =	vadd.f32 $-1.000000000e+00, v2;
	v2 =	vmul.f32 $6.666666860e-01, v4;
	v4 =	vcvt.s32.f32 v9;
	v9 =	vld [tilespmem:s24+$0x64A0]  }
0xad: {  	[tilespmem:s24+$0x12C50] =	vst v0;
	v0 =	vadd.f32 $-1.000000000e+00, v3;
	v3 =	vmul.f32 $6.666666860e-01, v5;
	v5 =	vcvt.s32.f32 v6;
	v6 =	vld [tilespmem:s24+$0xB0]  }
0xae: {  	[tilespmem:s24+$0xC860] =	vst v1;
	v1 =	vadd.f32 $-1.000000000e+00, v2;
	v2 =	vmul.f32 $6.666666860e-01, v4;
	v4 =	vcvt.s32.f32 v8;
	v11 =	vld [tilespmem:s24+$0x64B0]  }
0xaf: {  	[tilespmem:s24+$0x12C60] =	vst v0;
	v0 =	vadd.f32 $-1.000000000e+00, v3;
	v3 =	vmul.f32 $6.666666860e-01, v5;
	v5 =	vcvt.s32.f32 v10;
	v12 =	vld [tilespmem:s24+$0xC0]  }
.Ltmp1:
0xb0: {  	[tilespmem:s24+$0xC870] =	vst v1;
	v2 =	vadd.f32 $-1.000000000e+00, v2;
	v4 =	vmul.f32 $6.666666860e-01, v4;
	v7 =	vcvt.s32.f32 v7;
	v1 =	vld [tilespmem:s24+$0x64C0];
	(pc) =	sbr.rel @p0 .LBB2_4-.Ltmp1, $4  }
0xb1: {  	[tilespmem:s24+$0x12C70] =	vst v0;
	v3 =	vadd.f32 $-1.000000000e+00, v3;
	v5 =	vmul.f32 $6.666666860e-01, v5;
	v9 =	vcvt.s32.f32 v9;
	v0 =	vld [tilespmem:s24+$0xD0]  }
0xb2: {  	[tilespmem:s24+$0xC880] =	vst v2;
	v4 =	vadd.f32 $-1.000000000e+00, v4;
	v7 =	vmul.f32 $6.666666860e-01, v7;
	v6 =	vcvt.s32.f32 v6;
	v2 =	vld [tilespmem:s24+$0x64D0]  }
0xb3: {  	[tilespmem:s24+$0x12C80] =	vst v3;
	v8 =	vadd.f32 $-1.000000000e+00, v5;
	v9 =	vmul.f32 $6.666666860e-01, v9;
	v10 =	vcvt.s32.f32 v11;
	v3 =	vld [tilespmem:s24+$0xE0]  }
0xb4: {  	s26 =	sadd.s32 $0x400, s26;
	[tilespmem:s24+$0xC890] =	vst v4;
	v5 =	vadd.f32 $-1.000000000e+00, v7;
	v6 =	vmul.f32 $6.666666860e-01, v6;
	v7 =	vcvt.s32.f32 v12;
	v4 =	vld [tilespmem:s24+$0x64E0]  }
0xb5: {  	[tilespmem:s24+$0x12C90] =	vst v8;
	v8 =	vadd.f32 $-1.000000000e+00, v9;
	v9 =	vmul.f32 $6.666666860e-01, v10;
	v1 =	vcvt.s32.f32 v1;
	v10 =	vld [tilespmem:s24+$0xF0]  }
0xb6: {  	[tilespmem:s24+$0xC8A0] =	vst v5;
	v5 =	vadd.f32 $-1.000000000e+00, v6;
	v6 =	vmul.f32 $6.666666860e-01, v7;
	v0 =	vcvt.s32.f32 v0  }
0xb7: {  	[tilespmem:s24+$0x12CA0] =	vst v8;
	v7 =	vadd.f32 $-1.000000000e+00, v9;
	v1 =	vmul.f32 $6.666666860e-01, v1;
	v2 =	vcvt.s32.f32 v2  }
0xb8: {  	[tilespmem:s24+$0xC8B0] =	vst v5;
	v5 =	vadd.f32 $-1.000000000e+00, v6;
	v0 =	vmul.f32 $6.666666860e-01, v0;
	v3 =	vcvt.s32.f32 v3  }
0xb9: {  	[tilespmem:s24+$0x12CB0] =	vst v7;
	v1 =	vadd.f32 $-1.000000000e+00, v1;
	v2 =	vmul.f32 $6.666666860e-01, v2;
	v4 =	vcvt.s32.f32 v4  }
0xba: {  	[tilespmem:s24+$0xC8C0] =	vst v5;
	v0 =	vadd.f32 $-1.000000000e+00, v0;
	v3 =	vmul.f32 $6.666666860e-01, v3;
	v5 =	vcvt.s32.f32 v10  }
0xbb: {  	[tilespmem:s24+$0x12CC0] =	vst v1;
	v1 =	vadd.f32 $-1.000000000e+00, v2;
	v2 =	vmul.f32 $6.666666860e-01, v4  }
0xbc: {  	[tilespmem:s24+$0xC8D0] =	vst v0;
	v0 =	vadd.f32 $-1.000000000e+00, v3;
	v3 =	vmul.f32 $6.666666860e-01, v5  }
0xbd: {  	[tilespmem:s24+$0x12CD0] =	vst v1;
	v1 =	vadd.f32 $-1.000000000e+00, v2  }
0xbe: {  	[tilespmem:s24+$0xC8E0] =	vst v0;
	v0 =	vadd.f32 $-1.000000000e+00, v3  }
0xbf: {  	[tilespmem:s24+$0x12CE0] =	vst v1  }
0xc0: {  	[tilespmem:s24+$0xC8F0] =	vst v0  }
0xc1: {  	[hbm4b:s8+s16] =	stream.strided.scatter [tilespmem:s21], [sflag:$0x3], $0xC800, s17, s16, $0x38;
	[tilespmem:$0x19000] =	vst v63  }
0xc2: {  	s31 =	simm.s32 $0x0  }
0xc3: {  	[tilespmem:s31], [sflag:$0x1] =	stream.strided.gather [hbm4b:s9+s16], $0x6400, s17, s16, $0x38;
	[tilespmem:$0x19000] =	vst v63  }
0xc4: {  	_ = 	snop  }
0xc5: {  	[tilespmem:s18], [sflag:$0x2] =	stream.strided.gather [hbm4b:s10+s16], $0x6400, s17, s16, $0x38;
	[tilespmem:$0x19000] =	vst v63  }
0xc6: {  	_ =	swait.ge [sflag:s19], $0x6400  }
0xc7: {  	[sflag:s19] =	ssyncset.done $0x0  }
0xc8: {  	[sflag:s19] =	ssyncadd.s32 $0xFFFF9C00  }
0xc9: {  	_ =	swait.ge [sflag:s20], $0x6400  }
0xca: {  	[sflag:s20] =	ssyncset.done $0x0  }
0xcb: {  	[sflag:s20] =	ssyncadd.s32 $0xFFFF9C00  }
0xcc: {  	_ =	swait.ge [sflag:s22], $0xC800  }
0xcd: {  	[sflag:s22] =	ssyncset.done $0x0  }
0xce: {  	s24 =	simm.s32 $0x0;
	[sflag:s22] =	ssyncadd.s32 $0xFFFF3800  }
0xcf: {  	v0 =	vld [tilespmem:s24+$0x64F0]  }
0xd0: {  	v1 =	vld [tilespmem:s24+$0x0];
	_ =	sdelay $0x2  }
0xd1: {  	v2 =	vld [tilespmem:s24+$0x6400]  }
0xd2: {  	v3 =	vld [tilespmem:s24+$0x10];
	v0 =	vcvt.s32.f32 v0  }
0xd3: {  	v4 =	vld [tilespmem:s24+$0x6410];
	v1 =	vcvt.s32.f32 v1  }
0xd4: {  	v5 =	vld [tilespmem:s24+$0x20];
	v0 =	vmul.f32 $6.666666860e-01, v0  }
0xd5: {  	v6 =	vld [tilespmem:s24+$0x6420];
	v1 =	vmul.f32 $6.666666860e-01, v1  }
0xd6: {  	v7 =	vld [tilespmem:s24+$0x30];
	v2 =	vcvt.s32.f32 v2;
	v0 =	vadd.f32 $-1.000000000e+00, v0  }
0xd7: {  	v8 =	vld [tilespmem:s24+$0x6430];
	v3 =	vcvt.s32.f32 v3;
	v1 =	vadd.f32 $-1.000000000e+00, v1  }
0xd8: {  	v9 =	vld [tilespmem:s24+$0x40];
	v2 =	vmul.f32 $6.666666860e-01, v2;
	[tilespmem:s24+$0x12CF0] =	vst v0;
	v0 =	vcvt.s32.f32 v4  }
0xd9: {  	v3 =	vmul.f32 $6.666666860e-01, v3;
	[tilespmem:s24+$0xC800] =	vst v1;
	v1 =	vld [tilespmem:s24+$0x6450];
	v4 =	vcvt.s32.f32 v5  }
0xda: {  	v10 =	vld [tilespmem:s24+$0x6440];
	v2 =	vadd.f32 $-1.000000000e+00, v2;
	v5 =	vcvt.s32.f32 v6;
	v0 =	vmul.f32 $6.666666860e-01, v0  }
0xdb: {  	v11 =	vld [tilespmem:s24+$0x50];
	v3 =	vadd.f32 $-1.000000000e+00, v3;
	v6 =	vcvt.s32.f32 v7;
	v4 =	vmul.f32 $6.666666860e-01, v4  }
0xdc: {  	[tilespmem:s24+$0x12C00] =	vst v2;
	v2 =	vld [tilespmem:s24+$0x60];
	v7 =	vcvt.s32.f32 v8;
	v5 =	vmul.f32 $6.666666860e-01, v5;
	v0 =	vadd.f32 $-1.000000000e+00, v0  }
0xdd: {  	[tilespmem:s24+$0xC810] =	vst v3;
	v3 =	vld [tilespmem:s24+$0x6460];
	v8 =	vcvt.s32.f32 v9;
	v6 =	vmul.f32 $6.666666860e-01, v6;
	v4 =	vadd.f32 $-1.000000000e+00, v4  }
0xde: {  	v7 =	vmul.f32 $6.666666860e-01, v7;
	v5 =	vadd.f32 $-1.000000000e+00, v5;
	v1 =	vcvt.s32.f32 v1;
	[tilespmem:s24+$0x12C10] =	vst v0  }
0xdf: {  	v9 =	vcvt.s32.f32 v10;
	v8 =	vmul.f32 $6.666666860e-01, v8;
	v6 =	vadd.f32 $-1.000000000e+00, v6;
	[tilespmem:s24+$0xC820] =	vst v4;
	v4 =	vld [tilespmem:s24+$0x6470]  }
0xe0: {  	v10 =	vcvt.s32.f32 v11;
	v7 =	vadd.f32 $-1.000000000e+00, v7;
	[tilespmem:s24+$0x12C20] =	vst v5;
	v1 =	vmul.f32 $6.666666860e-01, v1  }
0xe1: {  	v9 =	vmul.f32 $6.666666860e-01, v9;
	v8 =	vadd.f32 $-1.000000000e+00, v8;
	v2 =	vcvt.s32.f32 v2;
	v0 =	vld [tilespmem:s24+$0x70];
	[tilespmem:s24+$0xC830] =	vst v6  }
0xe2: {  	v10 =	vmul.f32 $6.666666860e-01, v10;
	v3 =	vcvt.s32.f32 v3;
	v5 =	vld [tilespmem:s24+$0x80];
	[tilespmem:s24+$0x12C30] =	vst v7;
	v1 =	vadd.f32 $-1.000000000e+00, v1  }
0xe3: {  	v9 =	vadd.f32 $-1.000000000e+00, v9;
	v6 =	vld [tilespmem:s24+$0x6480];
	[tilespmem:s24+$0xC840] =	vst v8;
	v2 =	vmul.f32 $6.666666860e-01, v2  }
0xe4: {  	v10 =	vadd.f32 $-1.000000000e+00, v10;
	v7 =	vld [tilespmem:s24+$0x90];
	v3 =	vmul.f32 $6.666666860e-01, v3;
	[tilespmem:s24+$0x12C50] =	vst v1;
	v1 =	vcvt.s32.f32 v4  }
0xe5: {  	v8 =	vld [tilespmem:s24+$0x6490];
	[tilespmem:s24+$0x12C40] =	vst v9;
	v2 =	vadd.f32 $-1.000000000e+00, v2  }
0xe6: {  	v9 =	vld [tilespmem:s24+$0xA0];
	[tilespmem:s24+$0xC850] =	vst v10;
	v3 =	vadd.f32 $-1.000000000e+00, v3;
	v0 =	vcvt.s32.f32 v0;
	v1 =	vmul.f32 $6.666666860e-01, v1  }
0xe7: {  	v10 =	vld [tilespmem:s24+$0x64A0];
	[tilespmem:s24+$0xC860] =	vst v2;
	v2 =	vcvt.s32.f32 v5  }
0xe8: {  	v11 =	vld [tilespmem:s24+$0xB0];
	[tilespmem:s24+$0x12C60] =	vst v3;
	v3 =	vcvt.s32.f32 v6;
	v0 =	vmul.f32 $6.666666860e-01, v0;
	v5 =	vadd.f32 $-1.000000000e+00, v1  }
0xe9: {  	v4 =	vld [tilespmem:s24+$0x64B0];
	v6 =	vcvt.s32.f32 v7;
	v2 =	vmul.f32 $6.666666860e-01, v2  }
0xea: {  	v12 =	vld [tilespmem:s24+$0xC0];
	v3 =	vmul.f32 $6.666666860e-01, v3;
	v0 =	vadd.f32 $-1.000000000e+00, v0;
	[tilespmem:s24+$0x12C70] =	vst v5;
	v5 =	vcvt.s32.f32 v8  }
0xeb: {  	v7 =	vcvt.s32.f32 v9;
	v6 =	vmul.f32 $6.666666860e-01, v6;
	v1 =	vld [tilespmem:s24+$0x64C0];
	v2 =	vadd.f32 $-1.000000000e+00, v2  }
0xec: {  	v9 =	vcvt.s32.f32 v10;
	v3 =	vadd.f32 $-1.000000000e+00, v3;
	[tilespmem:s24+$0xC870] =	vst v0;
	v0 =	vld [tilespmem:s24+$0xD0];
	v5 =	vmul.f32 $6.666666860e-01, v5  }
0xed: {  	v11 =	vcvt.s32.f32 v11;
	v7 =	vmul.f32 $6.666666860e-01, v7;
	v6 =	vadd.f32 $-1.000000000e+00, v6;
	[tilespmem:s24+$0xC880] =	vst v2;
	v2 =	vld [tilespmem:s24+$0x64D0]  }
0xee: {  	v9 =	vmul.f32 $6.666666860e-01, v9;
	v10 =	vcvt.s32.f32 v4;
	[tilespmem:s24+$0x12C80] =	vst v3;
	v3 =	vld [tilespmem:s24+$0xE0];
	v8 =	vadd.f32 $-1.000000000e+00, v5  }
0xef: {  	s25 =	simm.s32 $0x0;
	s26 =	simm.s32 $0x400;
	v4 =	vld [tilespmem:s24+$0x64E0];
	[tilespmem:s24+$0xC890] =	vst v6;
	v6 =	vmul.f32 $6.666666860e-01, v11;
	v5 =	vadd.f32 $-1.000000000e+00, v7;
	v7 =	vcvt.s32.f32 v12  }
.LBB2_6:
0xf0: {  	s28 =	sshra.s32 s26, $0x2;
	s25 =	sadd.s32 $0x2, s25;
	[tilespmem:s24+$0x12C90] =	vst v8;
	v8 =	vadd.f32 $-1.000000000e+00, v9;
	v9 =	vmul.f32 $6.666666860e-01, v10;
	v1 =	vcvt.s32.f32 v1;
	v10 =	vld [tilespmem:s24+$0xF0]  }
0xf1: {  	v11 =	vld [tilespmem:s28+$0x64F0];
	p0 =	slt.u32 s25, $0xC6;
	[tilespmem:s24+$0xC8A0] =	vst v5;
	v5 =	vadd.f32 $-1.000000000e+00, v6;
	v6 =	vmul.f32 $6.666666860e-01, v7;
	v0 =	vcvt.s32.f32 v0  }
0xf2: {  	v7 =	vld [tilespmem:s28+$0x0];
	[tilespmem:s24+$0x12CA0] =	vst v8;
	v8 =	vadd.f32 $-1.000000000e+00, v9;
	v1 =	vmul.f32 $6.666666860e-01, v1;
	v2 =	vcvt.s32.f32 v2  }
0xf3: {  	v9 =	vld [tilespmem:s28+$0x6400];
	[tilespmem:s24+$0xC8B0] =	vst v5;
	v5 =	vadd.f32 $-1.000000000e+00, v6;
	v0 =	vmul.f32 $6.666666860e-01, v0;
	v3 =	vcvt.s32.f32 v3  }
0xf4: {  	v6 =	vld [tilespmem:s28+$0x10];
	[tilespmem:s24+$0x12CB0] =	vst v8;
	v1 =	vadd.f32 $-1.000000000e+00, v1;
	v2 =	vmul.f32 $6.666666860e-01, v2;
	v4 =	vcvt.s32.f32 v4  }
0xf5: {  	v8 =	vld [tilespmem:s28+$0x6410];
	[tilespmem:s24+$0xC8C0] =	vst v5;
	v0 =	vadd.f32 $-1.000000000e+00, v0;
	v3 =	vmul.f32 $6.666666860e-01, v3;
	v5 =	vcvt.s32.f32 v10  }
0xf6: {  	v10 =	vld [tilespmem:s28+$0x20];
	v11 =	vcvt.s32.f32 v11;
	[tilespmem:s24+$0x12CC0] =	vst v1;
	v1 =	vadd.f32 $-1.000000000e+00, v2;
	v2 =	vmul.f32 $6.666666860e-01, v4  }
0xf7: {  	v4 =	vcvt.s32.f32 v7;
	v7 =	vld [tilespmem:s28+$0x6420];
	[tilespmem:s24+$0xC8D0] =	vst v0;
	v0 =	vadd.f32 $-1.000000000e+00, v3;
	v3 =	vmul.f32 $6.666666860e-01, v5  }
0xf8: {  	v5 =	vcvt.s32.f32 v9;
	v9 =	vld [tilespmem:s28+$0x30];
	v11 =	vmul.f32 $6.666666860e-01, v11;
	[tilespmem:s24+$0x12CD0] =	vst v1;
	v1 =	vadd.f32 $-1.000000000e+00, v2  }
0xf9: {  	v2 =	vmul.f32 $6.666666860e-01, v4;
	v4 =	vcvt.s32.f32 v6;
	v6 =	vld [tilespmem:s28+$0x6430];
	[tilespmem:s24+$0xC8E0] =	vst v0;
	v0 =	vadd.f32 $-1.000000000e+00, v3  }
0xfa: {  	v3 =	vmul.f32 $6.666666860e-01, v5;
	v5 =	vcvt.s32.f32 v8;
	v8 =	vld [tilespmem:s28+$0x40];
	v11 =	vadd.f32 $-1.000000000e+00, v11;
	[tilespmem:s24+$0x12CE0] =	vst v1  }
0xfb: {  	v1 =	vadd.f32 $-1.000000000e+00, v2;
	v2 =	vmul.f32 $6.666666860e-01, v4;
	v4 =	vcvt.s32.f32 v10;
	v10 =	vld [tilespmem:s28+$0x6440];
	[tilespmem:s24+$0xC8F0] =	vst v0;
	s24 =	smov.u32 s28  }
0xfc: {  	v0 =	vadd.f32 $-1.000000000e+00, v3;
	v3 =	vmul.f32 $6.666666860e-01, v5;
	v5 =	vcvt.s32.f32 v7;
	v7 =	vld [tilespmem:s24+$0x50];
	[tilespmem:s24+$0x12CF0] =	vst v11  }
0xfd: {  	[tilespmem:s24+$0xC800] =	vst v1;
	v1 =	vadd.f32 $-1.000000000e+00, v2;
	v2 =	vmul.f32 $6.666666860e-01, v4;
	v4 =	vcvt.s32.f32 v9;
	v9 =	vld [tilespmem:s24+$0x6450]  }
0xfe: {  	[tilespmem:s24+$0x12C00] =	vst v0;
	v0 =	vadd.f32 $-1.000000000e+00, v3;
	v3 =	vmul.f32 $6.666666860e-01, v5;
	v5 =	vcvt.s32.f32 v6;
	v6 =	vld [tilespmem:s24+$0x60]  }
0xff: {  	[tilespmem:s24+$0xC810] =	vst v1;
	v1 =	vadd.f32 $-1.000000000e+00, v2;
	v2 =	vmul.f32 $6.666666860e-01, v4;
	v4 =	vcvt.s32.f32 v8;
	v8 =	vld [tilespmem:s24+$0x6460]  }
0x100: {  	[tilespmem:s24+$0x12C10] =	vst v0;
	v0 =	vadd.f32 $-1.000000000e+00, v3;
	v3 =	vmul.f32 $6.666666860e-01, v5;
	v5 =	vcvt.s32.f32 v10;
	v10 =	vld [tilespmem:s24+$0x70]  }
0x101: {  	[tilespmem:s24+$0xC820] =	vst v1;
	v1 =	vadd.f32 $-1.000000000e+00, v2;
	v2 =	vmul.f32 $6.666666860e-01, v4;
	v4 =	vcvt.s32.f32 v7;
	v7 =	vld [tilespmem:s24+$0x6470]  }
0x102: {  	[tilespmem:s24+$0x12C20] =	vst v0;
	v0 =	vadd.f32 $-1.000000000e+00, v3;
	v3 =	vmul.f32 $6.666666860e-01, v5;
	v5 =	vcvt.s32.f32 v9;
	v9 =	vld [tilespmem:s24+$0x80]  }
0x103: {  	[tilespmem:s24+$0xC830] =	vst v1;
	v1 =	vadd.f32 $-1.000000000e+00, v2;
	v2 =	vmul.f32 $6.666666860e-01, v4;
	v4 =	vcvt.s32.f32 v6;
	v6 =	vld [tilespmem:s24+$0x6480]  }
0x104: {  	[tilespmem:s24+$0x12C30] =	vst v0;
	v0 =	vadd.f32 $-1.000000000e+00, v3;
	v3 =	vmul.f32 $6.666666860e-01, v5;
	v5 =	vcvt.s32.f32 v8;
	v8 =	vld [tilespmem:s24+$0x90]  }
0x105: {  	[tilespmem:s24+$0xC840] =	vst v1;
	v1 =	vadd.f32 $-1.000000000e+00, v2;
	v2 =	vmul.f32 $6.666666860e-01, v4;
	v4 =	vcvt.s32.f32 v10;
	v10 =	vld [tilespmem:s24+$0x6490]  }
0x106: {  	[tilespmem:s24+$0x12C40] =	vst v0;
	v0 =	vadd.f32 $-1.000000000e+00, v3;
	v3 =	vmul.f32 $6.666666860e-01, v5;
	v5 =	vcvt.s32.f32 v7;
	v7 =	vld [tilespmem:s24+$0xA0]  }
0x107: {  	[tilespmem:s24+$0xC850] =	vst v1;
	v1 =	vadd.f32 $-1.000000000e+00, v2;
	v2 =	vmul.f32 $6.666666860e-01, v4;
	v4 =	vcvt.s32.f32 v9;
	v9 =	vld [tilespmem:s24+$0x64A0]  }
0x108: {  	[tilespmem:s24+$0x12C50] =	vst v0;
	v0 =	vadd.f32 $-1.000000000e+00, v3;
	v3 =	vmul.f32 $6.666666860e-01, v5;
	v5 =	vcvt.s32.f32 v6;
	v6 =	vld [tilespmem:s24+$0xB0]  }
0x109: {  	[tilespmem:s24+$0xC860] =	vst v1;
	v1 =	vadd.f32 $-1.000000000e+00, v2;
	v2 =	vmul.f32 $6.666666860e-01, v4;
	v4 =	vcvt.s32.f32 v8;
	v11 =	vld [tilespmem:s24+$0x64B0]  }
0x10a: {  	[tilespmem:s24+$0x12C60] =	vst v0;
	v0 =	vadd.f32 $-1.000000000e+00, v3;
	v3 =	vmul.f32 $6.666666860e-01, v5;
	v5 =	vcvt.s32.f32 v10;
	v12 =	vld [tilespmem:s24+$0xC0]  }
.Ltmp2:
0x10b: {  	[tilespmem:s24+$0xC870] =	vst v1;
	v2 =	vadd.f32 $-1.000000000e+00, v2;
	v4 =	vmul.f32 $6.666666860e-01, v4;
	v7 =	vcvt.s32.f32 v7;
	v1 =	vld [tilespmem:s24+$0x64C0];
	(pc) =	sbr.rel @p0 .LBB2_6-.Ltmp2, $4  }
0x10c: {  	[tilespmem:s24+$0x12C70] =	vst v0;
	v3 =	vadd.f32 $-1.000000000e+00, v3;
	v5 =	vmul.f32 $6.666666860e-01, v5;
	v9 =	vcvt.s32.f32 v9;
	v0 =	vld [tilespmem:s24+$0xD0]  }
0x10d: {  	[tilespmem:s24+$0xC880] =	vst v2;
	v4 =	vadd.f32 $-1.000000000e+00, v4;
	v7 =	vmul.f32 $6.666666860e-01, v7;
	v6 =	vcvt.s32.f32 v6;
	v2 =	vld [tilespmem:s24+$0x64D0]  }
0x10e: {  	[tilespmem:s24+$0x12C80] =	vst v3;
	v8 =	vadd.f32 $-1.000000000e+00, v5;
	v9 =	vmul.f32 $6.666666860e-01, v9;
	v10 =	vcvt.s32.f32 v11;
	v3 =	vld [tilespmem:s24+$0xE0]  }
0x10f: {  	s26 =	sadd.s32 $0x400, s26;
	[tilespmem:s24+$0xC890] =	vst v4;
	v5 =	vadd.f32 $-1.000000000e+00, v7;
	v6 =	vmul.f32 $6.666666860e-01, v6;
	v7 =	vcvt.s32.f32 v12;
	v4 =	vld [tilespmem:s24+$0x64E0]  }
0x110: {  	[tilespmem:s24+$0x12C90] =	vst v8;
	v8 =	vadd.f32 $-1.000000000e+00, v9;
	v9 =	vmul.f32 $6.666666860e-01, v10;
	v1 =	vcvt.s32.f32 v1;
	v10 =	vld [tilespmem:s24+$0xF0]  }
0x111: {  	[tilespmem:s24+$0xC8A0] =	vst v5;
	v5 =	vadd.f32 $-1.000000000e+00, v6;
	v6 =	vmul.f32 $6.666666860e-01, v7;
	v0 =	vcvt.s32.f32 v0  }
0x112: {  	[tilespmem:s24+$0x12CA0] =	vst v8;
	v7 =	vadd.f32 $-1.000000000e+00, v9;
	v1 =	vmul.f32 $6.666666860e-01, v1;
	v2 =	vcvt.s32.f32 v2  }
0x113: {  	[tilespmem:s24+$0xC8B0] =	vst v5;
	v5 =	vadd.f32 $-1.000000000e+00, v6;
	v0 =	vmul.f32 $6.666666860e-01, v0;
	v3 =	vcvt.s32.f32 v3  }
0x114: {  	[tilespmem:s24+$0x12CB0] =	vst v7;
	v1 =	vadd.f32 $-1.000000000e+00, v1;
	v2 =	vmul.f32 $6.666666860e-01, v2;
	v4 =	vcvt.s32.f32 v4  }
0x115: {  	[tilespmem:s24+$0xC8C0] =	vst v5;
	v0 =	vadd.f32 $-1.000000000e+00, v0;
	v3 =	vmul.f32 $6.666666860e-01, v3;
	v5 =	vcvt.s32.f32 v10  }
0x116: {  	[tilespmem:s24+$0x12CC0] =	vst v1;
	v1 =	vadd.f32 $-1.000000000e+00, v2;
	v2 =	vmul.f32 $6.666666860e-01, v4  }
0x117: {  	[tilespmem:s24+$0xC8D0] =	vst v0;
	v0 =	vadd.f32 $-1.000000000e+00, v3;
	v3 =	vmul.f32 $6.666666860e-01, v5  }
0x118: {  	[tilespmem:s24+$0x12CD0] =	vst v1;
	v1 =	vadd.f32 $-1.000000000e+00, v2  }
0x119: {  	[tilespmem:s24+$0xC8E0] =	vst v0;
	v0 =	vadd.f32 $-1.000000000e+00, v3  }
0x11a: {  	[tilespmem:s24+$0x12CE0] =	vst v1  }
0x11b: {  	[tilespmem:s24+$0xC8F0] =	vst v0  }
0x11c: {  	[hbm4b:s11+s16] =	stream.strided.scatter [tilespmem:s21], [sflag:$0x3], $0xC800, s17, s16, $0x38;
	[tilespmem:$0x19000] =	vst v63  }
0x11d: {  	s31 =	simm.s32 $0x0  }
0x11e: {  	[tilespmem:s31], [sflag:$0x1] =	stream.strided.gather [hbm4b:s12+s16], $0x6400, s17, s16, $0x38;
	[tilespmem:$0x19000] =	vst v63  }
0x11f: {  	_ = 	snop  }
0x120: {  	[tilespmem:s18], [sflag:$0x2] =	stream.strided.gather [hbm4b:s13+s16], $0x6400, s17, s16, $0x38;
	[tilespmem:$0x19000] =	vst v63  }
0x121: {  	_ =	swait.ge [sflag:s19], $0x6400  }
0x122: {  	[sflag:s19] =	ssyncset.done $0x0  }
0x123: {  	[sflag:s19] =	ssyncadd.s32 $0xFFFF9C00  }
0x124: {  	_ =	swait.ge [sflag:s20], $0x6400  }
0x125: {  	[sflag:s20] =	ssyncset.done $0x0  }
0x126: {  	[sflag:s20] =	ssyncadd.s32 $0xFFFF9C00  }
0x127: {  	_ =	swait.ge [sflag:s22], $0xC800  }
0x128: {  	[sflag:s22] =	ssyncset.done $0x0  }
0x129: {  	s24 =	simm.s32 $0x0;
	[sflag:s22] =	ssyncadd.s32 $0xFFFF3800  }
0x12a: {  	v0 =	vld [tilespmem:s24+$0x64F0]  }
0x12b: {  	v1 =	vld [tilespmem:s24+$0x0];
	_ =	sdelay $0x2  }
0x12c: {  	v2 =	vld [tilespmem:s24+$0x6400]  }
0x12d: {  	v3 =	vld [tilespmem:s24+$0x10];
	v0 =	vcvt.s32.f32 v0  }
0x12e: {  	v4 =	vld [tilespmem:s24+$0x6410];
	v1 =	vcvt.s32.f32 v1  }
0x12f: {  	v5 =	vld [tilespmem:s24+$0x20];
	v0 =	vmul.f32 $6.666666860e-01, v0  }
0x130: {  	v6 =	vld [tilespmem:s24+$0x6420];
	v1 =	vmul.f32 $6.666666860e-01, v1  }
0x131: {  	v7 =	vld [tilespmem:s24+$0x30];
	v2 =	vcvt.s32.f32 v2;
	v0 =	vadd.f32 $-1.000000000e+00, v0  }
0x132: {  	v8 =	vld [tilespmem:s24+$0x6430];
	v3 =	vcvt.s32.f32 v3;
	v1 =	vadd.f32 $-1.000000000e+00, v1  }
0x133: {  	v9 =	vld [tilespmem:s24+$0x40];
	v2 =	vmul.f32 $6.666666860e-01, v2;
	[tilespmem:s24+$0x12CF0] =	vst v0;
	v0 =	vcvt.s32.f32 v4  }
0x134: {  	v3 =	vmul.f32 $6.666666860e-01, v3;
	[tilespmem:s24+$0xC800] =	vst v1;
	v1 =	vld [tilespmem:s24+$0x6450];
	v4 =	vcvt.s32.f32 v5  }
0x135: {  	v10 =	vld [tilespmem:s24+$0x6440];
	v2 =	vadd.f32 $-1.000000000e+00, v2;
	v5 =	vcvt.s32.f32 v6;
	v0 =	vmul.f32 $6.666666860e-01, v0  }
0x136: {  	v11 =	vld [tilespmem:s24+$0x50];
	v3 =	vadd.f32 $-1.000000000e+00, v3;
	v6 =	vcvt.s32.f32 v7;
	v4 =	vmul.f32 $6.666666860e-01, v4  }
0x137: {  	[tilespmem:s24+$0x12C00] =	vst v2;
	v2 =	vld [tilespmem:s24+$0x60];
	v7 =	vcvt.s32.f32 v8;
	v5 =	vmul.f32 $6.666666860e-01, v5;
	v0 =	vadd.f32 $-1.000000000e+00, v0  }
0x138: {  	[tilespmem:s24+$0xC810] =	vst v3;
	v3 =	vld [tilespmem:s24+$0x6460];
	v8 =	vcvt.s32.f32 v9;
	v6 =	vmul.f32 $6.666666860e-01, v6;
	v4 =	vadd.f32 $-1.000000000e+00, v4  }
0x139: {  	v7 =	vmul.f32 $6.666666860e-01, v7;
	v5 =	vadd.f32 $-1.000000000e+00, v5;
	v1 =	vcvt.s32.f32 v1;
	[tilespmem:s24+$0x12C10] =	vst v0  }
0x13a: {  	v9 =	vcvt.s32.f32 v10;
	v8 =	vmul.f32 $6.666666860e-01, v8;
	v6 =	vadd.f32 $-1.000000000e+00, v6;
	[tilespmem:s24+$0xC820] =	vst v4;
	v4 =	vld [tilespmem:s24+$0x6470]  }
0x13b: {  	v10 =	vcvt.s32.f32 v11;
	v7 =	vadd.f32 $-1.000000000e+00, v7;
	[tilespmem:s24+$0x12C20] =	vst v5;
	v1 =	vmul.f32 $6.666666860e-01, v1  }
0x13c: {  	v9 =	vmul.f32 $6.666666860e-01, v9;
	v8 =	vadd.f32 $-1.000000000e+00, v8;
	v2 =	vcvt.s32.f32 v2;
	v0 =	vld [tilespmem:s24+$0x70];
	[tilespmem:s24+$0xC830] =	vst v6  }
0x13d: {  	v10 =	vmul.f32 $6.666666860e-01, v10;
	v3 =	vcvt.s32.f32 v3;
	v5 =	vld [tilespmem:s24+$0x80];
	[tilespmem:s24+$0x12C30] =	vst v7;
	v1 =	vadd.f32 $-1.000000000e+00, v1  }
0x13e: {  	v9 =	vadd.f32 $-1.000000000e+00, v9;
	v6 =	vld [tilespmem:s24+$0x6480];
	[tilespmem:s24+$0xC840] =	vst v8;
	v2 =	vmul.f32 $6.666666860e-01, v2  }
0x13f: {  	v10 =	vadd.f32 $-1.000000000e+00, v10;
	v7 =	vld [tilespmem:s24+$0x90];
	v3 =	vmul.f32 $6.666666860e-01, v3;
	[tilespmem:s24+$0x12C50] =	vst v1;
	v1 =	vcvt.s32.f32 v4  }
0x140: {  	v8 =	vld [tilespmem:s24+$0x6490];
	[tilespmem:s24+$0x12C40] =	vst v9;
	v2 =	vadd.f32 $-1.000000000e+00, v2  }
0x141: {  	v9 =	vld [tilespmem:s24+$0xA0];
	[tilespmem:s24+$0xC850] =	vst v10;
	v3 =	vadd.f32 $-1.000000000e+00, v3;
	v0 =	vcvt.s32.f32 v0;
	v1 =	vmul.f32 $6.666666860e-01, v1  }
0x142: {  	v10 =	vld [tilespmem:s24+$0x64A0];
	[tilespmem:s24+$0xC860] =	vst v2;
	v2 =	vcvt.s32.f32 v5  }
0x143: {  	v11 =	vld [tilespmem:s24+$0xB0];
	[tilespmem:s24+$0x12C60] =	vst v3;
	v3 =	vcvt.s32.f32 v6;
	v0 =	vmul.f32 $6.666666860e-01, v0;
	v5 =	vadd.f32 $-1.000000000e+00, v1  }
0x144: {  	v4 =	vld [tilespmem:s24+$0x64B0];
	v6 =	vcvt.s32.f32 v7;
	v2 =	vmul.f32 $6.666666860e-01, v2  }
0x145: {  	v12 =	vld [tilespmem:s24+$0xC0];
	v3 =	vmul.f32 $6.666666860e-01, v3;
	v0 =	vadd.f32 $-1.000000000e+00, v0;
	[tilespmem:s24+$0x12C70] =	vst v5;
	v5 =	vcvt.s32.f32 v8  }
0x146: {  	v7 =	vcvt.s32.f32 v9;
	v6 =	vmul.f32 $6.666666860e-01, v6;
	v1 =	vld [tilespmem:s24+$0x64C0];
	v2 =	vadd.f32 $-1.000000000e+00, v2  }
0x147: {  	v9 =	vcvt.s32.f32 v10;
	v3 =	vadd.f32 $-1.000000000e+00, v3;
	[tilespmem:s24+$0xC870] =	vst v0;
	v0 =	vld [tilespmem:s24+$0xD0];
	v5 =	vmul.f32 $6.666666860e-01, v5  }
0x148: {  	v11 =	vcvt.s32.f32 v11;
	v7 =	vmul.f32 $6.666666860e-01, v7;
	v6 =	vadd.f32 $-1.000000000e+00, v6;
	[tilespmem:s24+$0xC880] =	vst v2;
	v2 =	vld [tilespmem:s24+$0x64D0]  }
0x149: {  	v9 =	vmul.f32 $6.666666860e-01, v9;
	v10 =	vcvt.s32.f32 v4;
	[tilespmem:s24+$0x12C80] =	vst v3;
	v3 =	vld [tilespmem:s24+$0xE0];
	v8 =	vadd.f32 $-1.000000000e+00, v5  }
0x14a: {  	s25 =	simm.s32 $0x0;
	s26 =	simm.s32 $0x400;
	v4 =	vld [tilespmem:s24+$0x64E0];
	[tilespmem:s24+$0xC890] =	vst v6;
	v6 =	vmul.f32 $6.666666860e-01, v11;
	v5 =	vadd.f32 $-1.000000000e+00, v7;
	v7 =	vcvt.s32.f32 v12  }
.LBB2_8:
0x14b: {  	s28 =	sshra.s32 s26, $0x2;
	s25 =	sadd.s32 $0x2, s25;
	[tilespmem:s24+$0x12C90] =	vst v8;
	v8 =	vadd.f32 $-1.000000000e+00, v9;
	v9 =	vmul.f32 $6.666666860e-01, v10;
	v1 =	vcvt.s32.f32 v1;
	v10 =	vld [tilespmem:s24+$0xF0]  }
0x14c: {  	v11 =	vld [tilespmem:s28+$0x64F0];
	p0 =	slt.u32 s25, $0xC6;
	[tilespmem:s24+$0xC8A0] =	vst v5;
	v5 =	vadd.f32 $-1.000000000e+00, v6;
	v6 =	vmul.f32 $6.666666860e-01, v7;
	v0 =	vcvt.s32.f32 v0  }
0x14d: {  	v7 =	vld [tilespmem:s28+$0x0];
	[tilespmem:s24+$0x12CA0] =	vst v8;
	v8 =	vadd.f32 $-1.000000000e+00, v9;
	v1 =	vmul.f32 $6.666666860e-01, v1;
	v2 =	vcvt.s32.f32 v2  }
0x14e: {  	v9 =	vld [tilespmem:s28+$0x6400];
	[tilespmem:s24+$0xC8B0] =	vst v5;
	v5 =	vadd.f32 $-1.000000000e+00, v6;
	v0 =	vmul.f32 $6.666666860e-01, v0;
	v3 =	vcvt.s32.f32 v3  }
0x14f: {  	v6 =	vld [tilespmem:s28+$0x10];
	[tilespmem:s24+$0x12CB0] =	vst v8;
	v1 =	vadd.f32 $-1.000000000e+00, v1;
	v2 =	vmul.f32 $6.666666860e-01, v2;
	v4 =	vcvt.s32.f32 v4  }
0x150: {  	v8 =	vld [tilespmem:s28+$0x6410];
	[tilespmem:s24+$0xC8C0] =	vst v5;
	v0 =	vadd.f32 $-1.000000000e+00, v0;
	v3 =	vmul.f32 $6.666666860e-01, v3;
	v5 =	vcvt.s32.f32 v10  }
0x151: {  	v10 =	vld [tilespmem:s28+$0x20];
	v11 =	vcvt.s32.f32 v11;
	[tilespmem:s24+$0x12CC0] =	vst v1;
	v1 =	vadd.f32 $-1.000000000e+00, v2;
	v2 =	vmul.f32 $6.666666860e-01, v4  }
0x152: {  	v4 =	vcvt.s32.f32 v7;
	v7 =	vld [tilespmem:s28+$0x6420];
	[tilespmem:s24+$0xC8D0] =	vst v0;
	v0 =	vadd.f32 $-1.000000000e+00, v3;
	v3 =	vmul.f32 $6.666666860e-01, v5  }
0x153: {  	v5 =	vcvt.s32.f32 v9;
	v9 =	vld [tilespmem:s28+$0x30];
	v11 =	vmul.f32 $6.666666860e-01, v11;
	[tilespmem:s24+$0x12CD0] =	vst v1;
	v1 =	vadd.f32 $-1.000000000e+00, v2  }
0x154: {  	v2 =	vmul.f32 $6.666666860e-01, v4;
	v4 =	vcvt.s32.f32 v6;
	v6 =	vld [tilespmem:s28+$0x6430];
	[tilespmem:s24+$0xC8E0] =	vst v0;
	v0 =	vadd.f32 $-1.000000000e+00, v3  }
0x155: {  	v3 =	vmul.f32 $6.666666860e-01, v5;
	v5 =	vcvt.s32.f32 v8;
	v8 =	vld [tilespmem:s28+$0x40];
	v11 =	vadd.f32 $-1.000000000e+00, v11;
	[tilespmem:s24+$0x12CE0] =	vst v1  }
0x156: {  	v1 =	vadd.f32 $-1.000000000e+00, v2;
	v2 =	vmul.f32 $6.666666860e-01, v4;
	v4 =	vcvt.s32.f32 v10;
	v10 =	vld [tilespmem:s28+$0x6440];
	[tilespmem:s24+$0xC8F0] =	vst v0;
	s24 =	smov.u32 s28  }
0x157: {  	v0 =	vadd.f32 $-1.000000000e+00, v3;
	v3 =	vmul.f32 $6.666666860e-01, v5;
	v5 =	vcvt.s32.f32 v7;
	v7 =	vld [tilespmem:s24+$0x50];
	[tilespmem:s24+$0x12CF0] =	vst v11  }
0x158: {  	[tilespmem:s24+$0xC800] =	vst v1;
	v1 =	vadd.f32 $-1.000000000e+00, v2;
	v2 =	vmul.f32 $6.666666860e-01, v4;
	v4 =	vcvt.s32.f32 v9;
	v9 =	vld [tilespmem:s24+$0x6450]  }
0x159: {  	[tilespmem:s24+$0x12C00] =	vst v0;
	v0 =	vadd.f32 $-1.000000000e+00, v3;
	v3 =	vmul.f32 $6.666666860e-01, v5;
	v5 =	vcvt.s32.f32 v6;
	v6 =	vld [tilespmem:s24+$0x60]  }
0x15a: {  	[tilespmem:s24+$0xC810] =	vst v1;
	v1 =	vadd.f32 $-1.000000000e+00, v2;
	v2 =	vmul.f32 $6.666666860e-01, v4;
	v4 =	vcvt.s32.f32 v8;
	v8 =	vld [tilespmem:s24+$0x6460]  }
0x15b: {  	[tilespmem:s24+$0x12C10] =	vst v0;
	v0 =	vadd.f32 $-1.000000000e+00, v3;
	v3 =	vmul.f32 $6.666666860e-01, v5;
	v5 =	vcvt.s32.f32 v10;
	v10 =	vld [tilespmem:s24+$0x70]  }
0x15c: {  	[tilespmem:s24+$0xC820] =	vst v1;
	v1 =	vadd.f32 $-1.000000000e+00, v2;
	v2 =	vmul.f32 $6.666666860e-01, v4;
	v4 =	vcvt.s32.f32 v7;
	v7 =	vld [tilespmem:s24+$0x6470]  }
0x15d: {  	[tilespmem:s24+$0x12C20] =	vst v0;
	v0 =	vadd.f32 $-1.000000000e+00, v3;
	v3 =	vmul.f32 $6.666666860e-01, v5;
	v5 =	vcvt.s32.f32 v9;
	v9 =	vld [tilespmem:s24+$0x80]  }
0x15e: {  	[tilespmem:s24+$0xC830] =	vst v1;
	v1 =	vadd.f32 $-1.000000000e+00, v2;
	v2 =	vmul.f32 $6.666666860e-01, v4;
	v4 =	vcvt.s32.f32 v6;
	v6 =	vld [tilespmem:s24+$0x6480]  }
0x15f: {  	[tilespmem:s24+$0x12C30] =	vst v0;
	v0 =	vadd.f32 $-1.000000000e+00, v3;
	v3 =	vmul.f32 $6.666666860e-01, v5;
	v5 =	vcvt.s32.f32 v8;
	v8 =	vld [tilespmem:s24+$0x90]  }
0x160: {  	[tilespmem:s24+$0xC840] =	vst v1;
	v1 =	vadd.f32 $-1.000000000e+00, v2;
	v2 =	vmul.f32 $6.666666860e-01, v4;
	v4 =	vcvt.s32.f32 v10;
	v10 =	vld [tilespmem:s24+$0x6490]  }
0x161: {  	[tilespmem:s24+$0x12C40] =	vst v0;
	v0 =	vadd.f32 $-1.000000000e+00, v3;
	v3 =	vmul.f32 $6.666666860e-01, v5;
	v5 =	vcvt.s32.f32 v7;
	v7 =	vld [tilespmem:s24+$0xA0]  }
0x162: {  	[tilespmem:s24+$0xC850] =	vst v1;
	v1 =	vadd.f32 $-1.000000000e+00, v2;
	v2 =	vmul.f32 $6.666666860e-01, v4;
	v4 =	vcvt.s32.f32 v9;
	v9 =	vld [tilespmem:s24+$0x64A0]  }
0x163: {  	[tilespmem:s24+$0x12C50] =	vst v0;
	v0 =	vadd.f32 $-1.000000000e+00, v3;
	v3 =	vmul.f32 $6.666666860e-01, v5;
	v5 =	vcvt.s32.f32 v6;
	v6 =	vld [tilespmem:s24+$0xB0]  }
0x164: {  	[tilespmem:s24+$0xC860] =	vst v1;
	v1 =	vadd.f32 $-1.000000000e+00, v2;
	v2 =	vmul.f32 $6.666666860e-01, v4;
	v4 =	vcvt.s32.f32 v8;
	v11 =	vld [tilespmem:s24+$0x64B0]  }
0x165: {  	[tilespmem:s24+$0x12C60] =	vst v0;
	v0 =	vadd.f32 $-1.000000000e+00, v3;
	v3 =	vmul.f32 $6.666666860e-01, v5;
	v5 =	vcvt.s32.f32 v10;
	v12 =	vld [tilespmem:s24+$0xC0]  }
.Ltmp3:
0x166: {  	[tilespmem:s24+$0xC870] =	vst v1;
	v2 =	vadd.f32 $-1.000000000e+00, v2;
	v4 =	vmul.f32 $6.666666860e-01, v4;
	v7 =	vcvt.s32.f32 v7;
	v1 =	vld [tilespmem:s24+$0x64C0];
	(pc) =	sbr.rel @p0 .LBB2_8-.Ltmp3, $4  }
0x167: {  	[tilespmem:s24+$0x12C70] =	vst v0;
	v3 =	vadd.f32 $-1.000000000e+00, v3;
	v5 =	vmul.f32 $6.666666860e-01, v5;
	v9 =	vcvt.s32.f32 v9;
	v0 =	vld [tilespmem:s24+$0xD0]  }
0x168: {  	[tilespmem:s24+$0xC880] =	vst v2;
	v4 =	vadd.f32 $-1.000000000e+00, v4;
	v7 =	vmul.f32 $6.666666860e-01, v7;
	v6 =	vcvt.s32.f32 v6;
	v2 =	vld [tilespmem:s24+$0x64D0]  }
0x169: {  	[tilespmem:s24+$0x12C80] =	vst v3;
	v8 =	vadd.f32 $-1.000000000e+00, v5;
	v9 =	vmul.f32 $6.666666860e-01, v9;
	v10 =	vcvt.s32.f32 v11;
	v3 =	vld [tilespmem:s24+$0xE0]  }
0x16a: {  	s26 =	sadd.s32 $0x400, s26;
	[tilespmem:s24+$0xC890] =	vst v4;
	v5 =	vadd.f32 $-1.000000000e+00, v7;
	v6 =	vmul.f32 $6.666666860e-01, v6;
	v7 =	vcvt.s32.f32 v12;
	v4 =	vld [tilespmem:s24+$0x64E0]  }
0x16b: {  	[tilespmem:s24+$0x12C90] =	vst v8;
	v50 =	vadd.f32 $-1.000000000e+00, v9;
	v51 =	vmul.f32 $6.666666860e-01, v10;
	v1 =	vcvt.s32.f32 v1;
	v52 =	vld [tilespmem:s24+$0xF0]  }
0x16c: {  	[tilespmem:s24+$0xC8A0] =	vst v5;
	v53 =	vadd.f32 $-1.000000000e+00, v6;
	v54 =	vmul.f32 $6.666666860e-01, v7;
	v0 =	vcvt.s32.f32 v0  }
0x16d: {  	[tilespmem:s24+$0x12CA0] =	vst v50;
	v55 =	vadd.f32 $-1.000000000e+00, v51;
	v1 =	vmul.f32 $6.666666860e-01, v1;
	v2 =	vcvt.s32.f32 v2  }
0x16e: {  	[tilespmem:s24+$0xC8B0] =	vst v53;
	v56 =	vadd.f32 $-1.000000000e+00, v54;
	v0 =	vmul.f32 $6.666666860e-01, v0;
	v3 =	vcvt.s32.f32 v3  }
0x16f: {  	[tilespmem:s24+$0x12CB0] =	vst v55;
	v1 =	vadd.f32 $-1.000000000e+00, v1;
	v2 =	vmul.f32 $6.666666860e-01, v2;
	v4 =	vcvt.s32.f32 v4  }
0x170: {  	[tilespmem:s24+$0xC8C0] =	vst v56;
	v0 =	vadd.f32 $-1.000000000e+00, v0;
	v3 =	vmul.f32 $6.666666860e-01, v3;
	v57 =	vcvt.s32.f32 v52  }
0x171: {  	[tilespmem:s24+$0x12CC0] =	vst v1;
	v58 =	vadd.f32 $-1.000000000e+00, v2;
	v59 =	vmul.f32 $6.666666860e-01, v4  }
0x172: {  	[tilespmem:s24+$0xC8D0] =	vst v0;
	v60 =	vadd.f32 $-1.000000000e+00, v3;
	v61 =	vmul.f32 $6.666666860e-01, v57  }
0x173: {  	[tilespmem:s24+$0x12CD0] =	vst v58;
	v62 =	vadd.f32 $-1.000000000e+00, v59  }
0x174: {  	s23 =	sadd.s32 $0x1, s23;
	[tilespmem:s24+$0xC8E0] =	vst v60;
	v63 =	vadd.f32 $-1.000000000e+00, v61  }
0x175: {  	p0 =	sne.s32 s23, s15;
	[tilespmem:s24+$0x12CE0] =	vst v62  }
.Ltmp4:
0x176: {  	[tilespmem:s24+$0xC8F0] =	vst v63;
	(pc) =	sbr.rel @p0 .LBB2_1-.Ltmp4, $4  }
0x177: {  	[hbm4b:s14+s16] =	stream.strided.scatter [tilespmem:s21], [sflag:$0x3], $0xC800, s17, s16, $0x38;
	[tilespmem:$0x19000] =	vst v63  }
0x178: {  	_ =	swait.ge [sflag:s22], $0xC800  }
0x179: {  	[sflag:s22] =	ssyncset.done $0x0  }
0x17a: {  	[sflag:s22] =	ssyncadd.s32 $0xFFFF3800  }
0x17b: {  	_ =	sfence.sel $0x180000  }
0x17c: {  	[bflag:$0x0] =	sbarrier.arrive $0xFFFF  }
0x17d: {  	p0 =	sne.s32 s1, $0x0;
	_ =	strace $0x90000047  }
0x17e: {  	s0 =	sadd.s32 @!p0 $0x100000, s0;
	[bflag:$0x2] =	sbarrier.arrive $0xFFFF  }
0x17f: {  	[sflag:s0] =	ssyncadd.tile.s32 @!p0 $0x1;
	_ =	shalt  }
.Lfunc_end2:
_tile_overlayer_lowered:
.L_overlay_start_2:
0x180: {  	(tag) =	ssettag $0x2  }
0x181: {  	s0 =	rddreg [dreg:$0x0];
	s2 =	stileid.u32  }
0x182: {  	s1 =	rddreg [dreg:$0x1];
	p0 =	sne.s32 s2, $0x0  }
0x183: {  	s3 =	rddreg [dreg:$0x2];
	[bflag:$0x3] =	sbarrier.arrive $0xFFFF;
	s2 =	simm.s32 @!p0 $0x1C04  }
0x184: {  	[timem:s3], [sflag:s2] =	dma.local @!p0 [hbm:s0], s1  }
0x185: {  	s0 =	simm.s32 @!p0 $0x4  }
0x186: {  	_ =	swait.ge @!p0 [sflag:s0], s1  }
0x187: {  	s1 =	ssub.s32 @!p0 $0x0, s1;
	[sflag:s0] =	ssyncset.done @!p0 $0x0  }
0x188: {  	[sflag:s0] =	ssyncadd.s32 @!p0 s1  }
0x189: {  	[bflag:$0x3] =	sbarrier.arrive $0xFFFF  }
0x18a: {  	_ =	shalt  }

</sc_bundles>
